<compile_context>
chip_gen: v7x
topology: tpu7x:2x2x1
jax: 0.10.2.dev20260603
libtpu: 0.0.44.dev20260713+nightly
codegen_flags: <defaults>
</compile_context>

<pallas_src>
import jax
import jax.numpy as jnp
from jax import lax
from jax.experimental import pallas as pl
from jax.experimental.pallas import tpu as pltpu
from jax.experimental.pallas import tpu_sc as plsc

NUM_NODES = 100000
DIM = 64
BATCH = 16384
MOM = 0.9

NC = 2
NS = 16
L = 16
NW = NC * NS
BPW = BATCH // NW
POS_BITS = 14
SB = 2048
NSB = BATCH // SB
DMA_ROWS = 128
NJ = BPW // DMA_ROWS
NBUF = 4



def _dense_body(xt_ref, wr_ref, wz_ref, wn_ref, br_ref, bz_ref, bn_ref,
                cn_ref, p_ref):
    xt = xt_ref[...]
    dn = (((0,), (0,)), ((), ()))
    r = jax.nn.sigmoid(
        lax.dot_general(xt, wr_ref[...], dn,
                        preferred_element_type=jnp.float32) + br_ref[...])
    z = jax.nn.sigmoid(
        lax.dot_general(xt, wz_ref[...], dn,
                        preferred_element_type=jnp.float32) + bz_ref[...])
    n = jnp.tanh(
        lax.dot_general(xt, wn_ref[...], dn,
                        preferred_element_type=jnp.float32)
        + bn_ref[...] + r * cn_ref[...])
    h = (1.0 - z) * n
    v = MOM + (1.0 - MOM) * h * h
    p_ref[...] = jnp.concatenate((h, v), axis=1)


def _dense(xt, wr, wz, wn, br, bz, bn, cn):
    blk = 4096
    full = pl.BlockSpec((DIM, DIM), lambda i: (0, 0))
    bias = pl.BlockSpec((1, DIM), lambda i: (0, 0))
    return pl.pallas_call(
        _dense_body,
        grid=(BATCH // blk,),
        in_specs=[pl.BlockSpec((DIM, blk), lambda i: (0, i)),
                  full, full, full, bias, bias, bias, bias],
        out_specs=pl.BlockSpec((blk, 2 * DIM), lambda i: (i, 0)),
        out_shape=jax.ShapeDtypeStruct((BATCH, 2 * DIM), jnp.float32),
    )(xt, wr, wz, wn, br, bz, bn, cn)



_INIT_BLK = 4000


def _init_body(c_ref):
    lane = lax.broadcasted_iota(jnp.int32, (_INIT_BLK, 2 * DIM), 1)
    c_ref[...] = jnp.where(lane < DIM, 0.0, 1.0)


def _init():
    return pl.pallas_call(
        _init_body,
        grid=(NUM_NODES // _INIT_BLK,),
        in_specs=[],
        out_specs=pl.BlockSpec((_INIT_BLK, 2 * DIM), lambda i: (i, 0)),
        out_shape=jax.ShapeDtypeStruct((NUM_NODES, 2 * DIM), jnp.float32),
    )()



_SPLIT_BLK = 8192


def _split_body(c_ref, h_ref, v_ref):
    t = c_ref[...].T
    h_ref[...] = t[:DIM, :]
    v_ref[...] = t[DIM:, :]


def _split(c):
    spec = pl.BlockSpec((DIM, _SPLIT_BLK), lambda i: (0, i))
    return pl.pallas_call(
        _split_body,
        grid=(pl.cdiv(NUM_NODES, _SPLIT_BLK),),
        in_specs=[pl.BlockSpec((_SPLIT_BLK, 2 * DIM), lambda i: (i, 0))],
        out_specs=[spec, spec],
        out_shape=[
            jax.ShapeDtypeStruct((DIM, NUM_NODES), jnp.float32),
            jax.ShapeDtypeStruct((DIM, NUM_NODES), jnp.float32),
        ],
    )(c)



def _shift_up(x):
    idxs = jnp.minimum(lax.iota(jnp.int32, L) + 1, L - 1)
    return lax.gather(
        x, idxs[:, None],
        dimension_numbers=lax.GatherDimensionNumbers(
            offset_dims=(), collapsed_slice_dims=(0,), start_index_map=(0,)),
        slice_sizes=(1,),
        mode=lax.GatherScatterMode.PROMISE_IN_BOUNDS)


def _sca_body(idx_hbm, g_out,
              w_ref, ibuf, sidx, sg, sem_a, sem_b, sem_i, sem_o):
    wid = lax.axis_index("s") * NC + lax.axis_index("c")
    iota = lax.iota(jnp.int32, L)
    lane_last = iota == (L - 1)

    first = pltpu.async_copy(idx_hbm.at[pl.ds(0, SB)], ibuf.at[0], sem_a)
    for sb in range(NSB):
        if sb + 1 < NSB:
            pltpu.async_copy(
                idx_hbm.at[pl.ds((sb + 1) * SB, SB)],
                ibuf.at[(sb + 1) % 2],
                sem_b if (sb + 1) % 2 else sem_a)
        if sb == 0:
            first.wait()
        else:
            pltpu.make_async_copy(
                idx_hbm.at[pl.ds(sb * SB, SB)], ibuf.at[sb % 2],
                sem_b if sb % 2 else sem_a).wait()

        @pl.loop(0, SB // L, unroll=4)
        def _scan(c, _sb=sb):
            iv = ibuf[_sb % 2, pl.ds(c * L, L)]
            pos = iota + (_sb * SB + c * L)
            plsc.store_scatter(w_ref, [iv], pos)
            rb = plsc.load_gather(w_ref, [iv])
            plsc.store_scatter(w_ref, [iv], pos, mask=rb < pos)
            rb2 = plsc.load_gather(w_ref, [iv])
            plsc.store_scatter(w_ref, [iv], pos, mask=rb2 < pos)

    base = wid * BPW
    cp = pltpu.async_copy(idx_hbm.at[pl.ds(base, BPW)], sidx, sem_i)
    cp.wait()

    @pl.loop(0, BPW // L, unroll=4)
    def _gmap(k):
        iv = sidx[pl.ds(k * L, L)]
        sg[pl.ds(k * L, L)] = plsc.load_gather(w_ref, [iv])

    pltpu.async_copy(sg, g_out.at[pl.ds(base, BPW)], sem_o).wait()


_sc_winner = pl.kernel(
    _sca_body,
    out_type=jax.ShapeDtypeStruct((BATCH,), jnp.int32),
    mesh=plsc.VectorSubcoreMesh(core_axis_name="c", subcore_axis_name="s"),
    compiler_params=pltpu.CompilerParams(needs_layout_passes=False),
    scratch_types=[
        pltpu.VMEM((NUM_NODES,), jnp.int32),
        pltpu.VMEM((2, SB), jnp.int32),
        pltpu.VMEM((BPW,), jnp.int32),
        pltpu.VMEM((BPW,), jnp.int32),
        pltpu.SemaphoreType.DMA,
        pltpu.SemaphoreType.DMA,
        pltpu.SemaphoreType.DMA,
        pltpu.SemaphoreType.DMA,
    ],
)


def _scb_body(idx_hbm, g_hbm, p_hbm, cout,
              sidx, sg, pbuf, sem_i, sem_g, sem_s):
    wid = lax.axis_index("s") * NC + lax.axis_index("c")
    base = wid * BPW
    cps = [
        pltpu.async_copy(
            idx_hbm.at[pl.ds(base + j * DMA_ROWS, DMA_ROWS)],
            sidx.at[j], sem_i)
        for j in range(NJ)
    ] + [
        pltpu.async_copy(
            g_hbm.at[pl.ds(base + j * DMA_ROWS, DMA_ROWS)],
            sg.at[j], sem_i)
        for j in range(NJ)
    ]
    for cp in cps:
        cp.wait()

    gathers = [None] * NJ
    scatters = [None] * NJ
    for j in range(min(NBUF, NJ)):
        gathers[j] = pltpu.async_copy(p_hbm.at[sg.at[j]], pbuf.at[j], sem_g)
    for j in range(NJ):
        if j >= 1 and j - 1 + NBUF < NJ:
            scatters[j - 1].wait()
            gathers[j - 1 + NBUF] = pltpu.async_copy(
                p_hbm.at[sg.at[j - 1 + NBUF]],
                pbuf.at[(j - 1 + NBUF) % NBUF], sem_g)
        gathers[j].wait()
        scatters[j] = pltpu.async_copy(
            pbuf.at[j % NBUF], cout.at[sidx.at[j]], sem_s)
    for j in range(max(0, NJ - NBUF), NJ):
        scatters[j].wait()


_sc_move = pl.kernel(
    _scb_body,
    out_type=(),
    mesh=plsc.VectorSubcoreMesh(core_axis_name="c", subcore_axis_name="s"),
    compiler_params=pltpu.CompilerParams(needs_layout_passes=False),
    scratch_types=[
        pltpu.VMEM((NJ, DMA_ROWS), jnp.int32),
        pltpu.VMEM((NJ, DMA_ROWS), jnp.int32),
        pltpu.VMEM((NBUF, DMA_ROWS, 2 * DIM), jnp.float32),
        pltpu.SemaphoreType.DMA,
        pltpu.SemaphoreType.DMA,
        pltpu.SemaphoreType.DMA,
    ],
)



def kernel(idx, new_repr, hidden, variance, weight_ih, weight_hh, bias_ih,
           bias_hh):
    wt = weight_ih.T
    wr, wz, wn = wt[:, :DIM], wt[:, DIM:2 * DIM], wt[:, 2 * DIM:]
    br = (bias_ih[:DIM] + bias_hh[:DIM]).reshape(1, DIM)
    bz = (bias_ih[DIM:2 * DIM] + bias_hh[DIM:2 * DIM]).reshape(1, DIM)
    bn = bias_ih[2 * DIM:].reshape(1, DIM)
    cn = bias_hh[2 * DIM:].reshape(1, DIM)

    g = _sc_winner(idx)
    p = _dense(new_repr.T, wr, wz, wn, br, bz, bn, cn)
    c0 = _init()
    c_ref = jax.new_ref(c0)
    _sc_move(idx, g, p, c_ref)
    ht, vt = _split(c_ref[...])
    return (ht.T, vt.T)

# --- scband reference (transcript-rebuilt; emitter-appended) ---
"""Pipeline reference for scband-recurrent-node-memory-76836964926328 (READ-ONLY COPY).

The authoritative reference and input builder live on the scoring server;
editing this copy changes nothing except your own understanding.
"""

import jax, jax.numpy as jnp
import numpy as np

NUM_NODES = 100000
DIM = 64
BATCH = 16384
MOMENTUM = 0.9


def gru_cell(x, h, w_ih, w_hh, b_ih, b_hh):
    # PyTorch nn.GRUCell semantics
    gi = x @ w_ih.T + b_ih
    gh = h @ w_hh.T + b_hh
    i_r, i_z, i_n = jnp.split(gi, 3, axis=1)
    h_r, h_z, h_n = jnp.split(gh, 3, axis=1)
    r = jax.nn.sigmoid(i_r + h_r)
    z = jax.nn.sigmoid(i_z + h_z)
    n = jnp.tanh(i_n + r * h_n)
    return (1.0 - z) * n + z * h


def setup_inputs(seed: int = 0):
    key = jax.random.key(seed)
    k1, k2, k3, k4, k5, k6 = jax.random.split(key, 6)
    s = 1.0 / np.sqrt(DIM)
    idx = jax.random.randint(k1, (BATCH,), 0, NUM_NODES, dtype=jnp.int32)
    new_repr = jax.random.normal(k2, (BATCH, DIM), dtype=jnp.float32)
    hidden = jnp.zeros((NUM_NODES, DIM), dtype=jnp.float32)
    variance = jnp.ones((NUM_NODES, DIM), dtype=jnp.float32)
    weight_ih = jax.random.uniform(k3, (3 * DIM, DIM), minval=-s, maxval=s, dtype=jnp.float32)
    weight_hh = jax.random.uniform(k4, (3 * DIM, DIM), minval=-s, maxval=s, dtype=jnp.float32)
    bias_ih = jax.random.uniform(k5, (3 * DIM,), minval=-s, maxval=s, dtype=jnp.float32)
    bias_hh = jax.random.uniform(k6, (3 * DIM,), minval=-s, maxval=s, dtype=jnp.float32)
    return {"idx": idx, "new_repr": new_repr, "hidden": hidden, "variance": variance,
            "weight_ih": weight_ih, "weight_hh": weight_hh, "bias_ih": bias_ih, "bias_hh": bias_hh}


def reference(idx, new_repr, hidden, variance, weight_ih, weight_hh, bias_ih, bias_hh):
    # write(idx, new_repr): gather state, GRU update, EMA variance update, scatter back
    h_prev = hidden[idx]
    h_new = gru_cell(new_repr, h_prev, weight_ih, weight_hh, bias_ih, bias_hh)
    delta = h_new - h_prev
    var_rows = MOMENTUM * variance[idx] + (1.0 - MOMENTUM) * delta ** 2
    variance_new = variance.at[idx].set(var_rows)
    hidden_new = hidden.at[idx].set(h_new)
    return (hidden_new, variance_new)

if __name__ == "__main__":
    import jax
    _d = setup_inputs()
    print(jax.jit(kernel)(*tuple(_d.values())))

</pallas_src>

<mosaic_0001>
#map = affine_map<(d0, d1) -> (0)>
#map1 = affine_map<(d0, d1) -> (0, 0)>
module attributes {stable_mosaic.version = 14 : i64} {
  func.func @new_body(%arg0: i32, %arg1: i32, %arg2: memref<16384xi32, #tpu.memory_space<hbm>>, %arg3: memref<16384xi32, #tpu.memory_space<hbm>>, %arg4: memref<16384x128xf32, #tpu.memory_space<hbm>>, %arg5: memref<100000x128xf32, #tpu.memory_space<hbm>>, %arg6: memref<100000x128xf32, #tpu.memory_space<hbm>>, %arg7: memref<4x128xi32, #tpu.memory_space<vmem>>, %arg8: memref<4x128xi32, #tpu.memory_space<vmem>>, %arg9: memref<4x128x128xf32, #tpu.memory_space<vmem>>, %arg10: memref<!tpu.dma_semaphore, #tpu.memory_space<semaphore_mem>>, %arg11: memref<!tpu.dma_semaphore, #tpu.memory_space<semaphore_mem>>, %arg12: memref<!tpu.dma_semaphore, #tpu.memory_space<semaphore_mem>>) attributes {dimension_semantics = [#tpu.dimension_semantics<core_parallel>, #tpu.dimension_semantics<subcore_parallel>], iteration_bounds = array<i64: 2, 16>, scalar_prefetch = 0 : i64, scratch_operands = 6 : i64, tpu.core_type = #tpu.core_type<sc_vector_subcore>, window_params = [{transform_indices = #map}, {transform_indices = #map}, {transform_indices = #map1}, {transform_indices = #map1}, {transform_indices = #map1}]} {
    %mul3A = arith.constant 2 : i32
    %mul3A_0 = arith.muli %arg1, %mul3A : i32
    %add3A = arith.addi %mul3A_0, %arg0 : i32
    %mul3A_1 = arith.constant 512 : i32
    %mul3A_2 = arith.muli %add3A, %mul3A_1 : i32
    %add3A_3 = arith.constant 0 : i32
    %add3A_4 = arith.addi %mul3A_2, %add3A_3 : i32
    %dma_start3A = arith.constant 0 : i32
    %dma_start3A_5 = arith.constant 0 : i32
    %dma_start3A_6 = tpu.memref_slice %arg7[%dma_start3A, %dma_start3A_5] : memref<4x128xi32, #tpu.memory_space<vmem>> -> memref<1x128xi32, #tpu.memory_space<vmem>>
    %dma_start3A_7 = tpu.memref_squeeze %dma_start3A_6 : memref<1x128xi32, #tpu.memory_space<vmem>> -> memref<128xi32, #tpu.memory_space<vmem>>
    %dma_start3A_8 = tpu.memref_slice %arg2[%add3A_4] : memref<16384xi32, #tpu.memory_space<hbm>> -> memref<128xi32, #tpu.memory_space<hbm>>
    %dma_start3A_9 = arith.constant 0 : i32
    %dma_start3A_10 = tpu.memref_slice %arg7[%dma_start3A, %dma_start3A_9] : memref<4x128xi32, #tpu.memory_space<vmem>> -> memref<1x128xi32, #tpu.memory_space<vmem>>
    %dma_start3A_11 = tpu.memref_squeeze %dma_start3A_10 : memref<1x128xi32, #tpu.memory_space<vmem>> -> memref<128xi32, #tpu.memory_space<vmem>>
    %dma_start3A_12 = tpu.memref_slice %arg2[%add3A_4] : memref<16384xi32, #tpu.memory_space<hbm>> -> memref<128xi32, #tpu.memory_space<hbm>>
    tpu.enqueue_dma source(%dma_start3A_12 : memref<128xi32, #tpu.memory_space<hbm>>) target(%dma_start3A_11 : memref<128xi32, #tpu.memory_space<vmem>>) target_semaphore(%arg10 : memref<!tpu.dma_semaphore, #tpu.memory_space<semaphore_mem>>)
    %add3A_13 = arith.constant 128 : i32
    %add3A_14 = arith.addi %mul3A_2, %add3A_13 : i32
    %dma_start3A_15 = arith.constant 1 : i32
    %dma_start3A_16 = arith.constant 0 : i32
    %dma_start3A_17 = tpu.memref_slice %arg7[%dma_start3A_15, %dma_start3A_16] : memref<4x128xi32, #tpu.memory_space<vmem>> -> memref<1x128xi32, #tpu.memory_space<vmem>>
    %dma_start3A_18 = tpu.memref_squeeze %dma_start3A_17 : memref<1x128xi32, #tpu.memory_space<vmem>> -> memref<128xi32, #tpu.memory_space<vmem>>
    %dma_start3A_19 = tpu.memref_slice %arg2[%add3A_14] : memref<16384xi32, #tpu.memory_space<hbm>> -> memref<128xi32, #tpu.memory_space<hbm>>
    %dma_start3A_20 = arith.constant 0 : i32
    %dma_start3A_21 = tpu.memref_slice %arg7[%dma_start3A_15, %dma_start3A_20] : memref<4x128xi32, #tpu.memory_space<vmem>> -> memref<1x128xi32, #tpu.memory_space<vmem>>
    %dma_start3A_22 = tpu.memref_squeeze %dma_start3A_21 : memref<1x128xi32, #tpu.memory_space<vmem>> -> memref<128xi32, #tpu.memory_space<vmem>>
    %dma_start3A_23 = tpu.memref_slice %arg2[%add3A_14] : memref<16384xi32, #tpu.memory_space<hbm>> -> memref<128xi32, #tpu.memory_space<hbm>>
    tpu.enqueue_dma source(%dma_start3A_23 : memref<128xi32, #tpu.memory_space<hbm>>) target(%dma_start3A_22 : memref<128xi32, #tpu.memory_space<vmem>>) target_semaphore(%arg10 : memref<!tpu.dma_semaphore, #tpu.memory_space<semaphore_mem>>)
    %add3A_24 = arith.constant 256 : i32
    %add3A_25 = arith.addi %mul3A_2, %add3A_24 : i32
    %dma_start3A_26 = arith.constant 2 : i32
    %dma_start3A_27 = arith.constant 0 : i32
    %dma_start3A_28 = tpu.memref_slice %arg7[%dma_start3A_26, %dma_start3A_27] : memref<4x128xi32, #tpu.memory_space<vmem>> -> memref<1x128xi32, #tpu.memory_space<vmem>>
    %dma_start3A_29 = tpu.memref_squeeze %dma_start3A_28 : memref<1x128xi32, #tpu.memory_space<vmem>> -> memref<128xi32, #tpu.memory_space<vmem>>
    %dma_start3A_30 = tpu.memref_slice %arg2[%add3A_25] : memref<16384xi32, #tpu.memory_space<hbm>> -> memref<128xi32, #tpu.memory_space<hbm>>
    %dma_start3A_31 = arith.constant 0 : i32
    %dma_start3A_32 = tpu.memref_slice %arg7[%dma_start3A_26, %dma_start3A_31] : memref<4x128xi32, #tpu.memory_space<vmem>> -> memref<1x128xi32, #tpu.memory_space<vmem>>
    %dma_start3A_33 = tpu.memref_squeeze %dma_start3A_32 : memref<1x128xi32, #tpu.memory_space<vmem>> -> memref<128xi32, #tpu.memory_space<vmem>>
    %dma_start3A_34 = tpu.memref_slice %arg2[%add3A_25] : memref<16384xi32, #tpu.memory_space<hbm>> -> memref<128xi32, #tpu.memory_space<hbm>>
    tpu.enqueue_dma source(%dma_start3A_34 : memref<128xi32, #tpu.memory_space<hbm>>) target(%dma_start3A_33 : memref<128xi32, #tpu.memory_space<vmem>>) target_semaphore(%arg10 : memref<!tpu.dma_semaphore, #tpu.memory_space<semaphore_mem>>)
    %add3A_35 = arith.constant 384 : i32
    %add3A_36 = arith.addi %mul3A_2, %add3A_35 : i32
    %dma_start3A_37 = arith.constant 3 : i32
    %dma_start3A_38 = arith.constant 0 : i32
    %dma_start3A_39 = tpu.memref_slice %arg7[%dma_start3A_37, %dma_start3A_38] : memref<4x128xi32, #tpu.memory_space<vmem>> -> memref<1x128xi32, #tpu.memory_space<vmem>>
    %dma_start3A_40 = tpu.memref_squeeze %dma_start3A_39 : memref<1x128xi32, #tpu.memory_space<vmem>> -> memref<128xi32, #tpu.memory_space<vmem>>
    %dma_start3A_41 = tpu.memref_slice %arg2[%add3A_36] : memref<16384xi32, #tpu.memory_space<hbm>> -> memref<128xi32, #tpu.memory_space<hbm>>
    %dma_start3A_42 = arith.constant 0 : i32
    %dma_start3A_43 = tpu.memref_slice %arg7[%dma_start3A_37, %dma_start3A_42] : memref<4x128xi32, #tpu.memory_space<vmem>> -> memref<1x128xi32, #tpu.memory_space<vmem>>
    %dma_start3A_44 = tpu.memref_squeeze %dma_start3A_43 : memref<1x128xi32, #tpu.memory_space<vmem>> -> memref<128xi32, #tpu.memory_space<vmem>>
    %dma_start3A_45 = tpu.memref_slice %arg2[%add3A_36] : memref<16384xi32, #tpu.memory_space<hbm>> -> memref<128xi32, #tpu.memory_space<hbm>>
    tpu.enqueue_dma source(%dma_start3A_45 : memref<128xi32, #tpu.memory_space<hbm>>) target(%dma_start3A_44 : memref<128xi32, #tpu.memory_space<vmem>>) target_semaphore(%arg10 : memref<!tpu.dma_semaphore, #tpu.memory_space<semaphore_mem>>)
    %add3A_46 = arith.constant 0 : i32
    %add3A_47 = arith.addi %mul3A_2, %add3A_46 : i32
    %dma_start3A_48 = arith.constant 0 : i32
    %dma_start3A_49 = arith.constant 0 : i32
    %dma_start3A_50 = tpu.memref_slice %arg8[%dma_start3A_48, %dma_start3A_49] : memref<4x128xi32, #tpu.memory_space<vmem>> -> memref<1x128xi32, #tpu.memory_space<vmem>>
    %dma_start3A_51 = tpu.memref_squeeze %dma_start3A_50 : memref<1x128xi32, #tpu.memory_space<vmem>> -> memref<128xi32, #tpu.memory_space<vmem>>
    %dma_start3A_52 = tpu.memref_slice %arg3[%add3A_47] : memref<16384xi32, #tpu.memory_space<hbm>> -> memref<128xi32, #tpu.memory_space<hbm>>
    %dma_start3A_53 = arith.constant 0 : i32
    %dma_start3A_54 = tpu.memref_slice %arg8[%dma_start3A_48, %dma_start3A_53] : memref<4x128xi32, #tpu.memory_space<vmem>> -> memref<1x128xi32, #tpu.memory_space<vmem>>
    %dma_start3A_55 = tpu.memref_squeeze %dma_start3A_54 : memref<1x128xi32, #tpu.memory_space<vmem>> -> memref<128xi32, #tpu.memory_space<vmem>>
    %dma_start3A_56 = tpu.memref_slice %arg3[%add3A_47] : memref<16384xi32, #tpu.memory_space<hbm>> -> memref<128xi32, #tpu.memory_space<hbm>>
    tpu.enqueue_dma source(%dma_start3A_56 : memref<128xi32, #tpu.memory_space<hbm>>) target(%dma_start3A_55 : memref<128xi32, #tpu.memory_space<vmem>>) target_semaphore(%arg10 : memref<!tpu.dma_semaphore, #tpu.memory_space<semaphore_mem>>)
    %add3A_57 = arith.constant 128 : i32
    %add3A_58 = arith.addi %mul3A_2, %add3A_57 : i32
    %dma_start3A_59 = arith.constant 1 : i32
    %dma_start3A_60 = arith.constant 0 : i32
    %dma_start3A_61 = tpu.memref_slice %arg8[%dma_start3A_59, %dma_start3A_60] : memref<4x128xi32, #tpu.memory_space<vmem>> -> memref<1x128xi32, #tpu.memory_space<vmem>>
    %dma_start3A_62 = tpu.memref_squeeze %dma_start3A_61 : memref<1x128xi32, #tpu.memory_space<vmem>> -> memref<128xi32, #tpu.memory_space<vmem>>
    %dma_start3A_63 = tpu.memref_slice %arg3[%add3A_58] : memref<16384xi32, #tpu.memory_space<hbm>> -> memref<128xi32, #tpu.memory_space<hbm>>
    %dma_start3A_64 = arith.constant 0 : i32
    %dma_start3A_65 = tpu.memref_slice %arg8[%dma_start3A_59, %dma_start3A_64] : memref<4x128xi32, #tpu.memory_space<vmem>> -> memref<1x128xi32, #tpu.memory_space<vmem>>
    %dma_start3A_66 = tpu.memref_squeeze %dma_start3A_65 : memref<1x128xi32, #tpu.memory_space<vmem>> -> memref<128xi32, #tpu.memory_space<vmem>>
    %dma_start3A_67 = tpu.memref_slice %arg3[%add3A_58] : memref<16384xi32, #tpu.memory_space<hbm>> -> memref<128xi32, #tpu.memory_space<hbm>>
    tpu.enqueue_dma source(%dma_start3A_67 : memref<128xi32, #tpu.memory_space<hbm>>) target(%dma_start3A_66 : memref<128xi32, #tpu.memory_space<vmem>>) target_semaphore(%arg10 : memref<!tpu.dma_semaphore, #tpu.memory_space<semaphore_mem>>)
    %add3A_68 = arith.constant 256 : i32
    %add3A_69 = arith.addi %mul3A_2, %add3A_68 : i32
    %dma_start3A_70 = arith.constant 2 : i32
    %dma_start3A_71 = arith.constant 0 : i32
    %dma_start3A_72 = tpu.memref_slice %arg8[%dma_start3A_70, %dma_start3A_71] : memref<4x128xi32, #tpu.memory_space<vmem>> -> memref<1x128xi32, #tpu.memory_space<vmem>>
    %dma_start3A_73 = tpu.memref_squeeze %dma_start3A_72 : memref<1x128xi32, #tpu.memory_space<vmem>> -> memref<128xi32, #tpu.memory_space<vmem>>
    %dma_start3A_74 = tpu.memref_slice %arg3[%add3A_69] : memref<16384xi32, #tpu.memory_space<hbm>> -> memref<128xi32, #tpu.memory_space<hbm>>
    %dma_start3A_75 = arith.constant 0 : i32
    %dma_start3A_76 = tpu.memref_slice %arg8[%dma_start3A_70, %dma_start3A_75] : memref<4x128xi32, #tpu.memory_space<vmem>> -> memref<1x128xi32, #tpu.memory_space<vmem>>
    %dma_start3A_77 = tpu.memref_squeeze %dma_start3A_76 : memref<1x128xi32, #tpu.memory_space<vmem>> -> memref<128xi32, #tpu.memory_space<vmem>>
    %dma_start3A_78 = tpu.memref_slice %arg3[%add3A_69] : memref<16384xi32, #tpu.memory_space<hbm>> -> memref<128xi32, #tpu.memory_space<hbm>>
    tpu.enqueue_dma source(%dma_start3A_78 : memref<128xi32, #tpu.memory_space<hbm>>) target(%dma_start3A_77 : memref<128xi32, #tpu.memory_space<vmem>>) target_semaphore(%arg10 : memref<!tpu.dma_semaphore, #tpu.memory_space<semaphore_mem>>)
    %add3A_79 = arith.constant 384 : i32
    %add3A_80 = arith.addi %mul3A_2, %add3A_79 : i32
    %dma_start3A_81 = arith.constant 3 : i32
    %dma_start3A_82 = arith.constant 0 : i32
    %dma_start3A_83 = tpu.memref_slice %arg8[%dma_start3A_81, %dma_start3A_82] : memref<4x128xi32, #tpu.memory_space<vmem>> -> memref<1x128xi32, #tpu.memory_space<vmem>>
    %dma_start3A_84 = tpu.memref_squeeze %dma_start3A_83 : memref<1x128xi32, #tpu.memory_space<vmem>> -> memref<128xi32, #tpu.memory_space<vmem>>
    %dma_start3A_85 = tpu.memref_slice %arg3[%add3A_80] : memref<16384xi32, #tpu.memory_space<hbm>> -> memref<128xi32, #tpu.memory_space<hbm>>
    %dma_start3A_86 = arith.constant 0 : i32
    %dma_start3A_87 = tpu.memref_slice %arg8[%dma_start3A_81, %dma_start3A_86] : memref<4x128xi32, #tpu.memory_space<vmem>> -> memref<1x128xi32, #tpu.memory_space<vmem>>
    %dma_start3A_88 = tpu.memref_squeeze %dma_start3A_87 : memref<1x128xi32, #tpu.memory_space<vmem>> -> memref<128xi32, #tpu.memory_space<vmem>>
    %dma_start3A_89 = tpu.memref_slice %arg3[%add3A_80] : memref<16384xi32, #tpu.memory_space<hbm>> -> memref<128xi32, #tpu.memory_space<hbm>>
    tpu.enqueue_dma source(%dma_start3A_89 : memref<128xi32, #tpu.memory_space<hbm>>) target(%dma_start3A_88 : memref<128xi32, #tpu.memory_space<vmem>>) target_semaphore(%arg10 : memref<!tpu.dma_semaphore, #tpu.memory_space<semaphore_mem>>)
    %dma_wait3A = arith.constant 0 : i32
    %dma_wait3A_90 = arith.constant 0 : i32
    %dma_wait3A_91 = tpu.memref_slice %arg7[%dma_wait3A, %dma_wait3A_90] : memref<4x128xi32, #tpu.memory_space<vmem>> -> memref<1x128xi32, #tpu.memory_space<vmem>>
    %dma_wait3A_92 = tpu.memref_squeeze %dma_wait3A_91 : memref<1x128xi32, #tpu.memory_space<vmem>> -> memref<128xi32, #tpu.memory_space<vmem>>
    %dma_wait3A_93 = tpu.memref_slice %arg2[%add3A_4] : memref<16384xi32, #tpu.memory_space<hbm>> -> memref<128xi32, #tpu.memory_space<hbm>>
    %dma_wait3A_94 = arith.constant 0 : i32
    %dma_wait3A_95 = tpu.memref_slice %arg7[%dma_wait3A, %dma_wait3A_94] : memref<4x128xi32, #tpu.memory_space<vmem>> -> memref<1x128xi32, #tpu.memory_space<vmem>>
    %dma_wait3A_96 = tpu.memref_squeeze %dma_wait3A_95 : memref<1x128xi32, #tpu.memory_space<vmem>> -> memref<128xi32, #tpu.memory_space<vmem>>
    %dma_wait3A_97 = tpu.memref_slice %arg2[%add3A_4] : memref<16384xi32, #tpu.memory_space<hbm>> -> memref<128xi32, #tpu.memory_space<hbm>>
    tpu.wait_dma2 semaphore(%arg10 : memref<!tpu.dma_semaphore, #tpu.memory_space<semaphore_mem>>) src(%dma_wait3A_97 : memref<128xi32, #tpu.memory_space<hbm>>) dst(%dma_wait3A_96 : memref<128xi32, #tpu.memory_space<vmem>>)
    %dma_wait3A_98 = arith.constant 1 : i32
    %dma_wait3A_99 = arith.constant 0 : i32
    %dma_wait3A_100 = tpu.memref_slice %arg7[%dma_wait3A_98, %dma_wait3A_99] : memref<4x128xi32, #tpu.memory_space<vmem>> -> memref<1x128xi32, #tpu.memory_space<vmem>>
    %dma_wait3A_101 = tpu.memref_squeeze %dma_wait3A_100 : memref<1x128xi32, #tpu.memory_space<vmem>> -> memref<128xi32, #tpu.memory_space<vmem>>
    %dma_wait3A_102 = tpu.memref_slice %arg2[%add3A_14] : memref<16384xi32, #tpu.memory_space<hbm>> -> memref<128xi32, #tpu.memory_space<hbm>>
    %dma_wait3A_103 = arith.constant 0 : i32
    %dma_wait3A_104 = tpu.memref_slice %arg7[%dma_wait3A_98, %dma_wait3A_103] : memref<4x128xi32, #tpu.memory_space<vmem>> -> memref<1x128xi32, #tpu.memory_space<vmem>>
    %dma_wait3A_105 = tpu.memref_squeeze %dma_wait3A_104 : memref<1x128xi32, #tpu.memory_space<vmem>> -> memref<128xi32, #tpu.memory_space<vmem>>
    %dma_wait3A_106 = tpu.memref_slice %arg2[%add3A_14] : memref<16384xi32, #tpu.memory_space<hbm>> -> memref<128xi32, #tpu.memory_space<hbm>>
    tpu.wait_dma2 semaphore(%arg10 : memref<!tpu.dma_semaphore, #tpu.memory_space<semaphore_mem>>) src(%dma_wait3A_106 : memref<128xi32, #tpu.memory_space<hbm>>) dst(%dma_wait3A_105 : memref<128xi32, #tpu.memory_space<vmem>>)
    %dma_wait3A_107 = arith.constant 2 : i32
    %dma_wait3A_108 = arith.constant 0 : i32
    %dma_wait3A_109 = tpu.memref_slice %arg7[%dma_wait3A_107, %dma_wait3A_108] : memref<4x128xi32, #tpu.memory_space<vmem>> -> memref<1x128xi32, #tpu.memory_space<vmem>>
    %dma_wait3A_110 = tpu.memref_squeeze %dma_wait3A_109 : memref<1x128xi32, #tpu.memory_space<vmem>> -> memref<128xi32, #tpu.memory_space<vmem>>
    %dma_wait3A_111 = tpu.memref_slice %arg2[%add3A_25] : memref<16384xi32, #tpu.memory_space<hbm>> -> memref<128xi32, #tpu.memory_space<hbm>>
    %dma_wait3A_112 = arith.constant 0 : i32
    %dma_wait3A_113 = tpu.memref_slice %arg7[%dma_wait3A_107, %dma_wait3A_112] : memref<4x128xi32, #tpu.memory_space<vmem>> -> memref<1x128xi32, #tpu.memory_space<vmem>>
    %dma_wait3A_114 = tpu.memref_squeeze %dma_wait3A_113 : memref<1x128xi32, #tpu.memory_space<vmem>> -> memref<128xi32, #tpu.memory_space<vmem>>
    %dma_wait3A_115 = tpu.memref_slice %arg2[%add3A_25] : memref<16384xi32, #tpu.memory_space<hbm>> -> memref<128xi32, #tpu.memory_space<hbm>>
    tpu.wait_dma2 semaphore(%arg10 : memref<!tpu.dma_semaphore, #tpu.memory_space<semaphore_mem>>) src(%dma_wait3A_115 : memref<128xi32, #tpu.memory_space<hbm>>) dst(%dma_wait3A_114 : memref<128xi32, #tpu.memory_space<vmem>>)
    %dma_wait3A_116 = arith.constant 3 : i32
    %dma_wait3A_117 = arith.constant 0 : i32
    %dma_wait3A_118 = tpu.memref_slice %arg7[%dma_wait3A_116, %dma_wait3A_117] : memref<4x128xi32, #tpu.memory_space<vmem>> -> memref<1x128xi32, #tpu.memory_space<vmem>>
    %dma_wait3A_119 = tpu.memref_squeeze %dma_wait3A_118 : memref<1x128xi32, #tpu.memory_space<vmem>> -> memref<128xi32, #tpu.memory_space<vmem>>
    %dma_wait3A_120 = tpu.memref_slice %arg2[%add3A_36] : memref<16384xi32, #tpu.memory_space<hbm>> -> memref<128xi32, #tpu.memory_space<hbm>>
    %dma_wait3A_121 = arith.constant 0 : i32
    %dma_wait3A_122 = tpu.memref_slice %arg7[%dma_wait3A_116, %dma_wait3A_121] : memref<4x128xi32, #tpu.memory_space<vmem>> -> memref<1x128xi32, #tpu.memory_space<vmem>>
    %dma_wait3A_123 = tpu.memref_squeeze %dma_wait3A_122 : memref<1x128xi32, #tpu.memory_space<vmem>> -> memref<128xi32, #tpu.memory_space<vmem>>
    %dma_wait3A_124 = tpu.memref_slice %arg2[%add3A_36] : memref<16384xi32, #tpu.memory_space<hbm>> -> memref<128xi32, #tpu.memory_space<hbm>>
    tpu.wait_dma2 semaphore(%arg10 : memref<!tpu.dma_semaphore, #tpu.memory_space<semaphore_mem>>) src(%dma_wait3A_124 : memref<128xi32, #tpu.memory_space<hbm>>) dst(%dma_wait3A_123 : memref<128xi32, #tpu.memory_space<vmem>>)
    %dma_wait3A_125 = arith.constant 0 : i32
    %dma_wait3A_126 = arith.constant 0 : i32
    %dma_wait3A_127 = tpu.memref_slice %arg8[%dma_wait3A_125, %dma_wait3A_126] : memref<4x128xi32, #tpu.memory_space<vmem>> -> memref<1x128xi32, #tpu.memory_space<vmem>>
    %dma_wait3A_128 = tpu.memref_squeeze %dma_wait3A_127 : memref<1x128xi32, #tpu.memory_space<vmem>> -> memref<128xi32, #tpu.memory_space<vmem>>
    %dma_wait3A_129 = tpu.memref_slice %arg3[%add3A_47] : memref<16384xi32, #tpu.memory_space<hbm>> -> memref<128xi32, #tpu.memory_space<hbm>>
    %dma_wait3A_130 = arith.constant 0 : i32
    %dma_wait3A_131 = tpu.memref_slice %arg8[%dma_wait3A_125, %dma_wait3A_130] : memref<4x128xi32, #tpu.memory_space<vmem>> -> memref<1x128xi32, #tpu.memory_space<vmem>>
    %dma_wait3A_132 = tpu.memref_squeeze %dma_wait3A_131 : memref<1x128xi32, #tpu.memory_space<vmem>> -> memref<128xi32, #tpu.memory_space<vmem>>
    %dma_wait3A_133 = tpu.memref_slice %arg3[%add3A_47] : memref<16384xi32, #tpu.memory_space<hbm>> -> memref<128xi32, #tpu.memory_space<hbm>>
    tpu.wait_dma2 semaphore(%arg10 : memref<!tpu.dma_semaphore, #tpu.memory_space<semaphore_mem>>) src(%dma_wait3A_133 : memref<128xi32, #tpu.memory_space<hbm>>) dst(%dma_wait3A_132 : memref<128xi32, #tpu.memory_space<vmem>>)
    %dma_wait3A_134 = arith.constant 1 : i32
    %dma_wait3A_135 = arith.constant 0 : i32
    %dma_wait3A_136 = tpu.memref_slice %arg8[%dma_wait3A_134, %dma_wait3A_135] : memref<4x128xi32, #tpu.memory_space<vmem>> -> memref<1x128xi32, #tpu.memory_space<vmem>>
    %dma_wait3A_137 = tpu.memref_squeeze %dma_wait3A_136 : memref<1x128xi32, #tpu.memory_space<vmem>> -> memref<128xi32, #tpu.memory_space<vmem>>
    %dma_wait3A_138 = tpu.memref_slice %arg3[%add3A_58] : memref<16384xi32, #tpu.memory_space<hbm>> -> memref<128xi32, #tpu.memory_space<hbm>>
    %dma_wait3A_139 = arith.constant 0 : i32
    %dma_wait3A_140 = tpu.memref_slice %arg8[%dma_wait3A_134, %dma_wait3A_139] : memref<4x128xi32, #tpu.memory_space<vmem>> -> memref<1x128xi32, #tpu.memory_space<vmem>>
    %dma_wait3A_141 = tpu.memref_squeeze %dma_wait3A_140 : memref<1x128xi32, #tpu.memory_space<vmem>> -> memref<128xi32, #tpu.memory_space<vmem>>
    %dma_wait3A_142 = tpu.memref_slice %arg3[%add3A_58] : memref<16384xi32, #tpu.memory_space<hbm>> -> memref<128xi32, #tpu.memory_space<hbm>>
    tpu.wait_dma2 semaphore(%arg10 : memref<!tpu.dma_semaphore, #tpu.memory_space<semaphore_mem>>) src(%dma_wait3A_142 : memref<128xi32, #tpu.memory_space<hbm>>) dst(%dma_wait3A_141 : memref<128xi32, #tpu.memory_space<vmem>>)
    %dma_wait3A_143 = arith.constant 2 : i32
    %dma_wait3A_144 = arith.constant 0 : i32
    %dma_wait3A_145 = tpu.memref_slice %arg8[%dma_wait3A_143, %dma_wait3A_144] : memref<4x128xi32, #tpu.memory_space<vmem>> -> memref<1x128xi32, #tpu.memory_space<vmem>>
    %dma_wait3A_146 = tpu.memref_squeeze %dma_wait3A_145 : memref<1x128xi32, #tpu.memory_space<vmem>> -> memref<128xi32, #tpu.memory_space<vmem>>
    %dma_wait3A_147 = tpu.memref_slice %arg3[%add3A_69] : memref<16384xi32, #tpu.memory_space<hbm>> -> memref<128xi32, #tpu.memory_space<hbm>>
    %dma_wait3A_148 = arith.constant 0 : i32
    %dma_wait3A_149 = tpu.memref_slice %arg8[%dma_wait3A_143, %dma_wait3A_148] : memref<4x128xi32, #tpu.memory_space<vmem>> -> memref<1x128xi32, #tpu.memory_space<vmem>>
    %dma_wait3A_150 = tpu.memref_squeeze %dma_wait3A_149 : memref<1x128xi32, #tpu.memory_space<vmem>> -> memref<128xi32, #tpu.memory_space<vmem>>
    %dma_wait3A_151 = tpu.memref_slice %arg3[%add3A_69] : memref<16384xi32, #tpu.memory_space<hbm>> -> memref<128xi32, #tpu.memory_space<hbm>>
    tpu.wait_dma2 semaphore(%arg10 : memref<!tpu.dma_semaphore, #tpu.memory_space<semaphore_mem>>) src(%dma_wait3A_151 : memref<128xi32, #tpu.memory_space<hbm>>) dst(%dma_wait3A_150 : memref<128xi32, #tpu.memory_space<vmem>>)
    %dma_wait3A_152 = arith.constant 3 : i32
    %dma_wait3A_153 = arith.constant 0 : i32
    %dma_wait3A_154 = tpu.memref_slice %arg8[%dma_wait3A_152, %dma_wait3A_153] : memref<4x128xi32, #tpu.memory_space<vmem>> -> memref<1x128xi32, #tpu.memory_space<vmem>>
    %dma_wait3A_155 = tpu.memref_squeeze %dma_wait3A_154 : memref<1x128xi32, #tpu.memory_space<vmem>> -> memref<128xi32, #tpu.memory_space<vmem>>
    %dma_wait3A_156 = tpu.memref_slice %arg3[%add3A_80] : memref<16384xi32, #tpu.memory_space<hbm>> -> memref<128xi32, #tpu.memory_space<hbm>>
    %dma_wait3A_157 = arith.constant 0 : i32
    %dma_wait3A_158 = tpu.memref_slice %arg8[%dma_wait3A_152, %dma_wait3A_157] : memref<4x128xi32, #tpu.memory_space<vmem>> -> memref<1x128xi32, #tpu.memory_space<vmem>>
    %dma_wait3A_159 = tpu.memref_squeeze %dma_wait3A_158 : memref<1x128xi32, #tpu.memory_space<vmem>> -> memref<128xi32, #tpu.memory_space<vmem>>
    %dma_wait3A_160 = tpu.memref_slice %arg3[%add3A_80] : memref<16384xi32, #tpu.memory_space<hbm>> -> memref<128xi32, #tpu.memory_space<hbm>>
    tpu.wait_dma2 semaphore(%arg10 : memref<!tpu.dma_semaphore, #tpu.memory_space<semaphore_mem>>) src(%dma_wait3A_160 : memref<128xi32, #tpu.memory_space<hbm>>) dst(%dma_wait3A_159 : memref<128xi32, #tpu.memory_space<vmem>>)
    %dma_start3A_161 = arith.constant 0 : i32
    %dma_start3A_162 = arith.constant 0 : i32
    %dma_start3A_163 = arith.constant 0 : i32
    %dma_start3A_164 = arith.constant 0 : i32
    %dma_start3A_165 = tpu.memref_slice %arg9[%dma_start3A_162, %dma_start3A_163, %dma_start3A_164] : memref<4x128x128xf32, #tpu.memory_space<vmem>> -> memref<1x128x128xf32, #tpu.memory_space<vmem>>
    %dma_start3A_166 = tpu.memref_squeeze %dma_start3A_165 : memref<1x128x128xf32, #tpu.memory_space<vmem>> -> memref<128x128xf32, #tpu.memory_space<vmem>>
    %dma_start3A_167 = arith.constant 0 : i32
    %dma_start3A_168 = tpu.memref_slice %arg8[%dma_start3A_161, %dma_start3A_167] : memref<4x128xi32, #tpu.memory_space<vmem>> -> memref<1x128xi32, #tpu.memory_space<vmem>>
    %dma_start3A_169 = tpu.memref_squeeze %dma_start3A_168 : memref<1x128xi32, #tpu.memory_space<vmem>> -> memref<128xi32, #tpu.memory_space<vmem>>
    %dma_start3A_170 = arith.constant 0 : i32
    %dma_start3A_171 = arith.constant 0 : i32
    %dma_start3A_172 = tpu.memref_slice %arg4[%dma_start3A_170, %dma_start3A_171] : memref<16384x128xf32, #tpu.memory_space<hbm>> -> memref<16384x128xf32, #tpu.memory_space<hbm>>
    tpu.enqueue_indirect_dma source(%dma_start3A_172 : memref<16384x128xf32, #tpu.memory_space<hbm>>) target(%dma_start3A_166 : memref<128x128xf32, #tpu.memory_space<vmem>>) offsets(%dma_start3A_169 : memref<128xi32, #tpu.memory_space<vmem>>) semaphore(%arg11 : memref<!tpu.dma_semaphore, #tpu.memory_space<semaphore_mem>>)
    %dma_start3A_173 = arith.constant 1 : i32
    %dma_start3A_174 = arith.constant 1 : i32
    %dma_start3A_175 = arith.constant 0 : i32
    %dma_start3A_176 = arith.constant 0 : i32
    %dma_start3A_177 = tpu.memref_slice %arg9[%dma_start3A_174, %dma_start3A_175, %dma_start3A_176] : memref<4x128x128xf32, #tpu.memory_space<vmem>> -> memref<1x128x128xf32, #tpu.memory_space<vmem>>
    %dma_start3A_178 = tpu.memref_squeeze %dma_start3A_177 : memref<1x128x128xf32, #tpu.memory_space<vmem>> -> memref<128x128xf32, #tpu.memory_space<vmem>>
    %dma_start3A_179 = arith.constant 0 : i32
    %dma_start3A_180 = tpu.memref_slice %arg8[%dma_start3A_173, %dma_start3A_179] : memref<4x128xi32, #tpu.memory_space<vmem>> -> memref<1x128xi32, #tpu.memory_space<vmem>>
    %dma_start3A_181 = tpu.memref_squeeze %dma_start3A_180 : memref<1x128xi32, #tpu.memory_space<vmem>> -> memref<128xi32, #tpu.memory_space<vmem>>
    %dma_start3A_182 = arith.constant 0 : i32
    %dma_start3A_183 = arith.constant 0 : i32
    %dma_start3A_184 = tpu.memref_slice %arg4[%dma_start3A_182, %dma_start3A_183] : memref<16384x128xf32, #tpu.memory_space<hbm>> -> memref<16384x128xf32, #tpu.memory_space<hbm>>
    tpu.enqueue_indirect_dma source(%dma_start3A_184 : memref<16384x128xf32, #tpu.memory_space<hbm>>) target(%dma_start3A_178 : memref<128x128xf32, #tpu.memory_space<vmem>>) offsets(%dma_start3A_181 : memref<128xi32, #tpu.memory_space<vmem>>) semaphore(%arg11 : memref<!tpu.dma_semaphore, #tpu.memory_space<semaphore_mem>>)
    %dma_start3A_185 = arith.constant 2 : i32
    %dma_start3A_186 = arith.constant 2 : i32
    %dma_start3A_187 = arith.constant 0 : i32
    %dma_start3A_188 = arith.constant 0 : i32
    %dma_start3A_189 = tpu.memref_slice %arg9[%dma_start3A_186, %dma_start3A_187, %dma_start3A_188] : memref<4x128x128xf32, #tpu.memory_space<vmem>> -> memref<1x128x128xf32, #tpu.memory_space<vmem>>
    %dma_start3A_190 = tpu.memref_squeeze %dma_start3A_189 : memref<1x128x128xf32, #tpu.memory_space<vmem>> -> memref<128x128xf32, #tpu.memory_space<vmem>>
    %dma_start3A_191 = arith.constant 0 : i32
    %dma_start3A_192 = tpu.memref_slice %arg8[%dma_start3A_185, %dma_start3A_191] : memref<4x128xi32, #tpu.memory_space<vmem>> -> memref<1x128xi32, #tpu.memory_space<vmem>>
    %dma_start3A_193 = tpu.memref_squeeze %dma_start3A_192 : memref<1x128xi32, #tpu.memory_space<vmem>> -> memref<128xi32, #tpu.memory_space<vmem>>
    %dma_start3A_194 = arith.constant 0 : i32
    %dma_start3A_195 = arith.constant 0 : i32
    %dma_start3A_196 = tpu.memref_slice %arg4[%dma_start3A_194, %dma_start3A_195] : memref<16384x128xf32, #tpu.memory_space<hbm>> -> memref<16384x128xf32, #tpu.memory_space<hbm>>
    tpu.enqueue_indirect_dma source(%dma_start3A_196 : memref<16384x128xf32, #tpu.memory_space<hbm>>) target(%dma_start3A_190 : memref<128x128xf32, #tpu.memory_space<vmem>>) offsets(%dma_start3A_193 : memref<128xi32, #tpu.memory_space<vmem>>) semaphore(%arg11 : memref<!tpu.dma_semaphore, #tpu.memory_space<semaphore_mem>>)
    %dma_start3A_197 = arith.constant 3 : i32
    %dma_start3A_198 = arith.constant 3 : i32
    %dma_start3A_199 = arith.constant 0 : i32
    %dma_start3A_200 = arith.constant 0 : i32
    %dma_start3A_201 = tpu.memref_slice %arg9[%dma_start3A_198, %dma_start3A_199, %dma_start3A_200] : memref<4x128x128xf32, #tpu.memory_space<vmem>> -> memref<1x128x128xf32, #tpu.memory_space<vmem>>
    %dma_start3A_202 = tpu.memref_squeeze %dma_start3A_201 : memref<1x128x128xf32, #tpu.memory_space<vmem>> -> memref<128x128xf32, #tpu.memory_space<vmem>>
    %dma_start3A_203 = arith.constant 0 : i32
    %dma_start3A_204 = tpu.memref_slice %arg8[%dma_start3A_197, %dma_start3A_203] : memref<4x128xi32, #tpu.memory_space<vmem>> -> memref<1x128xi32, #tpu.memory_space<vmem>>
    %dma_start3A_205 = tpu.memref_squeeze %dma_start3A_204 : memref<1x128xi32, #tpu.memory_space<vmem>> -> memref<128xi32, #tpu.memory_space<vmem>>
    %dma_start3A_206 = arith.constant 0 : i32
    %dma_start3A_207 = arith.constant 0 : i32
    %dma_start3A_208 = tpu.memref_slice %arg4[%dma_start3A_206, %dma_start3A_207] : memref<16384x128xf32, #tpu.memory_space<hbm>> -> memref<16384x128xf32, #tpu.memory_space<hbm>>
    tpu.enqueue_indirect_dma source(%dma_start3A_208 : memref<16384x128xf32, #tpu.memory_space<hbm>>) target(%dma_start3A_202 : memref<128x128xf32, #tpu.memory_space<vmem>>) offsets(%dma_start3A_205 : memref<128xi32, #tpu.memory_space<vmem>>) semaphore(%arg11 : memref<!tpu.dma_semaphore, #tpu.memory_space<semaphore_mem>>)
    %dma_wait3A_209 = arith.constant 0 : i32
    %dma_wait3A_210 = arith.constant 0 : i32
    %dma_wait3A_211 = arith.constant 0 : i32
    %dma_wait3A_212 = arith.constant 0 : i32
    %dma_wait3A_213 = tpu.memref_slice %arg9[%dma_wait3A_210, %dma_wait3A_211, %dma_wait3A_212] : memref<4x128x128xf32, #tpu.memory_space<vmem>> -> memref<1x128x128xf32, #tpu.memory_space<vmem>>
    %dma_wait3A_214 = tpu.memref_squeeze %dma_wait3A_213 : memref<1x128x128xf32, #tpu.memory_space<vmem>> -> memref<128x128xf32, #tpu.memory_space<vmem>>
    %dma_wait3A_215 = arith.constant 0 : i32
    %dma_wait3A_216 = tpu.memref_slice %arg8[%dma_wait3A_209, %dma_wait3A_215] : memref<4x128xi32, #tpu.memory_space<vmem>> -> memref<1x128xi32, #tpu.memory_space<vmem>>
    %dma_wait3A_217 = tpu.memref_squeeze %dma_wait3A_216 : memref<1x128xi32, #tpu.memory_space<vmem>> -> memref<128xi32, #tpu.memory_space<vmem>>
    %dma_wait3A_218 = arith.constant 0 : i32
    %dma_wait3A_219 = arith.constant 0 : i32
    %dma_wait3A_220 = tpu.memref_slice %arg4[%dma_wait3A_218, %dma_wait3A_219] : memref<16384x128xf32, #tpu.memory_space<hbm>> -> memref<16384x128xf32, #tpu.memory_space<hbm>>
    tpu.wait_indirect_dma semaphore(%arg11 : memref<!tpu.dma_semaphore, #tpu.memory_space<semaphore_mem>>) src(%dma_wait3A_220 : memref<16384x128xf32, #tpu.memory_space<hbm>>) dst(%dma_wait3A_214 : memref<128x128xf32, #tpu.memory_space<vmem>>)
    %dma_start3A_221 = arith.constant 0 : i32
    %dma_start3A_222 = arith.constant 0 : i32
    %dma_start3A_223 = arith.constant 0 : i32
    %dma_start3A_224 = arith.constant 0 : i32
    %dma_start3A_225 = tpu.memref_slice %arg9[%dma_start3A_221, %dma_start3A_223, %dma_start3A_224] : memref<4x128x128xf32, #tpu.memory_space<vmem>> -> memref<1x128x128xf32, #tpu.memory_space<vmem>>
    %dma_start3A_226 = tpu.memref_squeeze %dma_start3A_225 : memref<1x128x128xf32, #tpu.memory_space<vmem>> -> memref<128x128xf32, #tpu.memory_space<vmem>>
    %dma_start3A_227 = arith.constant 0 : i32
    %dma_start3A_228 = tpu.memref_slice %arg7[%dma_start3A_222, %dma_start3A_227] : memref<4x128xi32, #tpu.memory_space<vmem>> -> memref<1x128xi32, #tpu.memory_space<vmem>>
    %dma_start3A_229 = tpu.memref_squeeze %dma_start3A_228 : memref<1x128xi32, #tpu.memory_space<vmem>> -> memref<128xi32, #tpu.memory_space<vmem>>
    %dma_start3A_230 = arith.constant 0 : i32
    %dma_start3A_231 = arith.constant 0 : i32
    %dma_start3A_232 = tpu.memref_slice %arg5[%dma_start3A_230, %dma_start3A_231] : memref<100000x128xf32, #tpu.memory_space<hbm>> -> memref<100000x128xf32, #tpu.memory_space<hbm>>
    tpu.enqueue_indirect_dma source(%dma_start3A_226 : memref<128x128xf32, #tpu.memory_space<vmem>>) target(%dma_start3A_232 : memref<100000x128xf32, #tpu.memory_space<hbm>>) offsets(%dma_start3A_229 : memref<128xi32, #tpu.memory_space<vmem>>) semaphore(%arg12 : memref<!tpu.dma_semaphore, #tpu.memory_space<semaphore_mem>>)
    %dma_wait3A_233 = arith.constant 1 : i32
    %dma_wait3A_234 = arith.constant 1 : i32
    %dma_wait3A_235 = arith.constant 0 : i32
    %dma_wait3A_236 = arith.constant 0 : i32
    %dma_wait3A_237 = tpu.memref_slice %arg9[%dma_wait3A_234, %dma_wait3A_235, %dma_wait3A_236] : memref<4x128x128xf32, #tpu.memory_space<vmem>> -> memref<1x128x128xf32, #tpu.memory_space<vmem>>
    %dma_wait3A_238 = tpu.memref_squeeze %dma_wait3A_237 : memref<1x128x128xf32, #tpu.memory_space<vmem>> -> memref<128x128xf32, #tpu.memory_space<vmem>>
    %dma_wait3A_239 = arith.constant 0 : i32
    %dma_wait3A_240 = tpu.memref_slice %arg8[%dma_wait3A_233, %dma_wait3A_239] : memref<4x128xi32, #tpu.memory_space<vmem>> -> memref<1x128xi32, #tpu.memory_space<vmem>>
    %dma_wait3A_241 = tpu.memref_squeeze %dma_wait3A_240 : memref<1x128xi32, #tpu.memory_space<vmem>> -> memref<128xi32, #tpu.memory_space<vmem>>
    %dma_wait3A_242 = arith.constant 0 : i32
    %dma_wait3A_243 = arith.constant 0 : i32
    %dma_wait3A_244 = tpu.memref_slice %arg4[%dma_wait3A_242, %dma_wait3A_243] : memref<16384x128xf32, #tpu.memory_space<hbm>> -> memref<16384x128xf32, #tpu.memory_space<hbm>>
    tpu.wait_indirect_dma semaphore(%arg11 : memref<!tpu.dma_semaphore, #tpu.memory_space<semaphore_mem>>) src(%dma_wait3A_244 : memref<16384x128xf32, #tpu.memory_space<hbm>>) dst(%dma_wait3A_238 : memref<128x128xf32, #tpu.memory_space<vmem>>)
    %dma_start3A_245 = arith.constant 1 : i32
    %dma_start3A_246 = arith.constant 1 : i32
    %dma_start3A_247 = arith.constant 0 : i32
    %dma_start3A_248 = arith.constant 0 : i32
    %dma_start3A_249 = tpu.memref_slice %arg9[%dma_start3A_245, %dma_start3A_247, %dma_start3A_248] : memref<4x128x128xf32, #tpu.memory_space<vmem>> -> memref<1x128x128xf32, #tpu.memory_space<vmem>>
    %dma_start3A_250 = tpu.memref_squeeze %dma_start3A_249 : memref<1x128x128xf32, #tpu.memory_space<vmem>> -> memref<128x128xf32, #tpu.memory_space<vmem>>
    %dma_start3A_251 = arith.constant 0 : i32
    %dma_start3A_252 = tpu.memref_slice %arg7[%dma_start3A_246, %dma_start3A_251] : memref<4x128xi32, #tpu.memory_space<vmem>> -> memref<1x128xi32, #tpu.memory_space<vmem>>
    %dma_start3A_253 = tpu.memref_squeeze %dma_start3A_252 : memref<1x128xi32, #tpu.memory_space<vmem>> -> memref<128xi32, #tpu.memory_space<vmem>>
    %dma_start3A_254 = arith.constant 0 : i32
    %dma_start3A_255 = arith.constant 0 : i32
    %dma_start3A_256 = tpu.memref_slice %arg5[%dma_start3A_254, %dma_start3A_255] : memref<100000x128xf32, #tpu.memory_space<hbm>> -> memref<100000x128xf32, #tpu.memory_space<hbm>>
    tpu.enqueue_indirect_dma source(%dma_start3A_250 : memref<128x128xf32, #tpu.memory_space<vmem>>) target(%dma_start3A_256 : memref<100000x128xf32, #tpu.memory_space<hbm>>) offsets(%dma_start3A_253 : memref<128xi32, #tpu.memory_space<vmem>>) semaphore(%arg12 : memref<!tpu.dma_semaphore, #tpu.memory_space<semaphore_mem>>)
    %dma_wait3A_257 = arith.constant 2 : i32
    %dma_wait3A_258 = arith.constant 2 : i32
    %dma_wait3A_259 = arith.constant 0 : i32
    %dma_wait3A_260 = arith.constant 0 : i32
    %dma_wait3A_261 = tpu.memref_slice %arg9[%dma_wait3A_258, %dma_wait3A_259, %dma_wait3A_260] : memref<4x128x128xf32, #tpu.memory_space<vmem>> -> memref<1x128x128xf32, #tpu.memory_space<vmem>>
    %dma_wait3A_262 = tpu.memref_squeeze %dma_wait3A_261 : memref<1x128x128xf32, #tpu.memory_space<vmem>> -> memref<128x128xf32, #tpu.memory_space<vmem>>
    %dma_wait3A_263 = arith.constant 0 : i32
    %dma_wait3A_264 = tpu.memref_slice %arg8[%dma_wait3A_257, %dma_wait3A_263] : memref<4x128xi32, #tpu.memory_space<vmem>> -> memref<1x128xi32, #tpu.memory_space<vmem>>
    %dma_wait3A_265 = tpu.memref_squeeze %dma_wait3A_264 : memref<1x128xi32, #tpu.memory_space<vmem>> -> memref<128xi32, #tpu.memory_space<vmem>>
    %dma_wait3A_266 = arith.constant 0 : i32
    %dma_wait3A_267 = arith.constant 0 : i32
    %dma_wait3A_268 = tpu.memref_slice %arg4[%dma_wait3A_266, %dma_wait3A_267] : memref<16384x128xf32, #tpu.memory_space<hbm>> -> memref<16384x128xf32, #tpu.memory_space<hbm>>
    tpu.wait_indirect_dma semaphore(%arg11 : memref<!tpu.dma_semaphore, #tpu.memory_space<semaphore_mem>>) src(%dma_wait3A_268 : memref<16384x128xf32, #tpu.memory_space<hbm>>) dst(%dma_wait3A_262 : memref<128x128xf32, #tpu.memory_space<vmem>>)
    %dma_start3A_269 = arith.constant 2 : i32
    %dma_start3A_270 = arith.constant 2 : i32
    %dma_start3A_271 = arith.constant 0 : i32
    %dma_start3A_272 = arith.constant 0 : i32
    %dma_start3A_273 = tpu.memref_slice %arg9[%dma_start3A_269, %dma_start3A_271, %dma_start3A_272] : memref<4x128x128xf32, #tpu.memory_space<vmem>> -> memref<1x128x128xf32, #tpu.memory_space<vmem>>
    %dma_start3A_274 = tpu.memref_squeeze %dma_start3A_273 : memref<1x128x128xf32, #tpu.memory_space<vmem>> -> memref<128x128xf32, #tpu.memory_space<vmem>>
    %dma_start3A_275 = arith.constant 0 : i32
    %dma_start3A_276 = tpu.memref_slice %arg7[%dma_start3A_270, %dma_start3A_275] : memref<4x128xi32, #tpu.memory_space<vmem>> -> memref<1x128xi32, #tpu.memory_space<vmem>>
    %dma_start3A_277 = tpu.memref_squeeze %dma_start3A_276 : memref<1x128xi32, #tpu.memory_space<vmem>> -> memref<128xi32, #tpu.memory_space<vmem>>
    %dma_start3A_278 = arith.constant 0 : i32
    %dma_start3A_279 = arith.constant 0 : i32
    %dma_start3A_280 = tpu.memref_slice %arg5[%dma_start3A_278, %dma_start3A_279] : memref<100000x128xf32, #tpu.memory_space<hbm>> -> memref<100000x128xf32, #tpu.memory_space<hbm>>
    tpu.enqueue_indirect_dma source(%dma_start3A_274 : memref<128x128xf32, #tpu.memory_space<vmem>>) target(%dma_start3A_280 : memref<100000x128xf32, #tpu.memory_space<hbm>>) offsets(%dma_start3A_277 : memref<128xi32, #tpu.memory_space<vmem>>) semaphore(%arg12 : memref<!tpu.dma_semaphore, #tpu.memory_space<semaphore_mem>>)
    %dma_wait3A_281 = arith.constant 3 : i32
    %dma_wait3A_282 = arith.constant 3 : i32
    %dma_wait3A_283 = arith.constant 0 : i32
    %dma_wait3A_284 = arith.constant 0 : i32
    %dma_wait3A_285 = tpu.memref_slice %arg9[%dma_wait3A_282, %dma_wait3A_283, %dma_wait3A_284] : memref<4x128x128xf32, #tpu.memory_space<vmem>> -> memref<1x128x128xf32, #tpu.memory_space<vmem>>
    %dma_wait3A_286 = tpu.memref_squeeze %dma_wait3A_285 : memref<1x128x128xf32, #tpu.memory_space<vmem>> -> memref<128x128xf32, #tpu.memory_space<vmem>>
    %dma_wait3A_287 = arith.constant 0 : i32
    %dma_wait3A_288 = tpu.memref_slice %arg8[%dma_wait3A_281, %dma_wait3A_287] : memref<4x128xi32, #tpu.memory_space<vmem>> -> memref<1x128xi32, #tpu.memory_space<vmem>>
    %dma_wait3A_289 = tpu.memref_squeeze %dma_wait3A_288 : memref<1x128xi32, #tpu.memory_space<vmem>> -> memref<128xi32, #tpu.memory_space<vmem>>
    %dma_wait3A_290 = arith.constant 0 : i32
    %dma_wait3A_291 = arith.constant 0 : i32
    %dma_wait3A_292 = tpu.memref_slice %arg4[%dma_wait3A_290, %dma_wait3A_291] : memref<16384x128xf32, #tpu.memory_space<hbm>> -> memref<16384x128xf32, #tpu.memory_space<hbm>>
    tpu.wait_indirect_dma semaphore(%arg11 : memref<!tpu.dma_semaphore, #tpu.memory_space<semaphore_mem>>) src(%dma_wait3A_292 : memref<16384x128xf32, #tpu.memory_space<hbm>>) dst(%dma_wait3A_286 : memref<128x128xf32, #tpu.memory_space<vmem>>)
    %dma_start3A_293 = arith.constant 3 : i32
    %dma_start3A_294 = arith.constant 3 : i32
    %dma_start3A_295 = arith.constant 0 : i32
    %dma_start3A_296 = arith.constant 0 : i32
    %dma_start3A_297 = tpu.memref_slice %arg9[%dma_start3A_293, %dma_start3A_295, %dma_start3A_296] : memref<4x128x128xf32, #tpu.memory_space<vmem>> -> memref<1x128x128xf32, #tpu.memory_space<vmem>>
    %dma_start3A_298 = tpu.memref_squeeze %dma_start3A_297 : memref<1x128x128xf32, #tpu.memory_space<vmem>> -> memref<128x128xf32, #tpu.memory_space<vmem>>
    %dma_start3A_299 = arith.constant 0 : i32
    %dma_start3A_300 = tpu.memref_slice %arg7[%dma_start3A_294, %dma_start3A_299] : memref<4x128xi32, #tpu.memory_space<vmem>> -> memref<1x128xi32, #tpu.memory_space<vmem>>
    %dma_start3A_301 = tpu.memref_squeeze %dma_start3A_300 : memref<1x128xi32, #tpu.memory_space<vmem>> -> memref<128xi32, #tpu.memory_space<vmem>>
    %dma_start3A_302 = arith.constant 0 : i32
    %dma_start3A_303 = arith.constant 0 : i32
    %dma_start3A_304 = tpu.memref_slice %arg5[%dma_start3A_302, %dma_start3A_303] : memref<100000x128xf32, #tpu.memory_space<hbm>> -> memref<100000x128xf32, #tpu.memory_space<hbm>>
    tpu.enqueue_indirect_dma source(%dma_start3A_298 : memref<128x128xf32, #tpu.memory_space<vmem>>) target(%dma_start3A_304 : memref<100000x128xf32, #tpu.memory_space<hbm>>) offsets(%dma_start3A_301 : memref<128xi32, #tpu.memory_space<vmem>>) semaphore(%arg12 : memref<!tpu.dma_semaphore, #tpu.memory_space<semaphore_mem>>)
    %dma_wait3A_305 = arith.constant 0 : i32
    %dma_wait3A_306 = arith.constant 0 : i32
    %dma_wait3A_307 = arith.constant 0 : i32
    %dma_wait3A_308 = arith.constant 0 : i32
    %dma_wait3A_309 = tpu.memref_slice %arg9[%dma_wait3A_305, %dma_wait3A_307, %dma_wait3A_308] : memref<4x128x128xf32, #tpu.memory_space<vmem>> -> memref<1x128x128xf32, #tpu.memory_space<vmem>>
    %dma_wait3A_310 = tpu.memref_squeeze %dma_wait3A_309 : memref<1x128x128xf32, #tpu.memory_space<vmem>> -> memref<128x128xf32, #tpu.memory_space<vmem>>
    %dma_wait3A_311 = arith.constant 0 : i32
    %dma_wait3A_312 = tpu.memref_slice %arg7[%dma_wait3A_306, %dma_wait3A_311] : memref<4x128xi32, #tpu.memory_space<vmem>> -> memref<1x128xi32, #tpu.memory_space<vmem>>
    %dma_wait3A_313 = tpu.memref_squeeze %dma_wait3A_312 : memref<1x128xi32, #tpu.memory_space<vmem>> -> memref<128xi32, #tpu.memory_space<vmem>>
    %dma_wait3A_314 = arith.constant 0 : i32
    %dma_wait3A_315 = arith.constant 0 : i32
    %dma_wait3A_316 = tpu.memref_slice %arg5[%dma_wait3A_314, %dma_wait3A_315] : memref<100000x128xf32, #tpu.memory_space<hbm>> -> memref<100000x128xf32, #tpu.memory_space<hbm>>
    tpu.wait_indirect_dma semaphore(%arg12 : memref<!tpu.dma_semaphore, #tpu.memory_space<semaphore_mem>>) src(%dma_wait3A_310 : memref<128x128xf32, #tpu.memory_space<vmem>>) dst(%dma_wait3A_316 : memref<100000x128xf32, #tpu.memory_space<hbm>>)
    %dma_wait3A_317 = arith.constant 1 : i32
    %dma_wait3A_318 = arith.constant 1 : i32
    %dma_wait3A_319 = arith.constant 0 : i32
    %dma_wait3A_320 = arith.constant 0 : i32
    %dma_wait3A_321 = tpu.memref_slice %arg9[%dma_wait3A_317, %dma_wait3A_319, %dma_wait3A_320] : memref<4x128x128xf32, #tpu.memory_space<vmem>> -> memref<1x128x128xf32, #tpu.memory_space<vmem>>
    %dma_wait3A_322 = tpu.memref_squeeze %dma_wait3A_321 : memref<1x128x128xf32, #tpu.memory_space<vmem>> -> memref<128x128xf32, #tpu.memory_space<vmem>>
    %dma_wait3A_323 = arith.constant 0 : i32
    %dma_wait3A_324 = tpu.memref_slice %arg7[%dma_wait3A_318, %dma_wait3A_323] : memref<4x128xi32, #tpu.memory_space<vmem>> -> memref<1x128xi32, #tpu.memory_space<vmem>>
    %dma_wait3A_325 = tpu.memref_squeeze %dma_wait3A_324 : memref<1x128xi32, #tpu.memory_space<vmem>> -> memref<128xi32, #tpu.memory_space<vmem>>
    %dma_wait3A_326 = arith.constant 0 : i32
    %dma_wait3A_327 = arith.constant 0 : i32
    %dma_wait3A_328 = tpu.memref_slice %arg5[%dma_wait3A_326, %dma_wait3A_327] : memref<100000x128xf32, #tpu.memory_space<hbm>> -> memref<100000x128xf32, #tpu.memory_space<hbm>>
    tpu.wait_indirect_dma semaphore(%arg12 : memref<!tpu.dma_semaphore, #tpu.memory_space<semaphore_mem>>) src(%dma_wait3A_322 : memref<128x128xf32, #tpu.memory_space<vmem>>) dst(%dma_wait3A_328 : memref<100000x128xf32, #tpu.memory_space<hbm>>)
    %dma_wait3A_329 = arith.constant 2 : i32
    %dma_wait3A_330 = arith.constant 2 : i32
    %dma_wait3A_331 = arith.constant 0 : i32
    %dma_wait3A_332 = arith.constant 0 : i32
    %dma_wait3A_333 = tpu.memref_slice %arg9[%dma_wait3A_329, %dma_wait3A_331, %dma_wait3A_332] : memref<4x128x128xf32, #tpu.memory_space<vmem>> -> memref<1x128x128xf32, #tpu.memory_space<vmem>>
    %dma_wait3A_334 = tpu.memref_squeeze %dma_wait3A_333 : memref<1x128x128xf32, #tpu.memory_space<vmem>> -> memref<128x128xf32, #tpu.memory_space<vmem>>
    %dma_wait3A_335 = arith.constant 0 : i32
    %dma_wait3A_336 = tpu.memref_slice %arg7[%dma_wait3A_330, %dma_wait3A_335] : memref<4x128xi32, #tpu.memory_space<vmem>> -> memref<1x128xi32, #tpu.memory_space<vmem>>
    %dma_wait3A_337 = tpu.memref_squeeze %dma_wait3A_336 : memref<1x128xi32, #tpu.memory_space<vmem>> -> memref<128xi32, #tpu.memory_space<vmem>>
    %dma_wait3A_338 = arith.constant 0 : i32
    %dma_wait3A_339 = arith.constant 0 : i32
    %dma_wait3A_340 = tpu.memref_slice %arg5[%dma_wait3A_338, %dma_wait3A_339] : memref<100000x128xf32, #tpu.memory_space<hbm>> -> memref<100000x128xf32, #tpu.memory_space<hbm>>
    tpu.wait_indirect_dma semaphore(%arg12 : memref<!tpu.dma_semaphore, #tpu.memory_space<semaphore_mem>>) src(%dma_wait3A_334 : memref<128x128xf32, #tpu.memory_space<vmem>>) dst(%dma_wait3A_340 : memref<100000x128xf32, #tpu.memory_space<hbm>>)
    %dma_wait3A_341 = arith.constant 3 : i32
    %dma_wait3A_342 = arith.constant 3 : i32
    %dma_wait3A_343 = arith.constant 0 : i32
    %dma_wait3A_344 = arith.constant 0 : i32
    %dma_wait3A_345 = tpu.memref_slice %arg9[%dma_wait3A_341, %dma_wait3A_343, %dma_wait3A_344] : memref<4x128x128xf32, #tpu.memory_space<vmem>> -> memref<1x128x128xf32, #tpu.memory_space<vmem>>
    %dma_wait3A_346 = tpu.memref_squeeze %dma_wait3A_345 : memref<1x128x128xf32, #tpu.memory_space<vmem>> -> memref<128x128xf32, #tpu.memory_space<vmem>>
    %dma_wait3A_347 = arith.constant 0 : i32
    %dma_wait3A_348 = tpu.memref_slice %arg7[%dma_wait3A_342, %dma_wait3A_347] : memref<4x128xi32, #tpu.memory_space<vmem>> -> memref<1x128xi32, #tpu.memory_space<vmem>>
    %dma_wait3A_349 = tpu.memref_squeeze %dma_wait3A_348 : memref<1x128xi32, #tpu.memory_space<vmem>> -> memref<128xi32, #tpu.memory_space<vmem>>
    %dma_wait3A_350 = arith.constant 0 : i32
    %dma_wait3A_351 = arith.constant 0 : i32
    %dma_wait3A_352 = tpu.memref_slice %arg5[%dma_wait3A_350, %dma_wait3A_351] : memref<100000x128xf32, #tpu.memory_space<hbm>> -> memref<100000x128xf32, #tpu.memory_space<hbm>>
    tpu.wait_indirect_dma semaphore(%arg12 : memref<!tpu.dma_semaphore, #tpu.memory_space<semaphore_mem>>) src(%dma_wait3A_346 : memref<128x128xf32, #tpu.memory_space<vmem>>) dst(%dma_wait3A_352 : memref<100000x128xf32, #tpu.memory_space<hbm>>)
    return
  }
}

#map = affine_map<(d0, d1) -> (0)>
module attributes {stable_mosaic.version = 14 : i64} {
  func.func @_sca_body(%arg0: i32, %arg1: i32, %arg2: memref<16384xi32, #tpu.memory_space<hbm>>, %arg3: memref<16384xi32, #tpu.memory_space<hbm>>, %arg4: memref<100000xi32, #tpu.memory_space<vmem>>, %arg5: memref<2x2048xi32, #tpu.memory_space<vmem>>, %arg6: memref<512xi32, #tpu.memory_space<vmem>>, %arg7: memref<512xi32, #tpu.memory_space<vmem>>, %arg8: memref<!tpu.dma_semaphore, #tpu.memory_space<semaphore_mem>>, %arg9: memref<!tpu.dma_semaphore, #tpu.memory_space<semaphore_mem>>, %arg10: memref<!tpu.dma_semaphore, #tpu.memory_space<semaphore_mem>>, %arg11: memref<!tpu.dma_semaphore, #tpu.memory_space<semaphore_mem>>) attributes {dimension_semantics = [#tpu.dimension_semantics<core_parallel>, #tpu.dimension_semantics<subcore_parallel>], iteration_bounds = array<i64: 2, 16>, scalar_prefetch = 0 : i64, scratch_operands = 8 : i64, tpu.core_type = #tpu.core_type<sc_vector_subcore>, window_params = [{transform_indices = #map}, {transform_indices = #map}]} {
    %mul3A = arith.constant 2 : i32
    %mul3A_0 = arith.muli %arg1, %mul3A : i32
    %add3A = arith.addi %mul3A_0, %arg0 : i32
    %iota3A = tpu.iota {dimensions = array<i32: 0>} : vector<16xi32>
    %eq3A = arith.constant 15 : i32
    %eq3A_1 = vector.broadcast %eq3A : i32 to vector<16xi32>
    %eq3A_2 = arith.cmpi eq, %iota3A, %eq3A_1 : vector<16xi32>
    %dma_start3A = arith.constant 0 : i32
    %dma_start3A_3 = arith.constant 0 : i32
    %dma_start3A_4 = tpu.memref_slice %arg5[%dma_start3A, %dma_start3A_3] : memref<2x2048xi32, #tpu.memory_space<vmem>> -> memref<1x2048xi32, #tpu.memory_space<vmem>>
    %dma_start3A_5 = tpu.memref_squeeze %dma_start3A_4 : memref<1x2048xi32, #tpu.memory_space<vmem>> -> memref<2048xi32, #tpu.memory_space<vmem>>
    %dma_start3A_6 = arith.constant 0 : i32
    %dma_start3A_7 = tpu.memref_slice %arg2[%dma_start3A_6] : memref<16384xi32, #tpu.memory_space<hbm>> -> memref<2048xi32, #tpu.memory_space<hbm>>
    %dma_start3A_8 = arith.constant 0 : i32
    %dma_start3A_9 = tpu.memref_slice %arg5[%dma_start3A, %dma_start3A_8] : memref<2x2048xi32, #tpu.memory_space<vmem>> -> memref<1x2048xi32, #tpu.memory_space<vmem>>
    %dma_start3A_10 = tpu.memref_squeeze %dma_start3A_9 : memref<1x2048xi32, #tpu.memory_space<vmem>> -> memref<2048xi32, #tpu.memory_space<vmem>>
    %dma_start3A_11 = arith.constant 0 : i32
    %dma_start3A_12 = tpu.memref_slice %arg2[%dma_start3A_11] : memref<16384xi32, #tpu.memory_space<hbm>> -> memref<2048xi32, #tpu.memory_space<hbm>>
    tpu.enqueue_dma source(%dma_start3A_12 : memref<2048xi32, #tpu.memory_space<hbm>>) target(%dma_start3A_10 : memref<2048xi32, #tpu.memory_space<vmem>>) target_semaphore(%arg8 : memref<!tpu.dma_semaphore, #tpu.memory_space<semaphore_mem>>)
    %dma_start3A_13 = arith.constant 1 : i32
    %dma_start3A_14 = arith.constant 0 : i32
    %dma_start3A_15 = tpu.memref_slice %arg5[%dma_start3A_13, %dma_start3A_14] : memref<2x2048xi32, #tpu.memory_space<vmem>> -> memref<1x2048xi32, #tpu.memory_space<vmem>>
    %dma_start3A_16 = tpu.memref_squeeze %dma_start3A_15 : memref<1x2048xi32, #tpu.memory_space<vmem>> -> memref<2048xi32, #tpu.memory_space<vmem>>
    %dma_start3A_17 = arith.constant 2048 : i32
    %dma_start3A_18 = tpu.memref_slice %arg2[%dma_start3A_17] : memref<16384xi32, #tpu.memory_space<hbm>> -> memref<2048xi32, #tpu.memory_space<hbm>>
    %dma_start3A_19 = arith.constant 0 : i32
    %dma_start3A_20 = tpu.memref_slice %arg5[%dma_start3A_13, %dma_start3A_19] : memref<2x2048xi32, #tpu.memory_space<vmem>> -> memref<1x2048xi32, #tpu.memory_space<vmem>>
    %dma_start3A_21 = tpu.memref_squeeze %dma_start3A_20 : memref<1x2048xi32, #tpu.memory_space<vmem>> -> memref<2048xi32, #tpu.memory_space<vmem>>
    %dma_start3A_22 = arith.constant 2048 : i32
    %dma_start3A_23 = tpu.memref_slice %arg2[%dma_start3A_22] : memref<16384xi32, #tpu.memory_space<hbm>> -> memref<2048xi32, #tpu.memory_space<hbm>>
    tpu.enqueue_dma source(%dma_start3A_23 : memref<2048xi32, #tpu.memory_space<hbm>>) target(%dma_start3A_21 : memref<2048xi32, #tpu.memory_space<vmem>>) target_semaphore(%arg9 : memref<!tpu.dma_semaphore, #tpu.memory_space<semaphore_mem>>)
    %dma_wait3A = arith.constant 0 : i32
    %dma_wait3A_24 = arith.constant 0 : i32
    %dma_wait3A_25 = tpu.memref_slice %arg5[%dma_wait3A, %dma_wait3A_24] : memref<2x2048xi32, #tpu.memory_space<vmem>> -> memref<1x2048xi32, #tpu.memory_space<vmem>>
    %dma_wait3A_26 = tpu.memref_squeeze %dma_wait3A_25 : memref<1x2048xi32, #tpu.memory_space<vmem>> -> memref<2048xi32, #tpu.memory_space<vmem>>
    %dma_wait3A_27 = arith.constant 0 : i32
    %dma_wait3A_28 = tpu.memref_slice %arg2[%dma_wait3A_27] : memref<16384xi32, #tpu.memory_space<hbm>> -> memref<2048xi32, #tpu.memory_space<hbm>>
    %dma_wait3A_29 = arith.constant 0 : i32
    %dma_wait3A_30 = tpu.memref_slice %arg5[%dma_wait3A, %dma_wait3A_29] : memref<2x2048xi32, #tpu.memory_space<vmem>> -> memref<1x2048xi32, #tpu.memory_space<vmem>>
    %dma_wait3A_31 = tpu.memref_squeeze %dma_wait3A_30 : memref<1x2048xi32, #tpu.memory_space<vmem>> -> memref<2048xi32, #tpu.memory_space<vmem>>
    %dma_wait3A_32 = arith.constant 0 : i32
    %dma_wait3A_33 = tpu.memref_slice %arg2[%dma_wait3A_32] : memref<16384xi32, #tpu.memory_space<hbm>> -> memref<2048xi32, #tpu.memory_space<hbm>>
    tpu.wait_dma2 semaphore(%arg8 : memref<!tpu.dma_semaphore, #tpu.memory_space<semaphore_mem>>) src(%dma_wait3A_33 : memref<2048xi32, #tpu.memory_space<hbm>>) dst(%dma_wait3A_31 : memref<2048xi32, #tpu.memory_space<vmem>>)
    %scan3A = arith.constant 0 : i32
    %scan3A_34 = arith.constant 128 : i32
    %scan3A_35 = arith.addi %scan3A, %scan3A_34 : i32
    %scan3A_36 = arith.constant 4 : i32
    scf.for %scan3A_231 = %scan3A to %scan3A_35 step %scan3A_36  : i32 {
      %mul3A_232 = arith.constant 1 : i32
      %mul3A_233 = arith.muli %scan3A_231, %mul3A_232 : i32
      %add3A_234 = arith.constant 0 : i32
      %add3A_235 = arith.addi %add3A_234, %mul3A_233 : i32
      %mul3A_236 = arith.constant 16 : i32
      %mul3A_237 = arith.muli %add3A_235, %mul3A_236 : i32
      %get3A = arith.constant 0 : i32
      %get3A_238 = arith.index_cast %get3A : i32 to index
      %get3A_239 = arith.index_cast %mul3A_237 : i32 to index
      %get3A_240 = tpu.vector_load %arg5[%get3A_238, %get3A_239] {strides = array<i32>} : memref<2x2048xi32, #tpu.memory_space<vmem>>, vector<16xi32>,
      %mul3A_241 = arith.constant 16 : i32
      %mul3A_242 = arith.muli %add3A_235, %mul3A_241 : i32
      %add3A_243 = arith.constant 0 : i32
      %add3A_244 = arith.addi %add3A_243, %mul3A_242 : i32
      %add3A_245 = vector.broadcast %add3A_244 : i32 to vector<16xi32>
      %add3A_246 = arith.addi %iota3A, %add3A_245 : vector<16xi32>
      tpu.vector_store_idx %arg4[%get3A_240], %add3A_246 : memref<100000xi32, #tpu.memory_space<vmem>>[vector<16xi32>], vector<16xi32>,
      %gather3A = tpu.vector_load_idx %arg4[%get3A_240] : memref<100000xi32, #tpu.memory_space<vmem>>[vector<16xi32>], vector<16xi32>,
      %lt3A = arith.cmpi slt, %gather3A, %add3A_246 : vector<16xi32>
      tpu.vector_store_idx %arg4[%get3A_240], %add3A_246 masked %lt3A : memref<100000xi32, #tpu.memory_space<vmem>>[vector<16xi32>], vector<16xi32>, vector<16xi1>
      %gather3A_247 = tpu.vector_load_idx %arg4[%get3A_240] : memref<100000xi32, #tpu.memory_space<vmem>>[vector<16xi32>], vector<16xi32>,
      %lt3A_248 = arith.cmpi slt, %gather3A_247, %add3A_246 : vector<16xi32>
      tpu.vector_store_idx %arg4[%get3A_240], %add3A_246 masked %lt3A_248 : memref<100000xi32, #tpu.memory_space<vmem>>[vector<16xi32>], vector<16xi32>, vector<16xi1>
      %scan3A_249 = arith.constant 1 : i32
      %scan3A_250 = arith.addi %scan3A_231, %scan3A_249 : i32
      %mul3A_251 = arith.constant 1 : i32
      %mul3A_252 = arith.muli %scan3A_250, %mul3A_251 : i32
      %add3A_253 = arith.constant 0 : i32
      %add3A_254 = arith.addi %add3A_253, %mul3A_252 : i32
      %mul3A_255 = arith.constant 16 : i32
      %mul3A_256 = arith.muli %add3A_254, %mul3A_255 : i32
      %get3A_257 = arith.constant 0 : i32
      %get3A_258 = arith.index_cast %get3A_257 : i32 to index
      %get3A_259 = arith.index_cast %mul3A_256 : i32 to index
      %get3A_260 = tpu.vector_load %arg5[%get3A_258, %get3A_259] {strides = array<i32>} : memref<2x2048xi32, #tpu.memory_space<vmem>>, vector<16xi32>,
      %mul3A_261 = arith.constant 16 : i32
      %mul3A_262 = arith.muli %add3A_254, %mul3A_261 : i32
      %add3A_263 = arith.constant 0 : i32
      %add3A_264 = arith.addi %add3A_263, %mul3A_262 : i32
      %add3A_265 = vector.broadcast %add3A_264 : i32 to vector<16xi32>
      %add3A_266 = arith.addi %iota3A, %add3A_265 : vector<16xi32>
      tpu.vector_store_idx %arg4[%get3A_260], %add3A_266 : memref<100000xi32, #tpu.memory_space<vmem>>[vector<16xi32>], vector<16xi32>,
      %gather3A_267 = tpu.vector_load_idx %arg4[%get3A_260] : memref<100000xi32, #tpu.memory_space<vmem>>[vector<16xi32>], vector<16xi32>,
      %lt3A_268 = arith.cmpi slt, %gather3A_267, %add3A_266 : vector<16xi32>
      tpu.vector_store_idx %arg4[%get3A_260], %add3A_266 masked %lt3A_268 : memref<100000xi32, #tpu.memory_space<vmem>>[vector<16xi32>], vector<16xi32>, vector<16xi1>
      %gather3A_269 = tpu.vector_load_idx %arg4[%get3A_260] : memref<100000xi32, #tpu.memory_space<vmem>>[vector<16xi32>], vector<16xi32>,
      %lt3A_270 = arith.cmpi slt, %gather3A_269, %add3A_266 : vector<16xi32>
      tpu.vector_store_idx %arg4[%get3A_260], %add3A_266 masked %lt3A_270 : memref<100000xi32, #tpu.memory_space<vmem>>[vector<16xi32>], vector<16xi32>, vector<16xi1>
      %scan3A_271 = arith.constant 2 : i32
      %scan3A_272 = arith.addi %scan3A_231, %scan3A_271 : i32
      %mul3A_273 = arith.constant 1 : i32
      %mul3A_274 = arith.muli %scan3A_272, %mul3A_273 : i32
      %add3A_275 = arith.constant 0 : i32
      %add3A_276 = arith.addi %add3A_275, %mul3A_274 : i32
      %mul3A_277 = arith.constant 16 : i32
      %mul3A_278 = arith.muli %add3A_276, %mul3A_277 : i32
      %get3A_279 = arith.constant 0 : i32
      %get3A_280 = arith.index_cast %get3A_279 : i32 to index
      %get3A_281 = arith.index_cast %mul3A_278 : i32 to index
      %get3A_282 = tpu.vector_load %arg5[%get3A_280, %get3A_281] {strides = array<i32>} : memref<2x2048xi32, #tpu.memory_space<vmem>>, vector<16xi32>,
      %mul3A_283 = arith.constant 16 : i32
      %mul3A_284 = arith.muli %add3A_276, %mul3A_283 : i32
      %add3A_285 = arith.constant 0 : i32
      %add3A_286 = arith.addi %add3A_285, %mul3A_284 : i32
      %add3A_287 = vector.broadcast %add3A_286 : i32 to vector<16xi32>
      %add3A_288 = arith.addi %iota3A, %add3A_287 : vector<16xi32>
      tpu.vector_store_idx %arg4[%get3A_282], %add3A_288 : memref<100000xi32, #tpu.memory_space<vmem>>[vector<16xi32>], vector<16xi32>,
      %gather3A_289 = tpu.vector_load_idx %arg4[%get3A_282] : memref<100000xi32, #tpu.memory_space<vmem>>[vector<16xi32>], vector<16xi32>,
      %lt3A_290 = arith.cmpi slt, %gather3A_289, %add3A_288 : vector<16xi32>
      tpu.vector_store_idx %arg4[%get3A_282], %add3A_288 masked %lt3A_290 : memref<100000xi32, #tpu.memory_space<vmem>>[vector<16xi32>], vector<16xi32>, vector<16xi1>
      %gather3A_291 = tpu.vector_load_idx %arg4[%get3A_282] : memref<100000xi32, #tpu.memory_space<vmem>>[vector<16xi32>], vector<16xi32>,
      %lt3A_292 = arith.cmpi slt, %gather3A_291, %add3A_288 : vector<16xi32>
      tpu.vector_store_idx %arg4[%get3A_282], %add3A_288 masked %lt3A_292 : memref<100000xi32, #tpu.memory_space<vmem>>[vector<16xi32>], vector<16xi32>, vector<16xi1>
      %scan3A_293 = arith.constant 3 : i32
      %scan3A_294 = arith.addi %scan3A_231, %scan3A_293 : i32
      %mul3A_295 = arith.constant 1 : i32
      %mul3A_296 = arith.muli %scan3A_294, %mul3A_295 : i32
      %add3A_297 = arith.constant 0 : i32
      %add3A_298 = arith.addi %add3A_297, %mul3A_296 : i32
      %mul3A_299 = arith.constant 16 : i32
      %mul3A_300 = arith.muli %add3A_298, %mul3A_299 : i32
      %get3A_301 = arith.constant 0 : i32
      %get3A_302 = arith.index_cast %get3A_301 : i32 to index
      %get3A_303 = arith.index_cast %mul3A_300 : i32 to index
      %get3A_304 = tpu.vector_load %arg5[%get3A_302, %get3A_303] {strides = array<i32>} : memref<2x2048xi32, #tpu.memory_space<vmem>>, vector<16xi32>,
      %mul3A_305 = arith.constant 16 : i32
      %mul3A_306 = arith.muli %add3A_298, %mul3A_305 : i32
      %add3A_307 = arith.constant 0 : i32
      %add3A_308 = arith.addi %add3A_307, %mul3A_306 : i32
      %add3A_309 = vector.broadcast %add3A_308 : i32 to vector<16xi32>
      %add3A_310 = arith.addi %iota3A, %add3A_309 : vector<16xi32>
      tpu.vector_store_idx %arg4[%get3A_304], %add3A_310 : memref<100000xi32, #tpu.memory_space<vmem>>[vector<16xi32>], vector<16xi32>,
      %gather3A_311 = tpu.vector_load_idx %arg4[%get3A_304] : memref<100000xi32, #tpu.memory_space<vmem>>[vector<16xi32>], vector<16xi32>,
      %lt3A_312 = arith.cmpi slt, %gather3A_311, %add3A_310 : vector<16xi32>
      tpu.vector_store_idx %arg4[%get3A_304], %add3A_310 masked %lt3A_312 : memref<100000xi32, #tpu.memory_space<vmem>>[vector<16xi32>], vector<16xi32>, vector<16xi1>
      %gather3A_313 = tpu.vector_load_idx %arg4[%get3A_304] : memref<100000xi32, #tpu.memory_space<vmem>>[vector<16xi32>], vector<16xi32>,
      %lt3A_314 = arith.cmpi slt, %gather3A_313, %add3A_310 : vector<16xi32>
      tpu.vector_store_idx %arg4[%get3A_304], %add3A_310 masked %lt3A_314 : memref<100000xi32, #tpu.memory_space<vmem>>[vector<16xi32>], vector<16xi32>, vector<16xi1>
    }
    %scan3A_37 = arith.constant 128 : i32
    %dma_start3A_38 = arith.constant 0 : i32
    %dma_start3A_39 = arith.constant 0 : i32
    %dma_start3A_40 = tpu.memref_slice %arg5[%dma_start3A_38, %dma_start3A_39] : memref<2x2048xi32, #tpu.memory_space<vmem>> -> memref<1x2048xi32, #tpu.memory_space<vmem>>
    %dma_start3A_41 = tpu.memref_squeeze %dma_start3A_40 : memref<1x2048xi32, #tpu.memory_space<vmem>> -> memref<2048xi32, #tpu.memory_space<vmem>>
    %dma_start3A_42 = arith.constant 4096 : i32
    %dma_start3A_43 = tpu.memref_slice %arg2[%dma_start3A_42] : memref<16384xi32, #tpu.memory_space<hbm>> -> memref<2048xi32, #tpu.memory_space<hbm>>
    %dma_start3A_44 = arith.constant 0 : i32
    %dma_start3A_45 = tpu.memref_slice %arg5[%dma_start3A_38, %dma_start3A_44] : memref<2x2048xi32, #tpu.memory_space<vmem>> -> memref<1x2048xi32, #tpu.memory_space<vmem>>
    %dma_start3A_46 = tpu.memref_squeeze %dma_start3A_45 : memref<1x2048xi32, #tpu.memory_space<vmem>> -> memref<2048xi32, #tpu.memory_space<vmem>>
    %dma_start3A_47 = arith.constant 4096 : i32
    %dma_start3A_48 = tpu.memref_slice %arg2[%dma_start3A_47] : memref<16384xi32, #tpu.memory_space<hbm>> -> memref<2048xi32, #tpu.memory_space<hbm>>
    tpu.enqueue_dma source(%dma_start3A_48 : memref<2048xi32, #tpu.memory_space<hbm>>) target(%dma_start3A_46 : memref<2048xi32, #tpu.memory_space<vmem>>) target_semaphore(%arg8 : memref<!tpu.dma_semaphore, #tpu.memory_space<semaphore_mem>>)
    %dma_wait3A_49 = arith.constant 1 : i32
    %dma_wait3A_50 = arith.constant 0 : i32
    %dma_wait3A_51 = tpu.memref_slice %arg5[%dma_wait3A_49, %dma_wait3A_50] : memref<2x2048xi32, #tpu.memory_space<vmem>> -> memref<1x2048xi32, #tpu.memory_space<vmem>>
    %dma_wait3A_52 = tpu.memref_squeeze %dma_wait3A_51 : memref<1x2048xi32, #tpu.memory_space<vmem>> -> memref<2048xi32, #tpu.memory_space<vmem>>
    %dma_wait3A_53 = arith.constant 2048 : i32
    %dma_wait3A_54 = tpu.memref_slice %arg2[%dma_wait3A_53] : memref<16384xi32, #tpu.memory_space<hbm>> -> memref<2048xi32, #tpu.memory_space<hbm>>
    %dma_wait3A_55 = arith.constant 0 : i32
    %dma_wait3A_56 = tpu.memref_slice %arg5[%dma_wait3A_49, %dma_wait3A_55] : memref<2x2048xi32, #tpu.memory_space<vmem>> -> memref<1x2048xi32, #tpu.memory_space<vmem>>
    %dma_wait3A_57 = tpu.memref_squeeze %dma_wait3A_56 : memref<1x2048xi32, #tpu.memory_space<vmem>> -> memref<2048xi32, #tpu.memory_space<vmem>>
    %dma_wait3A_58 = arith.constant 2048 : i32
    %dma_wait3A_59 = tpu.memref_slice %arg2[%dma_wait3A_58] : memref<16384xi32, #tpu.memory_space<hbm>> -> memref<2048xi32, #tpu.memory_space<hbm>>
    tpu.wait_dma2 semaphore(%arg9 : memref<!tpu.dma_semaphore, #tpu.memory_space<semaphore_mem>>) src(%dma_wait3A_59 : memref<2048xi32, #tpu.memory_space<hbm>>) dst(%dma_wait3A_57 : memref<2048xi32, #tpu.memory_space<vmem>>)
    %scan3A_60 = arith.constant 0 : i32
    %scan3A_61 = arith.constant 128 : i32
    %scan3A_62 = arith.addi %scan3A_60, %scan3A_61 : i32
    %scan3A_63 = arith.constant 4 : i32
    scf.for %scan3A_231 = %scan3A_60 to %scan3A_62 step %scan3A_63  : i32 {
      %mul3A_232 = arith.constant 1 : i32
      %mul3A_233 = arith.muli %scan3A_231, %mul3A_232 : i32
      %add3A_234 = arith.constant 0 : i32
      %add3A_235 = arith.addi %add3A_234, %mul3A_233 : i32
      %mul3A_236 = arith.constant 16 : i32
      %mul3A_237 = arith.muli %add3A_235, %mul3A_236 : i32
      %get3A = arith.constant 1 : i32
      %get3A_238 = arith.index_cast %get3A : i32 to index
      %get3A_239 = arith.index_cast %mul3A_237 : i32 to index
      %get3A_240 = tpu.vector_load %arg5[%get3A_238, %get3A_239] {strides = array<i32>} : memref<2x2048xi32, #tpu.memory_space<vmem>>, vector<16xi32>,
      %mul3A_241 = arith.constant 16 : i32
      %mul3A_242 = arith.muli %add3A_235, %mul3A_241 : i32
      %add3A_243 = arith.constant 2048 : i32
      %add3A_244 = arith.addi %add3A_243, %mul3A_242 : i32
      %add3A_245 = vector.broadcast %add3A_244 : i32 to vector<16xi32>
      %add3A_246 = arith.addi %iota3A, %add3A_245 : vector<16xi32>
      tpu.vector_store_idx %arg4[%get3A_240], %add3A_246 : memref<100000xi32, #tpu.memory_space<vmem>>[vector<16xi32>], vector<16xi32>,
      %gather3A = tpu.vector_load_idx %arg4[%get3A_240] : memref<100000xi32, #tpu.memory_space<vmem>>[vector<16xi32>], vector<16xi32>,
      %lt3A = arith.cmpi slt, %gather3A, %add3A_246 : vector<16xi32>
      tpu.vector_store_idx %arg4[%get3A_240], %add3A_246 masked %lt3A : memref<100000xi32, #tpu.memory_space<vmem>>[vector<16xi32>], vector<16xi32>, vector<16xi1>
      %gather3A_247 = tpu.vector_load_idx %arg4[%get3A_240] : memref<100000xi32, #tpu.memory_space<vmem>>[vector<16xi32>], vector<16xi32>,
      %lt3A_248 = arith.cmpi slt, %gather3A_247, %add3A_246 : vector<16xi32>
      tpu.vector_store_idx %arg4[%get3A_240], %add3A_246 masked %lt3A_248 : memref<100000xi32, #tpu.memory_space<vmem>>[vector<16xi32>], vector<16xi32>, vector<16xi1>
      %scan3A_249 = arith.constant 1 : i32
      %scan3A_250 = arith.addi %scan3A_231, %scan3A_249 : i32
      %mul3A_251 = arith.constant 1 : i32
      %mul3A_252 = arith.muli %scan3A_250, %mul3A_251 : i32
      %add3A_253 = arith.constant 0 : i32
      %add3A_254 = arith.addi %add3A_253, %mul3A_252 : i32
      %mul3A_255 = arith.constant 16 : i32
      %mul3A_256 = arith.muli %add3A_254, %mul3A_255 : i32
      %get3A_257 = arith.constant 1 : i32
      %get3A_258 = arith.index_cast %get3A_257 : i32 to index
      %get3A_259 = arith.index_cast %mul3A_256 : i32 to index
      %get3A_260 = tpu.vector_load %arg5[%get3A_258, %get3A_259] {strides = array<i32>} : memref<2x2048xi32, #tpu.memory_space<vmem>>, vector<16xi32>,
      %mul3A_261 = arith.constant 16 : i32
      %mul3A_262 = arith.muli %add3A_254, %mul3A_261 : i32
      %add3A_263 = arith.constant 2048 : i32
      %add3A_264 = arith.addi %add3A_263, %mul3A_262 : i32
      %add3A_265 = vector.broadcast %add3A_264 : i32 to vector<16xi32>
      %add3A_266 = arith.addi %iota3A, %add3A_265 : vector<16xi32>
      tpu.vector_store_idx %arg4[%get3A_260], %add3A_266 : memref<100000xi32, #tpu.memory_space<vmem>>[vector<16xi32>], vector<16xi32>,
      %gather3A_267 = tpu.vector_load_idx %arg4[%get3A_260] : memref<100000xi32, #tpu.memory_space<vmem>>[vector<16xi32>], vector<16xi32>,
      %lt3A_268 = arith.cmpi slt, %gather3A_267, %add3A_266 : vector<16xi32>
      tpu.vector_store_idx %arg4[%get3A_260], %add3A_266 masked %lt3A_268 : memref<100000xi32, #tpu.memory_space<vmem>>[vector<16xi32>], vector<16xi32>, vector<16xi1>
      %gather3A_269 = tpu.vector_load_idx %arg4[%get3A_260] : memref<100000xi32, #tpu.memory_space<vmem>>[vector<16xi32>], vector<16xi32>,
      %lt3A_270 = arith.cmpi slt, %gather3A_269, %add3A_266 : vector<16xi32>
      tpu.vector_store_idx %arg4[%get3A_260], %add3A_266 masked %lt3A_270 : memref<100000xi32, #tpu.memory_space<vmem>>[vector<16xi32>], vector<16xi32>, vector<16xi1>
      %scan3A_271 = arith.constant 2 : i32
      %scan3A_272 = arith.addi %scan3A_231, %scan3A_271 : i32
      %mul3A_273 = arith.constant 1 : i32
      %mul3A_274 = arith.muli %scan3A_272, %mul3A_273 : i32
      %add3A_275 = arith.constant 0 : i32
      %add3A_276 = arith.addi %add3A_275, %mul3A_274 : i32
      %mul3A_277 = arith.constant 16 : i32
      %mul3A_278 = arith.muli %add3A_276, %mul3A_277 : i32
      %get3A_279 = arith.constant 1 : i32
      %get3A_280 = arith.index_cast %get3A_279 : i32 to index
      %get3A_281 = arith.index_cast %mul3A_278 : i32 to index
      %get3A_282 = tpu.vector_load %arg5[%get3A_280, %get3A_281] {strides = array<i32>} : memref<2x2048xi32, #tpu.memory_space<vmem>>, vector<16xi32>,
      %mul3A_283 = arith.constant 16 : i32
      %mul3A_284 = arith.muli %add3A_276, %mul3A_283 : i32
      %add3A_285 = arith.constant 2048 : i32
      %add3A_286 = arith.addi %add3A_285, %mul3A_284 : i32
      %add3A_287 = vector.broadcast %add3A_286 : i32 to vector<16xi32>
      %add3A_288 = arith.addi %iota3A, %add3A_287 : vector<16xi32>
      tpu.vector_store_idx %arg4[%get3A_282], %add3A_288 : memref<100000xi32, #tpu.memory_space<vmem>>[vector<16xi32>], vector<16xi32>,
      %gather3A_289 = tpu.vector_load_idx %arg4[%get3A_282] : memref<100000xi32, #tpu.memory_space<vmem>>[vector<16xi32>], vector<16xi32>,
      %lt3A_290 = arith.cmpi slt, %gather3A_289, %add3A_288 : vector<16xi32>
      tpu.vector_store_idx %arg4[%get3A_282], %add3A_288 masked %lt3A_290 : memref<100000xi32, #tpu.memory_space<vmem>>[vector<16xi32>], vector<16xi32>, vector<16xi1>
      %gather3A_291 = tpu.vector_load_idx %arg4[%get3A_282] : memref<100000xi32, #tpu.memory_space<vmem>>[vector<16xi32>], vector<16xi32>,
      %lt3A_292 = arith.cmpi slt, %gather3A_291, %add3A_288 : vector<16xi32>
      tpu.vector_store_idx %arg4[%get3A_282], %add3A_288 masked %lt3A_292 : memref<100000xi32, #tpu.memory_space<vmem>>[vector<16xi32>], vector<16xi32>, vector<16xi1>
      %scan3A_293 = arith.constant 3 : i32
      %scan3A_294 = arith.addi %scan3A_231, %scan3A_293 : i32
      %mul3A_295 = arith.constant 1 : i32
      %mul3A_296 = arith.muli %scan3A_294, %mul3A_295 : i32
      %add3A_297 = arith.constant 0 : i32
      %add3A_298 = arith.addi %add3A_297, %mul3A_296 : i32
      %mul3A_299 = arith.constant 16 : i32
      %mul3A_300 = arith.muli %add3A_298, %mul3A_299 : i32
      %get3A_301 = arith.constant 1 : i32
      %get3A_302 = arith.index_cast %get3A_301 : i32 to index
      %get3A_303 = arith.index_cast %mul3A_300 : i32 to index
      %get3A_304 = tpu.vector_load %arg5[%get3A_302, %get3A_303] {strides = array<i32>} : memref<2x2048xi32, #tpu.memory_space<vmem>>, vector<16xi32>,
      %mul3A_305 = arith.constant 16 : i32
      %mul3A_306 = arith.muli %add3A_298, %mul3A_305 : i32
      %add3A_307 = arith.constant 2048 : i32
      %add3A_308 = arith.addi %add3A_307, %mul3A_306 : i32
      %add3A_309 = vector.broadcast %add3A_308 : i32 to vector<16xi32>
      %add3A_310 = arith.addi %iota3A, %add3A_309 : vector<16xi32>
      tpu.vector_store_idx %arg4[%get3A_304], %add3A_310 : memref<100000xi32, #tpu.memory_space<vmem>>[vector<16xi32>], vector<16xi32>,
      %gather3A_311 = tpu.vector_load_idx %arg4[%get3A_304] : memref<100000xi32, #tpu.memory_space<vmem>>[vector<16xi32>], vector<16xi32>,
      %lt3A_312 = arith.cmpi slt, %gather3A_311, %add3A_310 : vector<16xi32>
      tpu.vector_store_idx %arg4[%get3A_304], %add3A_310 masked %lt3A_312 : memref<100000xi32, #tpu.memory_space<vmem>>[vector<16xi32>], vector<16xi32>, vector<16xi1>
      %gather3A_313 = tpu.vector_load_idx %arg4[%get3A_304] : memref<100000xi32, #tpu.memory_space<vmem>>[vector<16xi32>], vector<16xi32>,
      %lt3A_314 = arith.cmpi slt, %gather3A_313, %add3A_310 : vector<16xi32>
      tpu.vector_store_idx %arg4[%get3A_304], %add3A_310 masked %lt3A_314 : memref<100000xi32, #tpu.memory_space<vmem>>[vector<16xi32>], vector<16xi32>, vector<16xi1>
    }
    %scan3A_64 = arith.constant 128 : i32
    %dma_start3A_65 = arith.constant 1 : i32
    %dma_start3A_66 = arith.constant 0 : i32
    %dma_start3A_67 = tpu.memref_slice %arg5[%dma_start3A_65, %dma_start3A_66] : memref<2x2048xi32, #tpu.memory_space<vmem>> -> memref<1x2048xi32, #tpu.memory_space<vmem>>
    %dma_start3A_68 = tpu.memref_squeeze %dma_start3A_67 : memref<1x2048xi32, #tpu.memory_space<vmem>> -> memref<2048xi32, #tpu.memory_space<vmem>>
    %dma_start3A_69 = arith.constant 6144 : i32
    %dma_start3A_70 = tpu.memref_slice %arg2[%dma_start3A_69] : memref<16384xi32, #tpu.memory_space<hbm>> -> memref<2048xi32, #tpu.memory_space<hbm>>
    %dma_start3A_71 = arith.constant 0 : i32
    %dma_start3A_72 = tpu.memref_slice %arg5[%dma_start3A_65, %dma_start3A_71] : memref<2x2048xi32, #tpu.memory_space<vmem>> -> memref<1x2048xi32, #tpu.memory_space<vmem>>
    %dma_start3A_73 = tpu.memref_squeeze %dma_start3A_72 : memref<1x2048xi32, #tpu.memory_space<vmem>> -> memref<2048xi32, #tpu.memory_space<vmem>>
    %dma_start3A_74 = arith.constant 6144 : i32
    %dma_start3A_75 = tpu.memref_slice %arg2[%dma_start3A_74] : memref<16384xi32, #tpu.memory_space<hbm>> -> memref<2048xi32, #tpu.memory_space<hbm>>
    tpu.enqueue_dma source(%dma_start3A_75 : memref<2048xi32, #tpu.memory_space<hbm>>) target(%dma_start3A_73 : memref<2048xi32, #tpu.memory_space<vmem>>) target_semaphore(%arg9 : memref<!tpu.dma_semaphore, #tpu.memory_space<semaphore_mem>>)
    %dma_wait3A_76 = arith.constant 0 : i32
    %dma_wait3A_77 = arith.constant 0 : i32
    %dma_wait3A_78 = tpu.memref_slice %arg5[%dma_wait3A_76, %dma_wait3A_77] : memref<2x2048xi32, #tpu.memory_space<vmem>> -> memref<1x2048xi32, #tpu.memory_space<vmem>>
    %dma_wait3A_79 = tpu.memref_squeeze %dma_wait3A_78 : memref<1x2048xi32, #tpu.memory_space<vmem>> -> memref<2048xi32, #tpu.memory_space<vmem>>
    %dma_wait3A_80 = arith.constant 4096 : i32
    %dma_wait3A_81 = tpu.memref_slice %arg2[%dma_wait3A_80] : memref<16384xi32, #tpu.memory_space<hbm>> -> memref<2048xi32, #tpu.memory_space<hbm>>
    %dma_wait3A_82 = arith.constant 0 : i32
    %dma_wait3A_83 = tpu.memref_slice %arg5[%dma_wait3A_76, %dma_wait3A_82] : memref<2x2048xi32, #tpu.memory_space<vmem>> -> memref<1x2048xi32, #tpu.memory_space<vmem>>
    %dma_wait3A_84 = tpu.memref_squeeze %dma_wait3A_83 : memref<1x2048xi32, #tpu.memory_space<vmem>> -> memref<2048xi32, #tpu.memory_space<vmem>>
    %dma_wait3A_85 = arith.constant 4096 : i32
    %dma_wait3A_86 = tpu.memref_slice %arg2[%dma_wait3A_85] : memref<16384xi32, #tpu.memory_space<hbm>> -> memref<2048xi32, #tpu.memory_space<hbm>>
    tpu.wait_dma2 semaphore(%arg8 : memref<!tpu.dma_semaphore, #tpu.memory_space<semaphore_mem>>) src(%dma_wait3A_86 : memref<2048xi32, #tpu.memory_space<hbm>>) dst(%dma_wait3A_84 : memref<2048xi32, #tpu.memory_space<vmem>>)
    %scan3A_87 = arith.constant 0 : i32
    %scan3A_88 = arith.constant 128 : i32
    %scan3A_89 = arith.addi %scan3A_87, %scan3A_88 : i32
    %scan3A_90 = arith.constant 4 : i32
    scf.for %scan3A_231 = %scan3A_87 to %scan3A_89 step %scan3A_90  : i32 {
      %mul3A_232 = arith.constant 1 : i32
      %mul3A_233 = arith.muli %scan3A_231, %mul3A_232 : i32
      %add3A_234 = arith.constant 0 : i32
      %add3A_235 = arith.addi %add3A_234, %mul3A_233 : i32
      %mul3A_236 = arith.constant 16 : i32
      %mul3A_237 = arith.muli %add3A_235, %mul3A_236 : i32
      %get3A = arith.constant 0 : i32
      %get3A_238 = arith.index_cast %get3A : i32 to index
      %get3A_239 = arith.index_cast %mul3A_237 : i32 to index
      %get3A_240 = tpu.vector_load %arg5[%get3A_238, %get3A_239] {strides = array<i32>} : memref<2x2048xi32, #tpu.memory_space<vmem>>, vector<16xi32>,
      %mul3A_241 = arith.constant 16 : i32
      %mul3A_242 = arith.muli %add3A_235, %mul3A_241 : i32
      %add3A_243 = arith.constant 4096 : i32
      %add3A_244 = arith.addi %add3A_243, %mul3A_242 : i32
      %add3A_245 = vector.broadcast %add3A_244 : i32 to vector<16xi32>
      %add3A_246 = arith.addi %iota3A, %add3A_245 : vector<16xi32>
      tpu.vector_store_idx %arg4[%get3A_240], %add3A_246 : memref<100000xi32, #tpu.memory_space<vmem>>[vector<16xi32>], vector<16xi32>,
      %gather3A = tpu.vector_load_idx %arg4[%get3A_240] : memref<100000xi32, #tpu.memory_space<vmem>>[vector<16xi32>], vector<16xi32>,
      %lt3A = arith.cmpi slt, %gather3A, %add3A_246 : vector<16xi32>
      tpu.vector_store_idx %arg4[%get3A_240], %add3A_246 masked %lt3A : memref<100000xi32, #tpu.memory_space<vmem>>[vector<16xi32>], vector<16xi32>, vector<16xi1>
      %gather3A_247 = tpu.vector_load_idx %arg4[%get3A_240] : memref<100000xi32, #tpu.memory_space<vmem>>[vector<16xi32>], vector<16xi32>,
      %lt3A_248 = arith.cmpi slt, %gather3A_247, %add3A_246 : vector<16xi32>
      tpu.vector_store_idx %arg4[%get3A_240], %add3A_246 masked %lt3A_248 : memref<100000xi32, #tpu.memory_space<vmem>>[vector<16xi32>], vector<16xi32>, vector<16xi1>
      %scan3A_249 = arith.constant 1 : i32
      %scan3A_250 = arith.addi %scan3A_231, %scan3A_249 : i32
      %mul3A_251 = arith.constant 1 : i32
      %mul3A_252 = arith.muli %scan3A_250, %mul3A_251 : i32
      %add3A_253 = arith.constant 0 : i32
      %add3A_254 = arith.addi %add3A_253, %mul3A_252 : i32
      %mul3A_255 = arith.constant 16 : i32
      %mul3A_256 = arith.muli %add3A_254, %mul3A_255 : i32
      %get3A_257 = arith.constant 0 : i32
      %get3A_258 = arith.index_cast %get3A_257 : i32 to index
      %get3A_259 = arith.index_cast %mul3A_256 : i32 to index
      %get3A_260 = tpu.vector_load %arg5[%get3A_258, %get3A_259] {strides = array<i32>} : memref<2x2048xi32, #tpu.memory_space<vmem>>, vector<16xi32>,
      %mul3A_261 = arith.constant 16 : i32
      %mul3A_262 = arith.muli %add3A_254, %mul3A_261 : i32
      %add3A_263 = arith.constant 4096 : i32
      %add3A_264 = arith.addi %add3A_263, %mul3A_262 : i32
      %add3A_265 = vector.broadcast %add3A_264 : i32 to vector<16xi32>
      %add3A_266 = arith.addi %iota3A, %add3A_265 : vector<16xi32>
      tpu.vector_store_idx %arg4[%get3A_260], %add3A_266 : memref<100000xi32, #tpu.memory_space<vmem>>[vector<16xi32>], vector<16xi32>,
      %gather3A_267 = tpu.vector_load_idx %arg4[%get3A_260] : memref<100000xi32, #tpu.memory_space<vmem>>[vector<16xi32>], vector<16xi32>,
      %lt3A_268 = arith.cmpi slt, %gather3A_267, %add3A_266 : vector<16xi32>
      tpu.vector_store_idx %arg4[%get3A_260], %add3A_266 masked %lt3A_268 : memref<100000xi32, #tpu.memory_space<vmem>>[vector<16xi32>], vector<16xi32>, vector<16xi1>
      %gather3A_269 = tpu.vector_load_idx %arg4[%get3A_260] : memref<100000xi32, #tpu.memory_space<vmem>>[vector<16xi32>], vector<16xi32>,
      %lt3A_270 = arith.cmpi slt, %gather3A_269, %add3A_266 : vector<16xi32>
      tpu.vector_store_idx %arg4[%get3A_260], %add3A_266 masked %lt3A_270 : memref<100000xi32, #tpu.memory_space<vmem>>[vector<16xi32>], vector<16xi32>, vector<16xi1>
      %scan3A_271 = arith.constant 2 : i32
      %scan3A_272 = arith.addi %scan3A_231, %scan3A_271 : i32
      %mul3A_273 = arith.constant 1 : i32
      %mul3A_274 = arith.muli %scan3A_272, %mul3A_273 : i32
      %add3A_275 = arith.constant 0 : i32
      %add3A_276 = arith.addi %add3A_275, %mul3A_274 : i32
      %mul3A_277 = arith.constant 16 : i32
      %mul3A_278 = arith.muli %add3A_276, %mul3A_277 : i32
      %get3A_279 = arith.constant 0 : i32
      %get3A_280 = arith.index_cast %get3A_279 : i32 to index
      %get3A_281 = arith.index_cast %mul3A_278 : i32 to index
      %get3A_282 = tpu.vector_load %arg5[%get3A_280, %get3A_281] {strides = array<i32>} : memref<2x2048xi32, #tpu.memory_space<vmem>>, vector<16xi32>,
      %mul3A_283 = arith.constant 16 : i32
      %mul3A_284 = arith.muli %add3A_276, %mul3A_283 : i32
      %add3A_285 = arith.constant 4096 : i32
      %add3A_286 = arith.addi %add3A_285, %mul3A_284 : i32
      %add3A_287 = vector.broadcast %add3A_286 : i32 to vector<16xi32>
      %add3A_288 = arith.addi %iota3A, %add3A_287 : vector<16xi32>
      tpu.vector_store_idx %arg4[%get3A_282], %add3A_288 : memref<100000xi32, #tpu.memory_space<vmem>>[vector<16xi32>], vector<16xi32>,
      %gather3A_289 = tpu.vector_load_idx %arg4[%get3A_282] : memref<100000xi32, #tpu.memory_space<vmem>>[vector<16xi32>], vector<16xi32>,
      %lt3A_290 = arith.cmpi slt, %gather3A_289, %add3A_288 : vector<16xi32>
      tpu.vector_store_idx %arg4[%get3A_282], %add3A_288 masked %lt3A_290 : memref<100000xi32, #tpu.memory_space<vmem>>[vector<16xi32>], vector<16xi32>, vector<16xi1>
      %gather3A_291 = tpu.vector_load_idx %arg4[%get3A_282] : memref<100000xi32, #tpu.memory_space<vmem>>[vector<16xi32>], vector<16xi32>,
      %lt3A_292 = arith.cmpi slt, %gather3A_291, %add3A_288 : vector<16xi32>
      tpu.vector_store_idx %arg4[%get3A_282], %add3A_288 masked %lt3A_292 : memref<100000xi32, #tpu.memory_space<vmem>>[vector<16xi32>], vector<16xi32>, vector<16xi1>
      %scan3A_293 = arith.constant 3 : i32
      %scan3A_294 = arith.addi %scan3A_231, %scan3A_293 : i32
      %mul3A_295 = arith.constant 1 : i32
      %mul3A_296 = arith.muli %scan3A_294, %mul3A_295 : i32
      %add3A_297 = arith.constant 0 : i32
      %add3A_298 = arith.addi %add3A_297, %mul3A_296 : i32
      %mul3A_299 = arith.constant 16 : i32
      %mul3A_300 = arith.muli %add3A_298, %mul3A_299 : i32
      %get3A_301 = arith.constant 0 : i32
      %get3A_302 = arith.index_cast %get3A_301 : i32 to index
      %get3A_303 = arith.index_cast %mul3A_300 : i32 to index
      %get3A_304 = tpu.vector_load %arg5[%get3A_302, %get3A_303] {strides = array<i32>} : memref<2x2048xi32, #tpu.memory_space<vmem>>, vector<16xi32>,
      %mul3A_305 = arith.constant 16 : i32
      %mul3A_306 = arith.muli %add3A_298, %mul3A_305 : i32
      %add3A_307 = arith.constant 4096 : i32
      %add3A_308 = arith.addi %add3A_307, %mul3A_306 : i32
      %add3A_309 = vector.broadcast %add3A_308 : i32 to vector<16xi32>
      %add3A_310 = arith.addi %iota3A, %add3A_309 : vector<16xi32>
      tpu.vector_store_idx %arg4[%get3A_304], %add3A_310 : memref<100000xi32, #tpu.memory_space<vmem>>[vector<16xi32>], vector<16xi32>,
      %gather3A_311 = tpu.vector_load_idx %arg4[%get3A_304] : memref<100000xi32, #tpu.memory_space<vmem>>[vector<16xi32>], vector<16xi32>,
      %lt3A_312 = arith.cmpi slt, %gather3A_311, %add3A_310 : vector<16xi32>
      tpu.vector_store_idx %arg4[%get3A_304], %add3A_310 masked %lt3A_312 : memref<100000xi32, #tpu.memory_space<vmem>>[vector<16xi32>], vector<16xi32>, vector<16xi1>
      %gather3A_313 = tpu.vector_load_idx %arg4[%get3A_304] : memref<100000xi32, #tpu.memory_space<vmem>>[vector<16xi32>], vector<16xi32>,
      %lt3A_314 = arith.cmpi slt, %gather3A_313, %add3A_310 : vector<16xi32>
      tpu.vector_store_idx %arg4[%get3A_304], %add3A_310 masked %lt3A_314 : memref<100000xi32, #tpu.memory_space<vmem>>[vector<16xi32>], vector<16xi32>, vector<16xi1>
    }
    %scan3A_91 = arith.constant 128 : i32
    %dma_start3A_92 = arith.constant 0 : i32
    %dma_start3A_93 = arith.constant 0 : i32
    %dma_start3A_94 = tpu.memref_slice %arg5[%dma_start3A_92, %dma_start3A_93] : memref<2x2048xi32, #tpu.memory_space<vmem>> -> memref<1x2048xi32, #tpu.memory_space<vmem>>
    %dma_start3A_95 = tpu.memref_squeeze %dma_start3A_94 : memref<1x2048xi32, #tpu.memory_space<vmem>> -> memref<2048xi32, #tpu.memory_space<vmem>>
    %dma_start3A_96 = arith.constant 8192 : i32
    %dma_start3A_97 = tpu.memref_slice %arg2[%dma_start3A_96] : memref<16384xi32, #tpu.memory_space<hbm>> -> memref<2048xi32, #tpu.memory_space<hbm>>
    %dma_start3A_98 = arith.constant 0 : i32
    %dma_start3A_99 = tpu.memref_slice %arg5[%dma_start3A_92, %dma_start3A_98] : memref<2x2048xi32, #tpu.memory_space<vmem>> -> memref<1x2048xi32, #tpu.memory_space<vmem>>
    %dma_start3A_100 = tpu.memref_squeeze %dma_start3A_99 : memref<1x2048xi32, #tpu.memory_space<vmem>> -> memref<2048xi32, #tpu.memory_space<vmem>>
    %dma_start3A_101 = arith.constant 8192 : i32
    %dma_start3A_102 = tpu.memref_slice %arg2[%dma_start3A_101] : memref<16384xi32, #tpu.memory_space<hbm>> -> memref<2048xi32, #tpu.memory_space<hbm>>
    tpu.enqueue_dma source(%dma_start3A_102 : memref<2048xi32, #tpu.memory_space<hbm>>) target(%dma_start3A_100 : memref<2048xi32, #tpu.memory_space<vmem>>) target_semaphore(%arg8 : memref<!tpu.dma_semaphore, #tpu.memory_space<semaphore_mem>>)
    %dma_wait3A_103 = arith.constant 1 : i32
    %dma_wait3A_104 = arith.constant 0 : i32
    %dma_wait3A_105 = tpu.memref_slice %arg5[%dma_wait3A_103, %dma_wait3A_104] : memref<2x2048xi32, #tpu.memory_space<vmem>> -> memref<1x2048xi32, #tpu.memory_space<vmem>>
    %dma_wait3A_106 = tpu.memref_squeeze %dma_wait3A_105 : memref<1x2048xi32, #tpu.memory_space<vmem>> -> memref<2048xi32, #tpu.memory_space<vmem>>
    %dma_wait3A_107 = arith.constant 6144 : i32
    %dma_wait3A_108 = tpu.memref_slice %arg2[%dma_wait3A_107] : memref<16384xi32, #tpu.memory_space<hbm>> -> memref<2048xi32, #tpu.memory_space<hbm>>
    %dma_wait3A_109 = arith.constant 0 : i32
    %dma_wait3A_110 = tpu.memref_slice %arg5[%dma_wait3A_103, %dma_wait3A_109] : memref<2x2048xi32, #tpu.memory_space<vmem>> -> memref<1x2048xi32, #tpu.memory_space<vmem>>
    %dma_wait3A_111 = tpu.memref_squeeze %dma_wait3A_110 : memref<1x2048xi32, #tpu.memory_space<vmem>> -> memref<2048xi32, #tpu.memory_space<vmem>>
    %dma_wait3A_112 = arith.constant 6144 : i32
    %dma_wait3A_113 = tpu.memref_slice %arg2[%dma_wait3A_112] : memref<16384xi32, #tpu.memory_space<hbm>> -> memref<2048xi32, #tpu.memory_space<hbm>>
    tpu.wait_dma2 semaphore(%arg9 : memref<!tpu.dma_semaphore, #tpu.memory_space<semaphore_mem>>) src(%dma_wait3A_113 : memref<2048xi32, #tpu.memory_space<hbm>>) dst(%dma_wait3A_111 : memref<2048xi32, #tpu.memory_space<vmem>>)
    %scan3A_114 = arith.constant 0 : i32
    %scan3A_115 = arith.constant 128 : i32
    %scan3A_116 = arith.addi %scan3A_114, %scan3A_115 : i32
    %scan3A_117 = arith.constant 4 : i32
    scf.for %scan3A_231 = %scan3A_114 to %scan3A_116 step %scan3A_117  : i32 {
      %mul3A_232 = arith.constant 1 : i32
      %mul3A_233 = arith.muli %scan3A_231, %mul3A_232 : i32
      %add3A_234 = arith.constant 0 : i32
      %add3A_235 = arith.addi %add3A_234, %mul3A_233 : i32
      %mul3A_236 = arith.constant 16 : i32
      %mul3A_237 = arith.muli %add3A_235, %mul3A_236 : i32
      %get3A = arith.constant 1 : i32
      %get3A_238 = arith.index_cast %get3A : i32 to index
      %get3A_239 = arith.index_cast %mul3A_237 : i32 to index
      %get3A_240 = tpu.vector_load %arg5[%get3A_238, %get3A_239] {strides = array<i32>} : memref<2x2048xi32, #tpu.memory_space<vmem>>, vector<16xi32>,
      %mul3A_241 = arith.constant 16 : i32
      %mul3A_242 = arith.muli %add3A_235, %mul3A_241 : i32
      %add3A_243 = arith.constant 6144 : i32
      %add3A_244 = arith.addi %add3A_243, %mul3A_242 : i32
      %add3A_245 = vector.broadcast %add3A_244 : i32 to vector<16xi32>
      %add3A_246 = arith.addi %iota3A, %add3A_245 : vector<16xi32>
      tpu.vector_store_idx %arg4[%get3A_240], %add3A_246 : memref<100000xi32, #tpu.memory_space<vmem>>[vector<16xi32>], vector<16xi32>,
      %gather3A = tpu.vector_load_idx %arg4[%get3A_240] : memref<100000xi32, #tpu.memory_space<vmem>>[vector<16xi32>], vector<16xi32>,
      %lt3A = arith.cmpi slt, %gather3A, %add3A_246 : vector<16xi32>
      tpu.vector_store_idx %arg4[%get3A_240], %add3A_246 masked %lt3A : memref<100000xi32, #tpu.memory_space<vmem>>[vector<16xi32>], vector<16xi32>, vector<16xi1>
      %gather3A_247 = tpu.vector_load_idx %arg4[%get3A_240] : memref<100000xi32, #tpu.memory_space<vmem>>[vector<16xi32>], vector<16xi32>,
      %lt3A_248 = arith.cmpi slt, %gather3A_247, %add3A_246 : vector<16xi32>
      tpu.vector_store_idx %arg4[%get3A_240], %add3A_246 masked %lt3A_248 : memref<100000xi32, #tpu.memory_space<vmem>>[vector<16xi32>], vector<16xi32>, vector<16xi1>
      %scan3A_249 = arith.constant 1 : i32
      %scan3A_250 = arith.addi %scan3A_231, %scan3A_249 : i32
      %mul3A_251 = arith.constant 1 : i32
      %mul3A_252 = arith.muli %scan3A_250, %mul3A_251 : i32
      %add3A_253 = arith.constant 0 : i32
      %add3A_254 = arith.addi %add3A_253, %mul3A_252 : i32
      %mul3A_255 = arith.constant 16 : i32
      %mul3A_256 = arith.muli %add3A_254, %mul3A_255 : i32
      %get3A_257 = arith.constant 1 : i32
      %get3A_258 = arith.index_cast %get3A_257 : i32 to index
      %get3A_259 = arith.index_cast %mul3A_256 : i32 to index
      %get3A_260 = tpu.vector_load %arg5[%get3A_258, %get3A_259] {strides = array<i32>} : memref<2x2048xi32, #tpu.memory_space<vmem>>, vector<16xi32>,
      %mul3A_261 = arith.constant 16 : i32
      %mul3A_262 = arith.muli %add3A_254, %mul3A_261 : i32
      %add3A_263 = arith.constant 6144 : i32
      %add3A_264 = arith.addi %add3A_263, %mul3A_262 : i32
      %add3A_265 = vector.broadcast %add3A_264 : i32 to vector<16xi32>
      %add3A_266 = arith.addi %iota3A, %add3A_265 : vector<16xi32>
      tpu.vector_store_idx %arg4[%get3A_260], %add3A_266 : memref<100000xi32, #tpu.memory_space<vmem>>[vector<16xi32>], vector<16xi32>,
      %gather3A_267 = tpu.vector_load_idx %arg4[%get3A_260] : memref<100000xi32, #tpu.memory_space<vmem>>[vector<16xi32>], vector<16xi32>,
      %lt3A_268 = arith.cmpi slt, %gather3A_267, %add3A_266 : vector<16xi32>
      tpu.vector_store_idx %arg4[%get3A_260], %add3A_266 masked %lt3A_268 : memref<100000xi32, #tpu.memory_space<vmem>>[vector<16xi32>], vector<16xi32>, vector<16xi1>
      %gather3A_269 = tpu.vector_load_idx %arg4[%get3A_260] : memref<100000xi32, #tpu.memory_space<vmem>>[vector<16xi32>], vector<16xi32>,
      %lt3A_270 = arith.cmpi slt, %gather3A_269, %add3A_266 : vector<16xi32>
      tpu.vector_store_idx %arg4[%get3A_260], %add3A_266 masked %lt3A_270 : memref<100000xi32, #tpu.memory_space<vmem>>[vector<16xi32>], vector<16xi32>, vector<16xi1>
      %scan3A_271 = arith.constant 2 : i32
      %scan3A_272 = arith.addi %scan3A_231, %scan3A_271 : i32
      %mul3A_273 = arith.constant 1 : i32
      %mul3A_274 = arith.muli %scan3A_272, %mul3A_273 : i32
      %add3A_275 = arith.constant 0 : i32
      %add3A_276 = arith.addi %add3A_275, %mul3A_274 : i32
      %mul3A_277 = arith.constant 16 : i32
      %mul3A_278 = arith.muli %add3A_276, %mul3A_277 : i32
      %get3A_279 = arith.constant 1 : i32
      %get3A_280 = arith.index_cast %get3A_279 : i32 to index
      %get3A_281 = arith.index_cast %mul3A_278 : i32 to index
      %get3A_282 = tpu.vector_load %arg5[%get3A_280, %get3A_281] {strides = array<i32>} : memref<2x2048xi32, #tpu.memory_space<vmem>>, vector<16xi32>,
      %mul3A_283 = arith.constant 16 : i32
      %mul3A_284 = arith.muli %add3A_276, %mul3A_283 : i32
      %add3A_285 = arith.constant 6144 : i32
      %add3A_286 = arith.addi %add3A_285, %mul3A_284 : i32
      %add3A_287 = vector.broadcast %add3A_286 : i32 to vector<16xi32>
      %add3A_288 = arith.addi %iota3A, %add3A_287 : vector<16xi32>
      tpu.vector_store_idx %arg4[%get3A_282], %add3A_288 : memref<100000xi32, #tpu.memory_space<vmem>>[vector<16xi32>], vector<16xi32>,
      %gather3A_289 = tpu.vector_load_idx %arg4[%get3A_282] : memref<100000xi32, #tpu.memory_space<vmem>>[vector<16xi32>], vector<16xi32>,
      %lt3A_290 = arith.cmpi slt, %gather3A_289, %add3A_288 : vector<16xi32>
      tpu.vector_store_idx %arg4[%get3A_282], %add3A_288 masked %lt3A_290 : memref<100000xi32, #tpu.memory_space<vmem>>[vector<16xi32>], vector<16xi32>, vector<16xi1>
      %gather3A_291 = tpu.vector_load_idx %arg4[%get3A_282] : memref<100000xi32, #tpu.memory_space<vmem>>[vector<16xi32>], vector<16xi32>,
      %lt3A_292 = arith.cmpi slt, %gather3A_291, %add3A_288 : vector<16xi32>
      tpu.vector_store_idx %arg4[%get3A_282], %add3A_288 masked %lt3A_292 : memref<100000xi32, #tpu.memory_space<vmem>>[vector<16xi32>], vector<16xi32>, vector<16xi1>
      %scan3A_293 = arith.constant 3 : i32
      %scan3A_294 = arith.addi %scan3A_231, %scan3A_293 : i32
      %mul3A_295 = arith.constant 1 : i32
      %mul3A_296 = arith.muli %scan3A_294, %mul3A_295 : i32
      %add3A_297 = arith.constant 0 : i32
      %add3A_298 = arith.addi %add3A_297, %mul3A_296 : i32
      %mul3A_299 = arith.constant 16 : i32
      %mul3A_300 = arith.muli %add3A_298, %mul3A_299 : i32
      %get3A_301 = arith.constant 1 : i32
      %get3A_302 = arith.index_cast %get3A_301 : i32 to index
      %get3A_303 = arith.index_cast %mul3A_300 : i32 to index
      %get3A_304 = tpu.vector_load %arg5[%get3A_302, %get3A_303] {strides = array<i32>} : memref<2x2048xi32, #tpu.memory_space<vmem>>, vector<16xi32>,
      %mul3A_305 = arith.constant 16 : i32
      %mul3A_306 = arith.muli %add3A_298, %mul3A_305 : i32
      %add3A_307 = arith.constant 6144 : i32
      %add3A_308 = arith.addi %add3A_307, %mul3A_306 : i32
      %add3A_309 = vector.broadcast %add3A_308 : i32 to vector<16xi32>
      %add3A_310 = arith.addi %iota3A, %add3A_309 : vector<16xi32>
      tpu.vector_store_idx %arg4[%get3A_304], %add3A_310 : memref<100000xi32, #tpu.memory_space<vmem>>[vector<16xi32>], vector<16xi32>,
      %gather3A_311 = tpu.vector_load_idx %arg4[%get3A_304] : memref<100000xi32, #tpu.memory_space<vmem>>[vector<16xi32>], vector<16xi32>,
      %lt3A_312 = arith.cmpi slt, %gather3A_311, %add3A_310 : vector<16xi32>
      tpu.vector_store_idx %arg4[%get3A_304], %add3A_310 masked %lt3A_312 : memref<100000xi32, #tpu.memory_space<vmem>>[vector<16xi32>], vector<16xi32>, vector<16xi1>
      %gather3A_313 = tpu.vector_load_idx %arg4[%get3A_304] : memref<100000xi32, #tpu.memory_space<vmem>>[vector<16xi32>], vector<16xi32>,
      %lt3A_314 = arith.cmpi slt, %gather3A_313, %add3A_310 : vector<16xi32>
      tpu.vector_store_idx %arg4[%get3A_304], %add3A_310 masked %lt3A_314 : memref<100000xi32, #tpu.memory_space<vmem>>[vector<16xi32>], vector<16xi32>, vector<16xi1>
    }
    %scan3A_118 = arith.constant 128 : i32
    %dma_start3A_119 = arith.constant 1 : i32
    %dma_start3A_120 = arith.constant 0 : i32
    %dma_start3A_121 = tpu.memref_slice %arg5[%dma_start3A_119, %dma_start3A_120] : memref<2x2048xi32, #tpu.memory_space<vmem>> -> memref<1x2048xi32, #tpu.memory_space<vmem>>
    %dma_start3A_122 = tpu.memref_squeeze %dma_start3A_121 : memref<1x2048xi32, #tpu.memory_space<vmem>> -> memref<2048xi32, #tpu.memory_space<vmem>>
    %dma_start3A_123 = arith.constant 10240 : i32
    %dma_start3A_124 = tpu.memref_slice %arg2[%dma_start3A_123] : memref<16384xi32, #tpu.memory_space<hbm>> -> memref<2048xi32, #tpu.memory_space<hbm>>
    %dma_start3A_125 = arith.constant 0 : i32
    %dma_start3A_126 = tpu.memref_slice %arg5[%dma_start3A_119, %dma_start3A_125] : memref<2x2048xi32, #tpu.memory_space<vmem>> -> memref<1x2048xi32, #tpu.memory_space<vmem>>
    %dma_start3A_127 = tpu.memref_squeeze %dma_start3A_126 : memref<1x2048xi32, #tpu.memory_space<vmem>> -> memref<2048xi32, #tpu.memory_space<vmem>>
    %dma_start3A_128 = arith.constant 10240 : i32
    %dma_start3A_129 = tpu.memref_slice %arg2[%dma_start3A_128] : memref<16384xi32, #tpu.memory_space<hbm>> -> memref<2048xi32, #tpu.memory_space<hbm>>
    tpu.enqueue_dma source(%dma_start3A_129 : memref<2048xi32, #tpu.memory_space<hbm>>) target(%dma_start3A_127 : memref<2048xi32, #tpu.memory_space<vmem>>) target_semaphore(%arg9 : memref<!tpu.dma_semaphore, #tpu.memory_space<semaphore_mem>>)
    %dma_wait3A_130 = arith.constant 0 : i32
    %dma_wait3A_131 = arith.constant 0 : i32
    %dma_wait3A_132 = tpu.memref_slice %arg5[%dma_wait3A_130, %dma_wait3A_131] : memref<2x2048xi32, #tpu.memory_space<vmem>> -> memref<1x2048xi32, #tpu.memory_space<vmem>>
    %dma_wait3A_133 = tpu.memref_squeeze %dma_wait3A_132 : memref<1x2048xi32, #tpu.memory_space<vmem>> -> memref<2048xi32, #tpu.memory_space<vmem>>
    %dma_wait3A_134 = arith.constant 8192 : i32
    %dma_wait3A_135 = tpu.memref_slice %arg2[%dma_wait3A_134] : memref<16384xi32, #tpu.memory_space<hbm>> -> memref<2048xi32, #tpu.memory_space<hbm>>
    %dma_wait3A_136 = arith.constant 0 : i32
    %dma_wait3A_137 = tpu.memref_slice %arg5[%dma_wait3A_130, %dma_wait3A_136] : memref<2x2048xi32, #tpu.memory_space<vmem>> -> memref<1x2048xi32, #tpu.memory_space<vmem>>
    %dma_wait3A_138 = tpu.memref_squeeze %dma_wait3A_137 : memref<1x2048xi32, #tpu.memory_space<vmem>> -> memref<2048xi32, #tpu.memory_space<vmem>>
    %dma_wait3A_139 = arith.constant 8192 : i32
    %dma_wait3A_140 = tpu.memref_slice %arg2[%dma_wait3A_139] : memref<16384xi32, #tpu.memory_space<hbm>> -> memref<2048xi32, #tpu.memory_space<hbm>>
    tpu.wait_dma2 semaphore(%arg8 : memref<!tpu.dma_semaphore, #tpu.memory_space<semaphore_mem>>) src(%dma_wait3A_140 : memref<2048xi32, #tpu.memory_space<hbm>>) dst(%dma_wait3A_138 : memref<2048xi32, #tpu.memory_space<vmem>>)
    %scan3A_141 = arith.constant 0 : i32
    %scan3A_142 = arith.constant 128 : i32
    %scan3A_143 = arith.addi %scan3A_141, %scan3A_142 : i32
    %scan3A_144 = arith.constant 4 : i32
    scf.for %scan3A_231 = %scan3A_141 to %scan3A_143 step %scan3A_144  : i32 {
      %mul3A_232 = arith.constant 1 : i32
      %mul3A_233 = arith.muli %scan3A_231, %mul3A_232 : i32
      %add3A_234 = arith.constant 0 : i32
      %add3A_235 = arith.addi %add3A_234, %mul3A_233 : i32
      %mul3A_236 = arith.constant 16 : i32
      %mul3A_237 = arith.muli %add3A_235, %mul3A_236 : i32
      %get3A = arith.constant 0 : i32
      %get3A_238 = arith.index_cast %get3A : i32 to index
      %get3A_239 = arith.index_cast %mul3A_237 : i32 to index
      %get3A_240 = tpu.vector_load %arg5[%get3A_238, %get3A_239] {strides = array<i32>} : memref<2x2048xi32, #tpu.memory_space<vmem>>, vector<16xi32>,
      %mul3A_241 = arith.constant 16 : i32
      %mul3A_242 = arith.muli %add3A_235, %mul3A_241 : i32
      %add3A_243 = arith.constant 8192 : i32
      %add3A_244 = arith.addi %add3A_243, %mul3A_242 : i32
      %add3A_245 = vector.broadcast %add3A_244 : i32 to vector<16xi32>
      %add3A_246 = arith.addi %iota3A, %add3A_245 : vector<16xi32>
      tpu.vector_store_idx %arg4[%get3A_240], %add3A_246 : memref<100000xi32, #tpu.memory_space<vmem>>[vector<16xi32>], vector<16xi32>,
      %gather3A = tpu.vector_load_idx %arg4[%get3A_240] : memref<100000xi32, #tpu.memory_space<vmem>>[vector<16xi32>], vector<16xi32>,
      %lt3A = arith.cmpi slt, %gather3A, %add3A_246 : vector<16xi32>
      tpu.vector_store_idx %arg4[%get3A_240], %add3A_246 masked %lt3A : memref<100000xi32, #tpu.memory_space<vmem>>[vector<16xi32>], vector<16xi32>, vector<16xi1>
      %gather3A_247 = tpu.vector_load_idx %arg4[%get3A_240] : memref<100000xi32, #tpu.memory_space<vmem>>[vector<16xi32>], vector<16xi32>,
      %lt3A_248 = arith.cmpi slt, %gather3A_247, %add3A_246 : vector<16xi32>
      tpu.vector_store_idx %arg4[%get3A_240], %add3A_246 masked %lt3A_248 : memref<100000xi32, #tpu.memory_space<vmem>>[vector<16xi32>], vector<16xi32>, vector<16xi1>
      %scan3A_249 = arith.constant 1 : i32
      %scan3A_250 = arith.addi %scan3A_231, %scan3A_249 : i32
      %mul3A_251 = arith.constant 1 : i32
      %mul3A_252 = arith.muli %scan3A_250, %mul3A_251 : i32
      %add3A_253 = arith.constant 0 : i32
      %add3A_254 = arith.addi %add3A_253, %mul3A_252 : i32
      %mul3A_255 = arith.constant 16 : i32
      %mul3A_256 = arith.muli %add3A_254, %mul3A_255 : i32
      %get3A_257 = arith.constant 0 : i32
      %get3A_258 = arith.index_cast %get3A_257 : i32 to index
      %get3A_259 = arith.index_cast %mul3A_256 : i32 to index
      %get3A_260 = tpu.vector_load %arg5[%get3A_258, %get3A_259] {strides = array<i32>} : memref<2x2048xi32, #tpu.memory_space<vmem>>, vector<16xi32>,
      %mul3A_261 = arith.constant 16 : i32
      %mul3A_262 = arith.muli %add3A_254, %mul3A_261 : i32
      %add3A_263 = arith.constant 8192 : i32
      %add3A_264 = arith.addi %add3A_263, %mul3A_262 : i32
      %add3A_265 = vector.broadcast %add3A_264 : i32 to vector<16xi32>
      %add3A_266 = arith.addi %iota3A, %add3A_265 : vector<16xi32>
      tpu.vector_store_idx %arg4[%get3A_260], %add3A_266 : memref<100000xi32, #tpu.memory_space<vmem>>[vector<16xi32>], vector<16xi32>,
      %gather3A_267 = tpu.vector_load_idx %arg4[%get3A_260] : memref<100000xi32, #tpu.memory_space<vmem>>[vector<16xi32>], vector<16xi32>,
      %lt3A_268 = arith.cmpi slt, %gather3A_267, %add3A_266 : vector<16xi32>
      tpu.vector_store_idx %arg4[%get3A_260], %add3A_266 masked %lt3A_268 : memref<100000xi32, #tpu.memory_space<vmem>>[vector<16xi32>], vector<16xi32>, vector<16xi1>
      %gather3A_269 = tpu.vector_load_idx %arg4[%get3A_260] : memref<100000xi32, #tpu.memory_space<vmem>>[vector<16xi32>], vector<16xi32>,
      %lt3A_270 = arith.cmpi slt, %gather3A_269, %add3A_266 : vector<16xi32>
      tpu.vector_store_idx %arg4[%get3A_260], %add3A_266 masked %lt3A_270 : memref<100000xi32, #tpu.memory_space<vmem>>[vector<16xi32>], vector<16xi32>, vector<16xi1>
      %scan3A_271 = arith.constant 2 : i32
      %scan3A_272 = arith.addi %scan3A_231, %scan3A_271 : i32
      %mul3A_273 = arith.constant 1 : i32
      %mul3A_274 = arith.muli %scan3A_272, %mul3A_273 : i32
      %add3A_275 = arith.constant 0 : i32
      %add3A_276 = arith.addi %add3A_275, %mul3A_274 : i32
      %mul3A_277 = arith.constant 16 : i32
      %mul3A_278 = arith.muli %add3A_276, %mul3A_277 : i32
      %get3A_279 = arith.constant 0 : i32
      %get3A_280 = arith.index_cast %get3A_279 : i32 to index
      %get3A_281 = arith.index_cast %mul3A_278 : i32 to index
      %get3A_282 = tpu.vector_load %arg5[%get3A_280, %get3A_281] {strides = array<i32>} : memref<2x2048xi32, #tpu.memory_space<vmem>>, vector<16xi32>,
      %mul3A_283 = arith.constant 16 : i32
      %mul3A_284 = arith.muli %add3A_276, %mul3A_283 : i32
      %add3A_285 = arith.constant 8192 : i32
      %add3A_286 = arith.addi %add3A_285, %mul3A_284 : i32
      %add3A_287 = vector.broadcast %add3A_286 : i32 to vector<16xi32>
      %add3A_288 = arith.addi %iota3A, %add3A_287 : vector<16xi32>
      tpu.vector_store_idx %arg4[%get3A_282], %add3A_288 : memref<100000xi32, #tpu.memory_space<vmem>>[vector<16xi32>], vector<16xi32>,
      %gather3A_289 = tpu.vector_load_idx %arg4[%get3A_282] : memref<100000xi32, #tpu.memory_space<vmem>>[vector<16xi32>], vector<16xi32>,
      %lt3A_290 = arith.cmpi slt, %gather3A_289, %add3A_288 : vector<16xi32>
      tpu.vector_store_idx %arg4[%get3A_282], %add3A_288 masked %lt3A_290 : memref<100000xi32, #tpu.memory_space<vmem>>[vector<16xi32>], vector<16xi32>, vector<16xi1>
      %gather3A_291 = tpu.vector_load_idx %arg4[%get3A_282] : memref<100000xi32, #tpu.memory_space<vmem>>[vector<16xi32>], vector<16xi32>,
      %lt3A_292 = arith.cmpi slt, %gather3A_291, %add3A_288 : vector<16xi32>
      tpu.vector_store_idx %arg4[%get3A_282], %add3A_288 masked %lt3A_292 : memref<100000xi32, #tpu.memory_space<vmem>>[vector<16xi32>], vector<16xi32>, vector<16xi1>
      %scan3A_293 = arith.constant 3 : i32
      %scan3A_294 = arith.addi %scan3A_231, %scan3A_293 : i32
      %mul3A_295 = arith.constant 1 : i32
      %mul3A_296 = arith.muli %scan3A_294, %mul3A_295 : i32
      %add3A_297 = arith.constant 0 : i32
      %add3A_298 = arith.addi %add3A_297, %mul3A_296 : i32
      %mul3A_299 = arith.constant 16 : i32
      %mul3A_300 = arith.muli %add3A_298, %mul3A_299 : i32
      %get3A_301 = arith.constant 0 : i32
      %get3A_302 = arith.index_cast %get3A_301 : i32 to index
      %get3A_303 = arith.index_cast %mul3A_300 : i32 to index
      %get3A_304 = tpu.vector_load %arg5[%get3A_302, %get3A_303] {strides = array<i32>} : memref<2x2048xi32, #tpu.memory_space<vmem>>, vector<16xi32>,
      %mul3A_305 = arith.constant 16 : i32
      %mul3A_306 = arith.muli %add3A_298, %mul3A_305 : i32
      %add3A_307 = arith.constant 8192 : i32
      %add3A_308 = arith.addi %add3A_307, %mul3A_306 : i32
      %add3A_309 = vector.broadcast %add3A_308 : i32 to vector<16xi32>
      %add3A_310 = arith.addi %iota3A, %add3A_309 : vector<16xi32>
      tpu.vector_store_idx %arg4[%get3A_304], %add3A_310 : memref<100000xi32, #tpu.memory_space<vmem>>[vector<16xi32>], vector<16xi32>,
      %gather3A_311 = tpu.vector_load_idx %arg4[%get3A_304] : memref<100000xi32, #tpu.memory_space<vmem>>[vector<16xi32>], vector<16xi32>,
      %lt3A_312 = arith.cmpi slt, %gather3A_311, %add3A_310 : vector<16xi32>
      tpu.vector_store_idx %arg4[%get3A_304], %add3A_310 masked %lt3A_312 : memref<100000xi32, #tpu.memory_space<vmem>>[vector<16xi32>], vector<16xi32>, vector<16xi1>
      %gather3A_313 = tpu.vector_load_idx %arg4[%get3A_304] : memref<100000xi32, #tpu.memory_space<vmem>>[vector<16xi32>], vector<16xi32>,
      %lt3A_314 = arith.cmpi slt, %gather3A_313, %add3A_310 : vector<16xi32>
      tpu.vector_store_idx %arg4[%get3A_304], %add3A_310 masked %lt3A_314 : memref<100000xi32, #tpu.memory_space<vmem>>[vector<16xi32>], vector<16xi32>, vector<16xi1>
    }
    %scan3A_145 = arith.constant 128 : i32
    %dma_start3A_146 = arith.constant 0 : i32
    %dma_start3A_147 = arith.constant 0 : i32
    %dma_start3A_148 = tpu.memref_slice %arg5[%dma_start3A_146, %dma_start3A_147] : memref<2x2048xi32, #tpu.memory_space<vmem>> -> memref<1x2048xi32, #tpu.memory_space<vmem>>
    %dma_start3A_149 = tpu.memref_squeeze %dma_start3A_148 : memref<1x2048xi32, #tpu.memory_space<vmem>> -> memref<2048xi32, #tpu.memory_space<vmem>>
    %dma_start3A_150 = arith.constant 12288 : i32
    %dma_start3A_151 = tpu.memref_slice %arg2[%dma_start3A_150] : memref<16384xi32, #tpu.memory_space<hbm>> -> memref<2048xi32, #tpu.memory_space<hbm>>
    %dma_start3A_152 = arith.constant 0 : i32
    %dma_start3A_153 = tpu.memref_slice %arg5[%dma_start3A_146, %dma_start3A_152] : memref<2x2048xi32, #tpu.memory_space<vmem>> -> memref<1x2048xi32, #tpu.memory_space<vmem>>
    %dma_start3A_154 = tpu.memref_squeeze %dma_start3A_153 : memref<1x2048xi32, #tpu.memory_space<vmem>> -> memref<2048xi32, #tpu.memory_space<vmem>>
    %dma_start3A_155 = arith.constant 12288 : i32
    %dma_start3A_156 = tpu.memref_slice %arg2[%dma_start3A_155] : memref<16384xi32, #tpu.memory_space<hbm>> -> memref<2048xi32, #tpu.memory_space<hbm>>
    tpu.enqueue_dma source(%dma_start3A_156 : memref<2048xi32, #tpu.memory_space<hbm>>) target(%dma_start3A_154 : memref<2048xi32, #tpu.memory_space<vmem>>) target_semaphore(%arg8 : memref<!tpu.dma_semaphore, #tpu.memory_space<semaphore_mem>>)
    %dma_wait3A_157 = arith.constant 1 : i32
    %dma_wait3A_158 = arith.constant 0 : i32
    %dma_wait3A_159 = tpu.memref_slice %arg5[%dma_wait3A_157, %dma_wait3A_158] : memref<2x2048xi32, #tpu.memory_space<vmem>> -> memref<1x2048xi32, #tpu.memory_space<vmem>>
    %dma_wait3A_160 = tpu.memref_squeeze %dma_wait3A_159 : memref<1x2048xi32, #tpu.memory_space<vmem>> -> memref<2048xi32, #tpu.memory_space<vmem>>
    %dma_wait3A_161 = arith.constant 10240 : i32
    %dma_wait3A_162 = tpu.memref_slice %arg2[%dma_wait3A_161] : memref<16384xi32, #tpu.memory_space<hbm>> -> memref<2048xi32, #tpu.memory_space<hbm>>
    %dma_wait3A_163 = arith.constant 0 : i32
    %dma_wait3A_164 = tpu.memref_slice %arg5[%dma_wait3A_157, %dma_wait3A_163] : memref<2x2048xi32, #tpu.memory_space<vmem>> -> memref<1x2048xi32, #tpu.memory_space<vmem>>
    %dma_wait3A_165 = tpu.memref_squeeze %dma_wait3A_164 : memref<1x2048xi32, #tpu.memory_space<vmem>> -> memref<2048xi32, #tpu.memory_space<vmem>>
    %dma_wait3A_166 = arith.constant 10240 : i32
    %dma_wait3A_167 = tpu.memref_slice %arg2[%dma_wait3A_166] : memref<16384xi32, #tpu.memory_space<hbm>> -> memref<2048xi32, #tpu.memory_space<hbm>>
    tpu.wait_dma2 semaphore(%arg9 : memref<!tpu.dma_semaphore, #tpu.memory_space<semaphore_mem>>) src(%dma_wait3A_167 : memref<2048xi32, #tpu.memory_space<hbm>>) dst(%dma_wait3A_165 : memref<2048xi32, #tpu.memory_space<vmem>>)
    %scan3A_168 = arith.constant 0 : i32
    %scan3A_169 = arith.constant 128 : i32
    %scan3A_170 = arith.addi %scan3A_168, %scan3A_169 : i32
    %scan3A_171 = arith.constant 4 : i32
    scf.for %scan3A_231 = %scan3A_168 to %scan3A_170 step %scan3A_171  : i32 {
      %mul3A_232 = arith.constant 1 : i32
      %mul3A_233 = arith.muli %scan3A_231, %mul3A_232 : i32
      %add3A_234 = arith.constant 0 : i32
      %add3A_235 = arith.addi %add3A_234, %mul3A_233 : i32
      %mul3A_236 = arith.constant 16 : i32
      %mul3A_237 = arith.muli %add3A_235, %mul3A_236 : i32
      %get3A = arith.constant 1 : i32
      %get3A_238 = arith.index_cast %get3A : i32 to index
      %get3A_239 = arith.index_cast %mul3A_237 : i32 to index
      %get3A_240 = tpu.vector_load %arg5[%get3A_238, %get3A_239] {strides = array<i32>} : memref<2x2048xi32, #tpu.memory_space<vmem>>, vector<16xi32>,
      %mul3A_241 = arith.constant 16 : i32
      %mul3A_242 = arith.muli %add3A_235, %mul3A_241 : i32
      %add3A_243 = arith.constant 10240 : i32
      %add3A_244 = arith.addi %add3A_243, %mul3A_242 : i32
      %add3A_245 = vector.broadcast %add3A_244 : i32 to vector<16xi32>
      %add3A_246 = arith.addi %iota3A, %add3A_245 : vector<16xi32>
      tpu.vector_store_idx %arg4[%get3A_240], %add3A_246 : memref<100000xi32, #tpu.memory_space<vmem>>[vector<16xi32>], vector<16xi32>,
      %gather3A = tpu.vector_load_idx %arg4[%get3A_240] : memref<100000xi32, #tpu.memory_space<vmem>>[vector<16xi32>], vector<16xi32>,
      %lt3A = arith.cmpi slt, %gather3A, %add3A_246 : vector<16xi32>
      tpu.vector_store_idx %arg4[%get3A_240], %add3A_246 masked %lt3A : memref<100000xi32, #tpu.memory_space<vmem>>[vector<16xi32>], vector<16xi32>, vector<16xi1>
      %gather3A_247 = tpu.vector_load_idx %arg4[%get3A_240] : memref<100000xi32, #tpu.memory_space<vmem>>[vector<16xi32>], vector<16xi32>,
      %lt3A_248 = arith.cmpi slt, %gather3A_247, %add3A_246 : vector<16xi32>
      tpu.vector_store_idx %arg4[%get3A_240], %add3A_246 masked %lt3A_248 : memref<100000xi32, #tpu.memory_space<vmem>>[vector<16xi32>], vector<16xi32>, vector<16xi1>
      %scan3A_249 = arith.constant 1 : i32
      %scan3A_250 = arith.addi %scan3A_231, %scan3A_249 : i32
      %mul3A_251 = arith.constant 1 : i32
      %mul3A_252 = arith.muli %scan3A_250, %mul3A_251 : i32
      %add3A_253 = arith.constant 0 : i32
      %add3A_254 = arith.addi %add3A_253, %mul3A_252 : i32
      %mul3A_255 = arith.constant 16 : i32
      %mul3A_256 = arith.muli %add3A_254, %mul3A_255 : i32
      %get3A_257 = arith.constant 1 : i32
      %get3A_258 = arith.index_cast %get3A_257 : i32 to index
      %get3A_259 = arith.index_cast %mul3A_256 : i32 to index
      %get3A_260 = tpu.vector_load %arg5[%get3A_258, %get3A_259] {strides = array<i32>} : memref<2x2048xi32, #tpu.memory_space<vmem>>, vector<16xi32>,
      %mul3A_261 = arith.constant 16 : i32
      %mul3A_262 = arith.muli %add3A_254, %mul3A_261 : i32
      %add3A_263 = arith.constant 10240 : i32
      %add3A_264 = arith.addi %add3A_263, %mul3A_262 : i32
      %add3A_265 = vector.broadcast %add3A_264 : i32 to vector<16xi32>
      %add3A_266 = arith.addi %iota3A, %add3A_265 : vector<16xi32>
      tpu.vector_store_idx %arg4[%get3A_260], %add3A_266 : memref<100000xi32, #tpu.memory_space<vmem>>[vector<16xi32>], vector<16xi32>,
      %gather3A_267 = tpu.vector_load_idx %arg4[%get3A_260] : memref<100000xi32, #tpu.memory_space<vmem>>[vector<16xi32>], vector<16xi32>,
      %lt3A_268 = arith.cmpi slt, %gather3A_267, %add3A_266 : vector<16xi32>
      tpu.vector_store_idx %arg4[%get3A_260], %add3A_266 masked %lt3A_268 : memref<100000xi32, #tpu.memory_space<vmem>>[vector<16xi32>], vector<16xi32>, vector<16xi1>
      %gather3A_269 = tpu.vector_load_idx %arg4[%get3A_260] : memref<100000xi32, #tpu.memory_space<vmem>>[vector<16xi32>], vector<16xi32>,
      %lt3A_270 = arith.cmpi slt, %gather3A_269, %add3A_266 : vector<16xi32>
      tpu.vector_store_idx %arg4[%get3A_260], %add3A_266 masked %lt3A_270 : memref<100000xi32, #tpu.memory_space<vmem>>[vector<16xi32>], vector<16xi32>, vector<16xi1>
      %scan3A_271 = arith.constant 2 : i32
      %scan3A_272 = arith.addi %scan3A_231, %scan3A_271 : i32
      %mul3A_273 = arith.constant 1 : i32
      %mul3A_274 = arith.muli %scan3A_272, %mul3A_273 : i32
      %add3A_275 = arith.constant 0 : i32
      %add3A_276 = arith.addi %add3A_275, %mul3A_274 : i32
      %mul3A_277 = arith.constant 16 : i32
      %mul3A_278 = arith.muli %add3A_276, %mul3A_277 : i32
      %get3A_279 = arith.constant 1 : i32
      %get3A_280 = arith.index_cast %get3A_279 : i32 to index
      %get3A_281 = arith.index_cast %mul3A_278 : i32 to index
      %get3A_282 = tpu.vector_load %arg5[%get3A_280, %get3A_281] {strides = array<i32>} : memref<2x2048xi32, #tpu.memory_space<vmem>>, vector<16xi32>,
      %mul3A_283 = arith.constant 16 : i32
      %mul3A_284 = arith.muli %add3A_276, %mul3A_283 : i32
      %add3A_285 = arith.constant 10240 : i32
      %add3A_286 = arith.addi %add3A_285, %mul3A_284 : i32
      %add3A_287 = vector.broadcast %add3A_286 : i32 to vector<16xi32>
      %add3A_288 = arith.addi %iota3A, %add3A_287 : vector<16xi32>
      tpu.vector_store_idx %arg4[%get3A_282], %add3A_288 : memref<100000xi32, #tpu.memory_space<vmem>>[vector<16xi32>], vector<16xi32>,
      %gather3A_289 = tpu.vector_load_idx %arg4[%get3A_282] : memref<100000xi32, #tpu.memory_space<vmem>>[vector<16xi32>], vector<16xi32>,
      %lt3A_290 = arith.cmpi slt, %gather3A_289, %add3A_288 : vector<16xi32>
      tpu.vector_store_idx %arg4[%get3A_282], %add3A_288 masked %lt3A_290 : memref<100000xi32, #tpu.memory_space<vmem>>[vector<16xi32>], vector<16xi32>, vector<16xi1>
      %gather3A_291 = tpu.vector_load_idx %arg4[%get3A_282] : memref<100000xi32, #tpu.memory_space<vmem>>[vector<16xi32>], vector<16xi32>,
      %lt3A_292 = arith.cmpi slt, %gather3A_291, %add3A_288 : vector<16xi32>
      tpu.vector_store_idx %arg4[%get3A_282], %add3A_288 masked %lt3A_292 : memref<100000xi32, #tpu.memory_space<vmem>>[vector<16xi32>], vector<16xi32>, vector<16xi1>
      %scan3A_293 = arith.constant 3 : i32
      %scan3A_294 = arith.addi %scan3A_231, %scan3A_293 : i32
      %mul3A_295 = arith.constant 1 : i32
      %mul3A_296 = arith.muli %scan3A_294, %mul3A_295 : i32
      %add3A_297 = arith.constant 0 : i32
      %add3A_298 = arith.addi %add3A_297, %mul3A_296 : i32
      %mul3A_299 = arith.constant 16 : i32
      %mul3A_300 = arith.muli %add3A_298, %mul3A_299 : i32
      %get3A_301 = arith.constant 1 : i32
      %get3A_302 = arith.index_cast %get3A_301 : i32 to index
      %get3A_303 = arith.index_cast %mul3A_300 : i32 to index
      %get3A_304 = tpu.vector_load %arg5[%get3A_302, %get3A_303] {strides = array<i32>} : memref<2x2048xi32, #tpu.memory_space<vmem>>, vector<16xi32>,
      %mul3A_305 = arith.constant 16 : i32
      %mul3A_306 = arith.muli %add3A_298, %mul3A_305 : i32
      %add3A_307 = arith.constant 10240 : i32
      %add3A_308 = arith.addi %add3A_307, %mul3A_306 : i32
      %add3A_309 = vector.broadcast %add3A_308 : i32 to vector<16xi32>
      %add3A_310 = arith.addi %iota3A, %add3A_309 : vector<16xi32>
      tpu.vector_store_idx %arg4[%get3A_304], %add3A_310 : memref<100000xi32, #tpu.memory_space<vmem>>[vector<16xi32>], vector<16xi32>,
      %gather3A_311 = tpu.vector_load_idx %arg4[%get3A_304] : memref<100000xi32, #tpu.memory_space<vmem>>[vector<16xi32>], vector<16xi32>,
      %lt3A_312 = arith.cmpi slt, %gather3A_311, %add3A_310 : vector<16xi32>
      tpu.vector_store_idx %arg4[%get3A_304], %add3A_310 masked %lt3A_312 : memref<100000xi32, #tpu.memory_space<vmem>>[vector<16xi32>], vector<16xi32>, vector<16xi1>
      %gather3A_313 = tpu.vector_load_idx %arg4[%get3A_304] : memref<100000xi32, #tpu.memory_space<vmem>>[vector<16xi32>], vector<16xi32>,
      %lt3A_314 = arith.cmpi slt, %gather3A_313, %add3A_310 : vector<16xi32>
      tpu.vector_store_idx %arg4[%get3A_304], %add3A_310 masked %lt3A_314 : memref<100000xi32, #tpu.memory_space<vmem>>[vector<16xi32>], vector<16xi32>, vector<16xi1>
    }
    %scan3A_172 = arith.constant 128 : i32
    %dma_start3A_173 = arith.constant 1 : i32
    %dma_start3A_174 = arith.constant 0 : i32
    %dma_start3A_175 = tpu.memref_slice %arg5[%dma_start3A_173, %dma_start3A_174] : memref<2x2048xi32, #tpu.memory_space<vmem>> -> memref<1x2048xi32, #tpu.memory_space<vmem>>
    %dma_start3A_176 = tpu.memref_squeeze %dma_start3A_175 : memref<1x2048xi32, #tpu.memory_space<vmem>> -> memref<2048xi32, #tpu.memory_space<vmem>>
    %dma_start3A_177 = arith.constant 14336 : i32
    %dma_start3A_178 = tpu.memref_slice %arg2[%dma_start3A_177] : memref<16384xi32, #tpu.memory_space<hbm>> -> memref<2048xi32, #tpu.memory_space<hbm>>
    %dma_start3A_179 = arith.constant 0 : i32
    %dma_start3A_180 = tpu.memref_slice %arg5[%dma_start3A_173, %dma_start3A_179] : memref<2x2048xi32, #tpu.memory_space<vmem>> -> memref<1x2048xi32, #tpu.memory_space<vmem>>
    %dma_start3A_181 = tpu.memref_squeeze %dma_start3A_180 : memref<1x2048xi32, #tpu.memory_space<vmem>> -> memref<2048xi32, #tpu.memory_space<vmem>>
    %dma_start3A_182 = arith.constant 14336 : i32
    %dma_start3A_183 = tpu.memref_slice %arg2[%dma_start3A_182] : memref<16384xi32, #tpu.memory_space<hbm>> -> memref<2048xi32, #tpu.memory_space<hbm>>
    tpu.enqueue_dma source(%dma_start3A_183 : memref<2048xi32, #tpu.memory_space<hbm>>) target(%dma_start3A_181 : memref<2048xi32, #tpu.memory_space<vmem>>) target_semaphore(%arg9 : memref<!tpu.dma_semaphore, #tpu.memory_space<semaphore_mem>>)
    %dma_wait3A_184 = arith.constant 0 : i32
    %dma_wait3A_185 = arith.constant 0 : i32
    %dma_wait3A_186 = tpu.memref_slice %arg5[%dma_wait3A_184, %dma_wait3A_185] : memref<2x2048xi32, #tpu.memory_space<vmem>> -> memref<1x2048xi32, #tpu.memory_space<vmem>>
    %dma_wait3A_187 = tpu.memref_squeeze %dma_wait3A_186 : memref<1x2048xi32, #tpu.memory_space<vmem>> -> memref<2048xi32, #tpu.memory_space<vmem>>
    %dma_wait3A_188 = arith.constant 12288 : i32
    %dma_wait3A_189 = tpu.memref_slice %arg2[%dma_wait3A_188] : memref<16384xi32, #tpu.memory_space<hbm>> -> memref<2048xi32, #tpu.memory_space<hbm>>
    %dma_wait3A_190 = arith.constant 0 : i32
    %dma_wait3A_191 = tpu.memref_slice %arg5[%dma_wait3A_184, %dma_wait3A_190] : memref<2x2048xi32, #tpu.memory_space<vmem>> -> memref<1x2048xi32, #tpu.memory_space<vmem>>
    %dma_wait3A_192 = tpu.memref_squeeze %dma_wait3A_191 : memref<1x2048xi32, #tpu.memory_space<vmem>> -> memref<2048xi32, #tpu.memory_space<vmem>>
    %dma_wait3A_193 = arith.constant 12288 : i32
    %dma_wait3A_194 = tpu.memref_slice %arg2[%dma_wait3A_193] : memref<16384xi32, #tpu.memory_space<hbm>> -> memref<2048xi32, #tpu.memory_space<hbm>>
    tpu.wait_dma2 semaphore(%arg8 : memref<!tpu.dma_semaphore, #tpu.memory_space<semaphore_mem>>) src(%dma_wait3A_194 : memref<2048xi32, #tpu.memory_space<hbm>>) dst(%dma_wait3A_192 : memref<2048xi32, #tpu.memory_space<vmem>>)
    %scan3A_195 = arith.constant 0 : i32
    %scan3A_196 = arith.constant 128 : i32
    %scan3A_197 = arith.addi %scan3A_195, %scan3A_196 : i32
    %scan3A_198 = arith.constant 4 : i32
    scf.for %scan3A_231 = %scan3A_195 to %scan3A_197 step %scan3A_198  : i32 {
      %mul3A_232 = arith.constant 1 : i32
      %mul3A_233 = arith.muli %scan3A_231, %mul3A_232 : i32
      %add3A_234 = arith.constant 0 : i32
      %add3A_235 = arith.addi %add3A_234, %mul3A_233 : i32
      %mul3A_236 = arith.constant 16 : i32
      %mul3A_237 = arith.muli %add3A_235, %mul3A_236 : i32
      %get3A = arith.constant 0 : i32
      %get3A_238 = arith.index_cast %get3A : i32 to index
      %get3A_239 = arith.index_cast %mul3A_237 : i32 to index
      %get3A_240 = tpu.vector_load %arg5[%get3A_238, %get3A_239] {strides = array<i32>} : memref<2x2048xi32, #tpu.memory_space<vmem>>, vector<16xi32>,
      %mul3A_241 = arith.constant 16 : i32
      %mul3A_242 = arith.muli %add3A_235, %mul3A_241 : i32
      %add3A_243 = arith.constant 12288 : i32
      %add3A_244 = arith.addi %add3A_243, %mul3A_242 : i32
      %add3A_245 = vector.broadcast %add3A_244 : i32 to vector<16xi32>
      %add3A_246 = arith.addi %iota3A, %add3A_245 : vector<16xi32>
      tpu.vector_store_idx %arg4[%get3A_240], %add3A_246 : memref<100000xi32, #tpu.memory_space<vmem>>[vector<16xi32>], vector<16xi32>,
      %gather3A = tpu.vector_load_idx %arg4[%get3A_240] : memref<100000xi32, #tpu.memory_space<vmem>>[vector<16xi32>], vector<16xi32>,
      %lt3A = arith.cmpi slt, %gather3A, %add3A_246 : vector<16xi32>
      tpu.vector_store_idx %arg4[%get3A_240], %add3A_246 masked %lt3A : memref<100000xi32, #tpu.memory_space<vmem>>[vector<16xi32>], vector<16xi32>, vector<16xi1>
      %gather3A_247 = tpu.vector_load_idx %arg4[%get3A_240] : memref<100000xi32, #tpu.memory_space<vmem>>[vector<16xi32>], vector<16xi32>,
      %lt3A_248 = arith.cmpi slt, %gather3A_247, %add3A_246 : vector<16xi32>
      tpu.vector_store_idx %arg4[%get3A_240], %add3A_246 masked %lt3A_248 : memref<100000xi32, #tpu.memory_space<vmem>>[vector<16xi32>], vector<16xi32>, vector<16xi1>
      %scan3A_249 = arith.constant 1 : i32
      %scan3A_250 = arith.addi %scan3A_231, %scan3A_249 : i32
      %mul3A_251 = arith.constant 1 : i32
      %mul3A_252 = arith.muli %scan3A_250, %mul3A_251 : i32
      %add3A_253 = arith.constant 0 : i32
      %add3A_254 = arith.addi %add3A_253, %mul3A_252 : i32
      %mul3A_255 = arith.constant 16 : i32
      %mul3A_256 = arith.muli %add3A_254, %mul3A_255 : i32
      %get3A_257 = arith.constant 0 : i32
      %get3A_258 = arith.index_cast %get3A_257 : i32 to index
      %get3A_259 = arith.index_cast %mul3A_256 : i32 to index
      %get3A_260 = tpu.vector_load %arg5[%get3A_258, %get3A_259] {strides = array<i32>} : memref<2x2048xi32, #tpu.memory_space<vmem>>, vector<16xi32>,
      %mul3A_261 = arith.constant 16 : i32
      %mul3A_262 = arith.muli %add3A_254, %mul3A_261 : i32
      %add3A_263 = arith.constant 12288 : i32
      %add3A_264 = arith.addi %add3A_263, %mul3A_262 : i32
      %add3A_265 = vector.broadcast %add3A_264 : i32 to vector<16xi32>
      %add3A_266 = arith.addi %iota3A, %add3A_265 : vector<16xi32>
      tpu.vector_store_idx %arg4[%get3A_260], %add3A_266 : memref<100000xi32, #tpu.memory_space<vmem>>[vector<16xi32>], vector<16xi32>,
      %gather3A_267 = tpu.vector_load_idx %arg4[%get3A_260] : memref<100000xi32, #tpu.memory_space<vmem>>[vector<16xi32>], vector<16xi32>,
      %lt3A_268 = arith.cmpi slt, %gather3A_267, %add3A_266 : vector<16xi32>
      tpu.vector_store_idx %arg4[%get3A_260], %add3A_266 masked %lt3A_268 : memref<100000xi32, #tpu.memory_space<vmem>>[vector<16xi32>], vector<16xi32>, vector<16xi1>
      %gather3A_269 = tpu.vector_load_idx %arg4[%get3A_260] : memref<100000xi32, #tpu.memory_space<vmem>>[vector<16xi32>], vector<16xi32>,
      %lt3A_270 = arith.cmpi slt, %gather3A_269, %add3A_266 : vector<16xi32>
      tpu.vector_store_idx %arg4[%get3A_260], %add3A_266 masked %lt3A_270 : memref<100000xi32, #tpu.memory_space<vmem>>[vector<16xi32>], vector<16xi32>, vector<16xi1>
      %scan3A_271 = arith.constant 2 : i32
      %scan3A_272 = arith.addi %scan3A_231, %scan3A_271 : i32
      %mul3A_273 = arith.constant 1 : i32
      %mul3A_274 = arith.muli %scan3A_272, %mul3A_273 : i32
      %add3A_275 = arith.constant 0 : i32
      %add3A_276 = arith.addi %add3A_275, %mul3A_274 : i32
      %mul3A_277 = arith.constant 16 : i32
      %mul3A_278 = arith.muli %add3A_276, %mul3A_277 : i32
      %get3A_279 = arith.constant 0 : i32
      %get3A_280 = arith.index_cast %get3A_279 : i32 to index
      %get3A_281 = arith.index_cast %mul3A_278 : i32 to index
      %get3A_282 = tpu.vector_load %arg5[%get3A_280, %get3A_281] {strides = array<i32>} : memref<2x2048xi32, #tpu.memory_space<vmem>>, vector<16xi32>,
      %mul3A_283 = arith.constant 16 : i32
      %mul3A_284 = arith.muli %add3A_276, %mul3A_283 : i32
      %add3A_285 = arith.constant 12288 : i32
      %add3A_286 = arith.addi %add3A_285, %mul3A_284 : i32
      %add3A_287 = vector.broadcast %add3A_286 : i32 to vector<16xi32>
      %add3A_288 = arith.addi %iota3A, %add3A_287 : vector<16xi32>
      tpu.vector_store_idx %arg4[%get3A_282], %add3A_288 : memref<100000xi32, #tpu.memory_space<vmem>>[vector<16xi32>], vector<16xi32>,
      %gather3A_289 = tpu.vector_load_idx %arg4[%get3A_282] : memref<100000xi32, #tpu.memory_space<vmem>>[vector<16xi32>], vector<16xi32>,
      %lt3A_290 = arith.cmpi slt, %gather3A_289, %add3A_288 : vector<16xi32>
      tpu.vector_store_idx %arg4[%get3A_282], %add3A_288 masked %lt3A_290 : memref<100000xi32, #tpu.memory_space<vmem>>[vector<16xi32>], vector<16xi32>, vector<16xi1>
      %gather3A_291 = tpu.vector_load_idx %arg4[%get3A_282] : memref<100000xi32, #tpu.memory_space<vmem>>[vector<16xi32>], vector<16xi32>,
      %lt3A_292 = arith.cmpi slt, %gather3A_291, %add3A_288 : vector<16xi32>
      tpu.vector_store_idx %arg4[%get3A_282], %add3A_288 masked %lt3A_292 : memref<100000xi32, #tpu.memory_space<vmem>>[vector<16xi32>], vector<16xi32>, vector<16xi1>
      %scan3A_293 = arith.constant 3 : i32
      %scan3A_294 = arith.addi %scan3A_231, %scan3A_293 : i32
      %mul3A_295 = arith.constant 1 : i32
      %mul3A_296 = arith.muli %scan3A_294, %mul3A_295 : i32
      %add3A_297 = arith.constant 0 : i32
      %add3A_298 = arith.addi %add3A_297, %mul3A_296 : i32
      %mul3A_299 = arith.constant 16 : i32
      %mul3A_300 = arith.muli %add3A_298, %mul3A_299 : i32
      %get3A_301 = arith.constant 0 : i32
      %get3A_302 = arith.index_cast %get3A_301 : i32 to index
      %get3A_303 = arith.index_cast %mul3A_300 : i32 to index
      %get3A_304 = tpu.vector_load %arg5[%get3A_302, %get3A_303] {strides = array<i32>} : memref<2x2048xi32, #tpu.memory_space<vmem>>, vector<16xi32>,
      %mul3A_305 = arith.constant 16 : i32
      %mul3A_306 = arith.muli %add3A_298, %mul3A_305 : i32
      %add3A_307 = arith.constant 12288 : i32
      %add3A_308 = arith.addi %add3A_307, %mul3A_306 : i32
      %add3A_309 = vector.broadcast %add3A_308 : i32 to vector<16xi32>
      %add3A_310 = arith.addi %iota3A, %add3A_309 : vector<16xi32>
      tpu.vector_store_idx %arg4[%get3A_304], %add3A_310 : memref<100000xi32, #tpu.memory_space<vmem>>[vector<16xi32>], vector<16xi32>,
      %gather3A_311 = tpu.vector_load_idx %arg4[%get3A_304] : memref<100000xi32, #tpu.memory_space<vmem>>[vector<16xi32>], vector<16xi32>,
      %lt3A_312 = arith.cmpi slt, %gather3A_311, %add3A_310 : vector<16xi32>
      tpu.vector_store_idx %arg4[%get3A_304], %add3A_310 masked %lt3A_312 : memref<100000xi32, #tpu.memory_space<vmem>>[vector<16xi32>], vector<16xi32>, vector<16xi1>
      %gather3A_313 = tpu.vector_load_idx %arg4[%get3A_304] : memref<100000xi32, #tpu.memory_space<vmem>>[vector<16xi32>], vector<16xi32>,
      %lt3A_314 = arith.cmpi slt, %gather3A_313, %add3A_310 : vector<16xi32>
      tpu.vector_store_idx %arg4[%get3A_304], %add3A_310 masked %lt3A_314 : memref<100000xi32, #tpu.memory_space<vmem>>[vector<16xi32>], vector<16xi32>, vector<16xi1>
    }
    %scan3A_199 = arith.constant 128 : i32
    %dma_wait3A_200 = arith.constant 1 : i32
    %dma_wait3A_201 = arith.constant 0 : i32
    %dma_wait3A_202 = tpu.memref_slice %arg5[%dma_wait3A_200, %dma_wait3A_201] : memref<2x2048xi32, #tpu.memory_space<vmem>> -> memref<1x2048xi32, #tpu.memory_space<vmem>>
    %dma_wait3A_203 = tpu.memref_squeeze %dma_wait3A_202 : memref<1x2048xi32, #tpu.memory_space<vmem>> -> memref<2048xi32, #tpu.memory_space<vmem>>
    %dma_wait3A_204 = arith.constant 14336 : i32
    %dma_wait3A_205 = tpu.memref_slice %arg2[%dma_wait3A_204] : memref<16384xi32, #tpu.memory_space<hbm>> -> memref<2048xi32, #tpu.memory_space<hbm>>
    %dma_wait3A_206 = arith.constant 0 : i32
    %dma_wait3A_207 = tpu.memref_slice %arg5[%dma_wait3A_200, %dma_wait3A_206] : memref<2x2048xi32, #tpu.memory_space<vmem>> -> memref<1x2048xi32, #tpu.memory_space<vmem>>
    %dma_wait3A_208 = tpu.memref_squeeze %dma_wait3A_207 : memref<1x2048xi32, #tpu.memory_space<vmem>> -> memref<2048xi32, #tpu.memory_space<vmem>>
    %dma_wait3A_209 = arith.constant 14336 : i32
    %dma_wait3A_210 = tpu.memref_slice %arg2[%dma_wait3A_209] : memref<16384xi32, #tpu.memory_space<hbm>> -> memref<2048xi32, #tpu.memory_space<hbm>>
    tpu.wait_dma2 semaphore(%arg9 : memref<!tpu.dma_semaphore, #tpu.memory_space<semaphore_mem>>) src(%dma_wait3A_210 : memref<2048xi32, #tpu.memory_space<hbm>>) dst(%dma_wait3A_208 : memref<2048xi32, #tpu.memory_space<vmem>>)
    %scan3A_211 = arith.constant 0 : i32
    %scan3A_212 = arith.constant 128 : i32
    %scan3A_213 = arith.addi %scan3A_211, %scan3A_212 : i32
    %scan3A_214 = arith.constant 4 : i32
    scf.for %scan3A_231 = %scan3A_211 to %scan3A_213 step %scan3A_214  : i32 {
      %mul3A_232 = arith.constant 1 : i32
      %mul3A_233 = arith.muli %scan3A_231, %mul3A_232 : i32
      %add3A_234 = arith.constant 0 : i32
      %add3A_235 = arith.addi %add3A_234, %mul3A_233 : i32
      %mul3A_236 = arith.constant 16 : i32
      %mul3A_237 = arith.muli %add3A_235, %mul3A_236 : i32
      %get3A = arith.constant 1 : i32
      %get3A_238 = arith.index_cast %get3A : i32 to index
      %get3A_239 = arith.index_cast %mul3A_237 : i32 to index
      %get3A_240 = tpu.vector_load %arg5[%get3A_238, %get3A_239] {strides = array<i32>} : memref<2x2048xi32, #tpu.memory_space<vmem>>, vector<16xi32>,
      %mul3A_241 = arith.constant 16 : i32
      %mul3A_242 = arith.muli %add3A_235, %mul3A_241 : i32
      %add3A_243 = arith.constant 14336 : i32
      %add3A_244 = arith.addi %add3A_243, %mul3A_242 : i32
      %add3A_245 = vector.broadcast %add3A_244 : i32 to vector<16xi32>
      %add3A_246 = arith.addi %iota3A, %add3A_245 : vector<16xi32>
      tpu.vector_store_idx %arg4[%get3A_240], %add3A_246 : memref<100000xi32, #tpu.memory_space<vmem>>[vector<16xi32>], vector<16xi32>,
      %gather3A = tpu.vector_load_idx %arg4[%get3A_240] : memref<100000xi32, #tpu.memory_space<vmem>>[vector<16xi32>], vector<16xi32>,
      %lt3A = arith.cmpi slt, %gather3A, %add3A_246 : vector<16xi32>
      tpu.vector_store_idx %arg4[%get3A_240], %add3A_246 masked %lt3A : memref<100000xi32, #tpu.memory_space<vmem>>[vector<16xi32>], vector<16xi32>, vector<16xi1>
      %gather3A_247 = tpu.vector_load_idx %arg4[%get3A_240] : memref<100000xi32, #tpu.memory_space<vmem>>[vector<16xi32>], vector<16xi32>,
      %lt3A_248 = arith.cmpi slt, %gather3A_247, %add3A_246 : vector<16xi32>
      tpu.vector_store_idx %arg4[%get3A_240], %add3A_246 masked %lt3A_248 : memref<100000xi32, #tpu.memory_space<vmem>>[vector<16xi32>], vector<16xi32>, vector<16xi1>
      %scan3A_249 = arith.constant 1 : i32
      %scan3A_250 = arith.addi %scan3A_231, %scan3A_249 : i32
      %mul3A_251 = arith.constant 1 : i32
      %mul3A_252 = arith.muli %scan3A_250, %mul3A_251 : i32
      %add3A_253 = arith.constant 0 : i32
      %add3A_254 = arith.addi %add3A_253, %mul3A_252 : i32
      %mul3A_255 = arith.constant 16 : i32
      %mul3A_256 = arith.muli %add3A_254, %mul3A_255 : i32
      %get3A_257 = arith.constant 1 : i32
      %get3A_258 = arith.index_cast %get3A_257 : i32 to index
      %get3A_259 = arith.index_cast %mul3A_256 : i32 to index
      %get3A_260 = tpu.vector_load %arg5[%get3A_258, %get3A_259] {strides = array<i32>} : memref<2x2048xi32, #tpu.memory_space<vmem>>, vector<16xi32>,
      %mul3A_261 = arith.constant 16 : i32
      %mul3A_262 = arith.muli %add3A_254, %mul3A_261 : i32
      %add3A_263 = arith.constant 14336 : i32
      %add3A_264 = arith.addi %add3A_263, %mul3A_262 : i32
      %add3A_265 = vector.broadcast %add3A_264 : i32 to vector<16xi32>
      %add3A_266 = arith.addi %iota3A, %add3A_265 : vector<16xi32>
      tpu.vector_store_idx %arg4[%get3A_260], %add3A_266 : memref<100000xi32, #tpu.memory_space<vmem>>[vector<16xi32>], vector<16xi32>,
      %gather3A_267 = tpu.vector_load_idx %arg4[%get3A_260] : memref<100000xi32, #tpu.memory_space<vmem>>[vector<16xi32>], vector<16xi32>,
      %lt3A_268 = arith.cmpi slt, %gather3A_267, %add3A_266 : vector<16xi32>
      tpu.vector_store_idx %arg4[%get3A_260], %add3A_266 masked %lt3A_268 : memref<100000xi32, #tpu.memory_space<vmem>>[vector<16xi32>], vector<16xi32>, vector<16xi1>
      %gather3A_269 = tpu.vector_load_idx %arg4[%get3A_260] : memref<100000xi32, #tpu.memory_space<vmem>>[vector<16xi32>], vector<16xi32>,
      %lt3A_270 = arith.cmpi slt, %gather3A_269, %add3A_266 : vector<16xi32>
      tpu.vector_store_idx %arg4[%get3A_260], %add3A_266 masked %lt3A_270 : memref<100000xi32, #tpu.memory_space<vmem>>[vector<16xi32>], vector<16xi32>, vector<16xi1>
      %scan3A_271 = arith.constant 2 : i32
      %scan3A_272 = arith.addi %scan3A_231, %scan3A_271 : i32
      %mul3A_273 = arith.constant 1 : i32
      %mul3A_274 = arith.muli %scan3A_272, %mul3A_273 : i32
      %add3A_275 = arith.constant 0 : i32
      %add3A_276 = arith.addi %add3A_275, %mul3A_274 : i32
      %mul3A_277 = arith.constant 16 : i32
      %mul3A_278 = arith.muli %add3A_276, %mul3A_277 : i32
      %get3A_279 = arith.constant 1 : i32
      %get3A_280 = arith.index_cast %get3A_279 : i32 to index
      %get3A_281 = arith.index_cast %mul3A_278 : i32 to index
      %get3A_282 = tpu.vector_load %arg5[%get3A_280, %get3A_281] {strides = array<i32>} : memref<2x2048xi32, #tpu.memory_space<vmem>>, vector<16xi32>,
      %mul3A_283 = arith.constant 16 : i32
      %mul3A_284 = arith.muli %add3A_276, %mul3A_283 : i32
      %add3A_285 = arith.constant 14336 : i32
      %add3A_286 = arith.addi %add3A_285, %mul3A_284 : i32
      %add3A_287 = vector.broadcast %add3A_286 : i32 to vector<16xi32>
      %add3A_288 = arith.addi %iota3A, %add3A_287 : vector<16xi32>
      tpu.vector_store_idx %arg4[%get3A_282], %add3A_288 : memref<100000xi32, #tpu.memory_space<vmem>>[vector<16xi32>], vector<16xi32>,
      %gather3A_289 = tpu.vector_load_idx %arg4[%get3A_282] : memref<100000xi32, #tpu.memory_space<vmem>>[vector<16xi32>], vector<16xi32>,
      %lt3A_290 = arith.cmpi slt, %gather3A_289, %add3A_288 : vector<16xi32>
      tpu.vector_store_idx %arg4[%get3A_282], %add3A_288 masked %lt3A_290 : memref<100000xi32, #tpu.memory_space<vmem>>[vector<16xi32>], vector<16xi32>, vector<16xi1>
      %gather3A_291 = tpu.vector_load_idx %arg4[%get3A_282] : memref<100000xi32, #tpu.memory_space<vmem>>[vector<16xi32>], vector<16xi32>,
      %lt3A_292 = arith.cmpi slt, %gather3A_291, %add3A_288 : vector<16xi32>
      tpu.vector_store_idx %arg4[%get3A_282], %add3A_288 masked %lt3A_292 : memref<100000xi32, #tpu.memory_space<vmem>>[vector<16xi32>], vector<16xi32>, vector<16xi1>
      %scan3A_293 = arith.constant 3 : i32
      %scan3A_294 = arith.addi %scan3A_231, %scan3A_293 : i32
      %mul3A_295 = arith.constant 1 : i32
      %mul3A_296 = arith.muli %scan3A_294, %mul3A_295 : i32
      %add3A_297 = arith.constant 0 : i32
      %add3A_298 = arith.addi %add3A_297, %mul3A_296 : i32
      %mul3A_299 = arith.constant 16 : i32
      %mul3A_300 = arith.muli %add3A_298, %mul3A_299 : i32
      %get3A_301 = arith.constant 1 : i32
      %get3A_302 = arith.index_cast %get3A_301 : i32 to index
      %get3A_303 = arith.index_cast %mul3A_300 : i32 to index
      %get3A_304 = tpu.vector_load %arg5[%get3A_302, %get3A_303] {strides = array<i32>} : memref<2x2048xi32, #tpu.memory_space<vmem>>, vector<16xi32>,
      %mul3A_305 = arith.constant 16 : i32
      %mul3A_306 = arith.muli %add3A_298, %mul3A_305 : i32
      %add3A_307 = arith.constant 14336 : i32
      %add3A_308 = arith.addi %add3A_307, %mul3A_306 : i32
      %add3A_309 = vector.broadcast %add3A_308 : i32 to vector<16xi32>
      %add3A_310 = arith.addi %iota3A, %add3A_309 : vector<16xi32>
      tpu.vector_store_idx %arg4[%get3A_304], %add3A_310 : memref<100000xi32, #tpu.memory_space<vmem>>[vector<16xi32>], vector<16xi32>,
      %gather3A_311 = tpu.vector_load_idx %arg4[%get3A_304] : memref<100000xi32, #tpu.memory_space<vmem>>[vector<16xi32>], vector<16xi32>,
      %lt3A_312 = arith.cmpi slt, %gather3A_311, %add3A_310 : vector<16xi32>
      tpu.vector_store_idx %arg4[%get3A_304], %add3A_310 masked %lt3A_312 : memref<100000xi32, #tpu.memory_space<vmem>>[vector<16xi32>], vector<16xi32>, vector<16xi1>
      %gather3A_313 = tpu.vector_load_idx %arg4[%get3A_304] : memref<100000xi32, #tpu.memory_space<vmem>>[vector<16xi32>], vector<16xi32>,
      %lt3A_314 = arith.cmpi slt, %gather3A_313, %add3A_310 : vector<16xi32>
      tpu.vector_store_idx %arg4[%get3A_304], %add3A_310 masked %lt3A_314 : memref<100000xi32, #tpu.memory_space<vmem>>[vector<16xi32>], vector<16xi32>, vector<16xi1>
    }
    %scan3A_215 = arith.constant 128 : i32
    %mul3A_216 = arith.constant 512 : i32
    %mul3A_217 = arith.muli %add3A, %mul3A_216 : i32
    %dma_start3A_218 = tpu.memref_slice %arg2[%mul3A_217] : memref<16384xi32, #tpu.memory_space<hbm>> -> memref<512xi32, #tpu.memory_space<hbm>>
    %dma_start3A_219 = tpu.memref_slice %arg2[%mul3A_217] : memref<16384xi32, #tpu.memory_space<hbm>> -> memref<512xi32, #tpu.memory_space<hbm>>
    tpu.enqueue_dma source(%dma_start3A_219 : memref<512xi32, #tpu.memory_space<hbm>>) target(%arg6 : memref<512xi32, #tpu.memory_space<vmem>>) target_semaphore(%arg10 : memref<!tpu.dma_semaphore, #tpu.memory_space<semaphore_mem>>)
    %dma_wait3A_220 = tpu.memref_slice %arg2[%mul3A_217] : memref<16384xi32, #tpu.memory_space<hbm>> -> memref<512xi32, #tpu.memory_space<hbm>>
    %dma_wait3A_221 = tpu.memref_slice %arg2[%mul3A_217] : memref<16384xi32, #tpu.memory_space<hbm>> -> memref<512xi32, #tpu.memory_space<hbm>>
    tpu.wait_dma2 semaphore(%arg10 : memref<!tpu.dma_semaphore, #tpu.memory_space<semaphore_mem>>) src(%dma_wait3A_221 : memref<512xi32, #tpu.memory_space<hbm>>) dst(%arg6 : memref<512xi32, #tpu.memory_space<vmem>>)
    %scan3A_222 = arith.constant 0 : i32
    %scan3A_223 = arith.constant 32 : i32
    %scan3A_224 = arith.addi %scan3A_222, %scan3A_223 : i32
    %scan3A_225 = arith.constant 4 : i32
    scf.for %scan3A_231 = %scan3A_222 to %scan3A_224 step %scan3A_225  : i32 {
      %mul3A_232 = arith.constant 1 : i32
      %mul3A_233 = arith.muli %scan3A_231, %mul3A_232 : i32
      %add3A_234 = arith.constant 0 : i32
      %add3A_235 = arith.addi %add3A_234, %mul3A_233 : i32
      %mul3A_236 = arith.constant 16 : i32
      %mul3A_237 = arith.muli %add3A_235, %mul3A_236 : i32
      %get3A = arith.index_cast %mul3A_237 : i32 to index
      %get3A_238 = tpu.vector_load %arg6[%get3A] {strides = array<i32>} : memref<512xi32, #tpu.memory_space<vmem>>, vector<16xi32>,
      %gather3A = tpu.vector_load_idx %arg4[%get3A_238] : memref<100000xi32, #tpu.memory_space<vmem>>[vector<16xi32>], vector<16xi32>,
      %mul3A_239 = arith.constant 16 : i32
      %mul3A_240 = arith.muli %add3A_235, %mul3A_239 : i32
      %swap3A = arith.index_cast %mul3A_240 : i32 to index
      %swap3A_241 = tpu.vector_load %arg7[%swap3A] {strides = array<i32>} : memref<512xi32, #tpu.memory_space<vmem>>, vector<16xi32>,
      tpu.vector_store %arg7[%swap3A], %gather3A {strides = array<i32>} : memref<512xi32, #tpu.memory_space<vmem>>, vector<16xi32>,
      %scan3A_242 = arith.constant 1 : i32
      %scan3A_243 = arith.addi %scan3A_231, %scan3A_242 : i32
      %mul3A_244 = arith.constant 1 : i32
      %mul3A_245 = arith.muli %scan3A_243, %mul3A_244 : i32
      %add3A_246 = arith.constant 0 : i32
      %add3A_247 = arith.addi %add3A_246, %mul3A_245 : i32
      %mul3A_248 = arith.constant 16 : i32
      %mul3A_249 = arith.muli %add3A_247, %mul3A_248 : i32
      %get3A_250 = arith.index_cast %mul3A_249 : i32 to index
      %get3A_251 = tpu.vector_load %arg6[%get3A_250] {strides = array<i32>} : memref<512xi32, #tpu.memory_space<vmem>>, vector<16xi32>,
      %gather3A_252 = tpu.vector_load_idx %arg4[%get3A_251] : memref<100000xi32, #tpu.memory_space<vmem>>[vector<16xi32>], vector<16xi32>,
      %mul3A_253 = arith.constant 16 : i32
      %mul3A_254 = arith.muli %add3A_247, %mul3A_253 : i32
      %swap3A_255 = arith.index_cast %mul3A_254 : i32 to index
      %swap3A_256 = tpu.vector_load %arg7[%swap3A_255] {strides = array<i32>} : memref<512xi32, #tpu.memory_space<vmem>>, vector<16xi32>,
      tpu.vector_store %arg7[%swap3A_255], %gather3A_252 {strides = array<i32>} : memref<512xi32, #tpu.memory_space<vmem>>, vector<16xi32>,
      %scan3A_257 = arith.constant 2 : i32
      %scan3A_258 = arith.addi %scan3A_231, %scan3A_257 : i32
      %mul3A_259 = arith.constant 1 : i32
      %mul3A_260 = arith.muli %scan3A_258, %mul3A_259 : i32
      %add3A_261 = arith.constant 0 : i32
      %add3A_262 = arith.addi %add3A_261, %mul3A_260 : i32
      %mul3A_263 = arith.constant 16 : i32
      %mul3A_264 = arith.muli %add3A_262, %mul3A_263 : i32
      %get3A_265 = arith.index_cast %mul3A_264 : i32 to index
      %get3A_266 = tpu.vector_load %arg6[%get3A_265] {strides = array<i32>} : memref<512xi32, #tpu.memory_space<vmem>>, vector<16xi32>,
      %gather3A_267 = tpu.vector_load_idx %arg4[%get3A_266] : memref<100000xi32, #tpu.memory_space<vmem>>[vector<16xi32>], vector<16xi32>,
      %mul3A_268 = arith.constant 16 : i32
      %mul3A_269 = arith.muli %add3A_262, %mul3A_268 : i32
      %swap3A_270 = arith.index_cast %mul3A_269 : i32 to index
      %swap3A_271 = tpu.vector_load %arg7[%swap3A_270] {strides = array<i32>} : memref<512xi32, #tpu.memory_space<vmem>>, vector<16xi32>,
      tpu.vector_store %arg7[%swap3A_270], %gather3A_267 {strides = array<i32>} : memref<512xi32, #tpu.memory_space<vmem>>, vector<16xi32>,
      %scan3A_272 = arith.constant 3 : i32
      %scan3A_273 = arith.addi %scan3A_231, %scan3A_272 : i32
      %mul3A_274 = arith.constant 1 : i32
      %mul3A_275 = arith.muli %scan3A_273, %mul3A_274 : i32
      %add3A_276 = arith.constant 0 : i32
      %add3A_277 = arith.addi %add3A_276, %mul3A_275 : i32
      %mul3A_278 = arith.constant 16 : i32
      %mul3A_279 = arith.muli %add3A_277, %mul3A_278 : i32
      %get3A_280 = arith.index_cast %mul3A_279 : i32 to index
      %get3A_281 = tpu.vector_load %arg6[%get3A_280] {strides = array<i32>} : memref<512xi32, #tpu.memory_space<vmem>>, vector<16xi32>,
      %gather3A_282 = tpu.vector_load_idx %arg4[%get3A_281] : memref<100000xi32, #tpu.memory_space<vmem>>[vector<16xi32>], vector<16xi32>,
      %mul3A_283 = arith.constant 16 : i32
      %mul3A_284 = arith.muli %add3A_277, %mul3A_283 : i32
      %swap3A_285 = arith.index_cast %mul3A_284 : i32 to index
      %swap3A_286 = tpu.vector_load %arg7[%swap3A_285] {strides = array<i32>} : memref<512xi32, #tpu.memory_space<vmem>>, vector<16xi32>,
      tpu.vector_store %arg7[%swap3A_285], %gather3A_282 {strides = array<i32>} : memref<512xi32, #tpu.memory_space<vmem>>, vector<16xi32>,
    }
    %scan3A_226 = arith.constant 32 : i32
    %dma_start3A_227 = tpu.memref_slice %arg3[%mul3A_217] : memref<16384xi32, #tpu.memory_space<hbm>> -> memref<512xi32, #tpu.memory_space<hbm>>
    %dma_start3A_228 = tpu.memref_slice %arg3[%mul3A_217] : memref<16384xi32, #tpu.memory_space<hbm>> -> memref<512xi32, #tpu.memory_space<hbm>>
    tpu.enqueue_dma source(%arg7 : memref<512xi32, #tpu.memory_space<vmem>>) target(%dma_start3A_228 : memref<512xi32, #tpu.memory_space<hbm>>) target_semaphore(%arg11 : memref<!tpu.dma_semaphore, #tpu.memory_space<semaphore_mem>>)
    %dma_wait3A_229 = tpu.memref_slice %arg3[%mul3A_217] : memref<16384xi32, #tpu.memory_space<hbm>> -> memref<512xi32, #tpu.memory_space<hbm>>
    %dma_wait3A_230 = tpu.memref_slice %arg3[%mul3A_217] : memref<16384xi32, #tpu.memory_space<hbm>> -> memref<512xi32, #tpu.memory_space<hbm>>
    tpu.wait_dma2 semaphore(%arg11 : memref<!tpu.dma_semaphore, #tpu.memory_space<semaphore_mem>>) src(%arg7 : memref<512xi32, #tpu.memory_space<vmem>>) dst(%dma_wait3A_230 : memref<512xi32, #tpu.memory_space<hbm>>)
    return
  }
}

module attributes {stable_mosaic.version = 14 : i64} {
  func.func @_init_body(%arg0: i32, %arg1: memref<4000x128xf32, #tpu.memory_space<vmem>>) attributes {dimension_semantics = [#tpu.dimension_semantics<arbitrary>], iteration_bounds = array<i64: 25>, scalar_prefetch = 0 : i64, scratch_operands = 0 : i64, tpu.core_type = #tpu.core_type<tc>, window_params = [{transform_indices = @transform_0, window_bounds = array<i64: 4000, 128>}]} {
    %iota3A = tpu.iota {dimensions = array<i32: 1>} : vector<4000x128xi32>
    %lt3A = arith.constant 64 : i32
    %lt3A_0 = vector.broadcast %lt3A : i32 to vector<4000x128xi32>
    %lt3A_1 = arith.cmpi slt, %iota3A, %lt3A_0 : vector<4000x128xi32>
    %jit3A = arith.constant 0.000000e+00 : f32
    %jit3A_2 = arith.constant 1.000000e+00 : f32
    %broadcast_in_dim3A = vector.broadcast %jit3A : f32 to vector<4000x128xf32>
    %broadcast_in_dim3A_3 = vector.broadcast %jit3A_2 : f32 to vector<4000x128xf32>
    %select_n3A = arith.select %lt3A_1, %broadcast_in_dim3A, %broadcast_in_dim3A_3 : vector<4000x128xi1>, vector<4000x128xf32>
    %swap3A = arith.constant 0 : index
    %swap3A_4 = arith.constant 0 : index
    %swap3A_5 = vector.load %arg1[%swap3A, %swap3A_4] : memref<4000x128xf32, #tpu.memory_space<vmem>>, vector<4000x128xf32>
    tpu.vector_store %arg1[%swap3A, %swap3A_4], %select_n3A {strides = array<i32>} : memref<4000x128xf32, #tpu.memory_space<vmem>>, vector<4000x128xf32>,
    return
  }
  func.func @transform_0(%arg0: i32) -> (i32, i32) {
    %c0_i32 = arith.constant 0 : i32
    %c0_i32_0 = arith.constant 0 : i32
    return %arg0, %c0_i32 : i32, i32
  }
}

module attributes {stable_mosaic.version = 14 : i64} {
  func.func @_dense_body(%arg0: i32, %arg1: memref<64x4096xf32, #tpu.memory_space<vmem>>, %arg2: memref<64x64xf32, #tpu.memory_space<vmem>>, %arg3: memref<64x64xf32, #tpu.memory_space<vmem>>, %arg4: memref<64x64xf32, #tpu.memory_space<vmem>>, %arg5: memref<1x64xf32, #tpu.memory_space<vmem>>, %arg6: memref<1x64xf32, #tpu.memory_space<vmem>>, %arg7: memref<1x64xf32, #tpu.memory_space<vmem>>, %arg8: memref<1x64xf32, #tpu.memory_space<vmem>>, %arg9: memref<4096x128xf32, #tpu.memory_space<vmem>>) attributes {dimension_semantics = [#tpu.dimension_semantics<arbitrary>], iteration_bounds = array<i64: 4>, scalar_prefetch = 0 : i64, scratch_operands = 0 : i64, tpu.core_type = #tpu.core_type<tc>, window_params = [{transform_indices = @transform_0, window_bounds = array<i64: 64, 4096>}, {pipeline_mode = #tpu.pipeline_mode<synchronous>, transform_indices = @transform_1, window_bounds = array<i64: 64, 64>}, {pipeline_mode = #tpu.pipeline_mode<synchronous>, transform_indices = @transform_2, window_bounds = array<i64: 64, 64>}, {pipeline_mode = #tpu.pipeline_mode<synchronous>, transform_indices = @transform_3, window_bounds = array<i64: 64, 64>}, {pipeline_mode = #tpu.pipeline_mode<synchronous>, transform_indices = @transform_4, window_bounds = array<i64: 1, 64>}, {pipeline_mode = #tpu.pipeline_mode<synchronous>, transform_indices = @transform_5, window_bounds = array<i64: 1, 64>}, {pipeline_mode = #tpu.pipeline_mode<synchronous>, transform_indices = @transform_6, window_bounds = array<i64: 1, 64>}, {pipeline_mode = #tpu.pipeline_mode<synchronous>, transform_indices = @transform_7, window_bounds = array<i64: 1, 64>}, {transform_indices = @transform_8, window_bounds = array<i64: 4096, 128>}]} {
    %get3A = arith.constant 0 : index
    %get3A_0 = arith.constant 0 : index
    %get3A_1 = vector.load %arg1[%get3A, %get3A_0] : memref<64x4096xf32, #tpu.memory_space<vmem>>, vector<64x4096xf32>
    %get3A_2 = arith.constant 0 : index
    %get3A_3 = arith.constant 0 : index
    %get3A_4 = vector.load %arg2[%get3A_2, %get3A_3] : memref<64x64xf32, #tpu.memory_space<vmem>>, vector<64x64xf32>
    %dot_general3A = arith.constant dense<0.000000e+00> : vector<4096x64xf32>
    %dot_general3A_5 = tpu.matmul %get3A_1, %get3A_4, %dot_general3A {dimension_numbers = #tpu.dot_dimension_numbers<[0], [0], [1], [1], [0, 1, 1, 1], [], []>, transpose_lhs_hint = false} : vector<64x4096xf32>, vector<64x64xf32>, vector<4096x64xf32> -> vector<4096x64xf32>
    %get3A_6 = arith.constant 0 : index
    %get3A_7 = arith.constant 0 : index
    %get3A_8 = vector.load %arg5[%get3A_6, %get3A_7] : memref<1x64xf32, #tpu.memory_space<vmem>>, vector<1x64xf32>
    %add3A = vector.broadcast %get3A_8 : vector<1x64xf32> to vector<4096x64xf32>
    %add3A_9 = arith.addf %dot_general3A_5, %add3A : vector<4096x64xf32>
    %logistic3A = arith.negf %add3A_9 : vector<4096x64xf32>
    %logistic3A_10 = math.exp %logistic3A : vector<4096x64xf32>
    %logistic3A_11 = arith.constant 1.000000e+00 : f32
    %logistic3A_12 = vector.broadcast %logistic3A_11 : f32 to vector<4096x64xf32>
    %logistic3A_13 = arith.addf %logistic3A_12, %logistic3A_10 : vector<4096x64xf32>
    %logistic3A_14 = arith.divf %logistic3A_12, %logistic3A_13 : vector<4096x64xf32>
    %get3A_15 = arith.constant 0 : index
    %get3A_16 = arith.constant 0 : index
    %get3A_17 = vector.load %arg3[%get3A_15, %get3A_16] : memref<64x64xf32, #tpu.memory_space<vmem>>, vector<64x64xf32>
    %dot_general3A_18 = arith.constant dense<0.000000e+00> : vector<4096x64xf32>
    %dot_general3A_19 = tpu.matmul %get3A_1, %get3A_17, %dot_general3A_18 {dimension_numbers = #tpu.dot_dimension_numbers<[0], [0], [1], [1], [0, 1, 1, 1], [], []>, transpose_lhs_hint = false} : vector<64x4096xf32>, vector<64x64xf32>, vector<4096x64xf32> -> vector<4096x64xf32>
    %get3A_20 = arith.constant 0 : index
    %get3A_21 = arith.constant 0 : index
    %get3A_22 = vector.load %arg6[%get3A_20, %get3A_21] : memref<1x64xf32, #tpu.memory_space<vmem>>, vector<1x64xf32>
    %add3A_23 = vector.broadcast %get3A_22 : vector<1x64xf32> to vector<4096x64xf32>
    %add3A_24 = arith.addf %dot_general3A_19, %add3A_23 : vector<4096x64xf32>
    %logistic3A_25 = arith.negf %add3A_24 : vector<4096x64xf32>
    %logistic3A_26 = math.exp %logistic3A_25 : vector<4096x64xf32>
    %logistic3A_27 = arith.constant 1.000000e+00 : f32
    %logistic3A_28 = vector.broadcast %logistic3A_27 : f32 to vector<4096x64xf32>
    %logistic3A_29 = arith.addf %logistic3A_28, %logistic3A_26 : vector<4096x64xf32>
    %logistic3A_30 = arith.divf %logistic3A_28, %logistic3A_29 : vector<4096x64xf32>
    %get3A_31 = arith.constant 0 : index
    %get3A_32 = arith.constant 0 : index
    %get3A_33 = vector.load %arg4[%get3A_31, %get3A_32] : memref<64x64xf32, #tpu.memory_space<vmem>>, vector<64x64xf32>
    %dot_general3A_34 = arith.constant dense<0.000000e+00> : vector<4096x64xf32>
    %dot_general3A_35 = tpu.matmul %get3A_1, %get3A_33, %dot_general3A_34 {dimension_numbers = #tpu.dot_dimension_numbers<[0], [0], [1], [1], [0, 1, 1, 1], [], []>, transpose_lhs_hint = false} : vector<64x4096xf32>, vector<64x64xf32>, vector<4096x64xf32> -> vector<4096x64xf32>
    %get3A_36 = arith.constant 0 : index
    %get3A_37 = arith.constant 0 : index
    %get3A_38 = vector.load %arg7[%get3A_36, %get3A_37] : memref<1x64xf32, #tpu.memory_space<vmem>>, vector<1x64xf32>
    %add3A_39 = vector.broadcast %get3A_38 : vector<1x64xf32> to vector<4096x64xf32>
    %add3A_40 = arith.addf %dot_general3A_35, %add3A_39 : vector<4096x64xf32>
    %get3A_41 = arith.constant 0 : index
    %get3A_42 = arith.constant 0 : index
    %get3A_43 = vector.load %arg8[%get3A_41, %get3A_42] : memref<1x64xf32, #tpu.memory_space<vmem>>, vector<1x64xf32>
    %mul3A = vector.broadcast %get3A_43 : vector<1x64xf32> to vector<4096x64xf32>
    %mul3A_44 = arith.mulf %logistic3A_14, %mul3A : vector<4096x64xf32>
    %add3A_45 = arith.addf %add3A_40, %mul3A_44 : vector<4096x64xf32>
    %tanh3A = math.tanh %add3A_45 : vector<4096x64xf32>
    %sub3A = arith.constant 1.000000e+00 : f32
    %sub3A_46 = vector.broadcast %sub3A : f32 to vector<4096x64xf32>
    %sub3A_47 = arith.subf %sub3A_46, %logistic3A_30 : vector<4096x64xf32>
    %mul3A_48 = arith.mulf %sub3A_47, %tanh3A : vector<4096x64xf32>
    %mul3A_49 = arith.constant 1.000000e-01 : f32
    %mul3A_50 = vector.broadcast %mul3A_49 : f32 to vector<4096x64xf32>
    %mul3A_51 = arith.mulf %mul3A_50, %mul3A_48 : vector<4096x64xf32>
    %mul3A_52 = arith.mulf %mul3A_51, %mul3A_48 : vector<4096x64xf32>
    %add3A_53 = arith.constant 0.899999976 : f32
    %add3A_54 = vector.broadcast %add3A_53 : f32 to vector<4096x64xf32>
    %add3A_55 = arith.addf %add3A_54, %mul3A_52 : vector<4096x64xf32>
    %concatenate3A = tpu.concatenate %mul3A_48, %add3A_55 in 1 : vector<4096x64xf32>, vector<4096x64xf32> -> vector<4096x128xf32>
    %swap3A = arith.constant 0 : index
    %swap3A_56 = arith.constant 0 : index
    %swap3A_57 = vector.load %arg9[%swap3A, %swap3A_56] : memref<4096x128xf32, #tpu.memory_space<vmem>>, vector<4096x128xf32>
    tpu.vector_store %arg9[%swap3A, %swap3A_56], %concatenate3A {strides = array<i32>} : memref<4096x128xf32, #tpu.memory_space<vmem>>, vector<4096x128xf32>,
    return
  }
  func.func @transform_0(%arg0: i32) -> (i32, i32) {
    %c0_i32 = arith.constant 0 : i32
    %c0_i32_0 = arith.constant 0 : i32
    return %c0_i32, %arg0 : i32, i32
  }
  func.func @transform_1(%arg0: i32) -> (i32, i32) {
    %c0_i32 = arith.constant 0 : i32
    %c0_i32_0 = arith.constant 0 : i32
    %c0_i32_1 = arith.constant 0 : i32
    return %c0_i32, %c0_i32_0 : i32, i32
  }
  func.func @transform_2(%arg0: i32) -> (i32, i32) {
    %c0_i32 = arith.constant 0 : i32
    %c0_i32_0 = arith.constant 0 : i32
    %c0_i32_1 = arith.constant 0 : i32
    return %c0_i32, %c0_i32_0 : i32, i32
  }
  func.func @transform_3(%arg0: i32) -> (i32, i32) {
    %c0_i32 = arith.constant 0 : i32
    %c0_i32_0 = arith.constant 0 : i32
    %c0_i32_1 = arith.constant 0 : i32
    return %c0_i32, %c0_i32_0 : i32, i32
  }
  func.func @transform_4(%arg0: i32) -> (i32, i32) {
    %c0_i32 = arith.constant 0 : i32
    %c0_i32_0 = arith.constant 0 : i32
    %c0_i32_1 = arith.constant 0 : i32
    return %c0_i32, %c0_i32_0 : i32, i32
  }
  func.func @transform_5(%arg0: i32) -> (i32, i32) {
    %c0_i32 = arith.constant 0 : i32
    %c0_i32_0 = arith.constant 0 : i32
    %c0_i32_1 = arith.constant 0 : i32
    return %c0_i32, %c0_i32_0 : i32, i32
  }
  func.func @transform_6(%arg0: i32) -> (i32, i32) {
    %c0_i32 = arith.constant 0 : i32
    %c0_i32_0 = arith.constant 0 : i32
    %c0_i32_1 = arith.constant 0 : i32
    return %c0_i32, %c0_i32_0 : i32, i32
  }
  func.func @transform_7(%arg0: i32) -> (i32, i32) {
    %c0_i32 = arith.constant 0 : i32
    %c0_i32_0 = arith.constant 0 : i32
    %c0_i32_1 = arith.constant 0 : i32
    return %c0_i32, %c0_i32_0 : i32, i32
  }
  func.func @transform_8(%arg0: i32) -> (i32, i32) {
    %c0_i32 = arith.constant 0 : i32
    %c0_i32_0 = arith.constant 0 : i32
    return %arg0, %c0_i32 : i32, i32
  }
}

module attributes {stable_mosaic.version = 14 : i64} {
  func.func @_split_body(%arg0: i32, %arg1: memref<8192x128xf32, #tpu.memory_space<vmem>>, %arg2: memref<64x8192xf32, #tpu.memory_space<vmem>>, %arg3: memref<64x8192xf32, #tpu.memory_space<vmem>>) attributes {dimension_semantics = [#tpu.dimension_semantics<arbitrary>], iteration_bounds = array<i64: 13>, scalar_prefetch = 0 : i64, scratch_operands = 0 : i64, tpu.core_type = #tpu.core_type<tc>, window_params = [{transform_indices = @transform_0, window_bounds = array<i64: 8192, 128>}, {transform_indices = @transform_1, window_bounds = array<i64: 64, 8192>}, {transform_indices = @transform_2, window_bounds = array<i64: 64, 8192>}]} {
    %get3A = arith.constant 0 : index
    %get3A_0 = arith.constant 0 : index
    %get3A_1 = vector.load %arg1[%get3A, %get3A_0] : memref<8192x128xf32, #tpu.memory_space<vmem>>, vector<8192x128xf32>
    %transpose3A = tpu.transpose %get3A_1, [1, 0] : vector<8192x128xf32> -> vector<128x8192xf32>
    %slice3A = vector.extract_strided_slice %transpose3A {offsets = [0, 0], sizes = [64, 8192], strides = [1, 1]} : vector<128x8192xf32> to vector<64x8192xf32>
    %swap3A = arith.constant 0 : index
    %swap3A_2 = arith.constant 0 : index
    %swap3A_3 = vector.load %arg2[%swap3A, %swap3A_2] : memref<64x8192xf32, #tpu.memory_space<vmem>>, vector<64x8192xf32>
    tpu.vector_store %arg2[%swap3A, %swap3A_2], %slice3A {strides = array<i32>} : memref<64x8192xf32, #tpu.memory_space<vmem>>, vector<64x8192xf32>,
    %slice3A_4 = vector.extract_strided_slice %transpose3A {offsets = [64, 0], sizes = [64, 8192], strides = [1, 1]} : vector<128x8192xf32> to vector<64x8192xf32>
    %swap3A_5 = arith.constant 0 : index
    %swap3A_6 = arith.constant 0 : index
    %swap3A_7 = vector.load %arg3[%swap3A_5, %swap3A_6] : memref<64x8192xf32, #tpu.memory_space<vmem>>, vector<64x8192xf32>
    tpu.vector_store %arg3[%swap3A_5, %swap3A_6], %slice3A_4 {strides = array<i32>} : memref<64x8192xf32, #tpu.memory_space<vmem>>, vector<64x8192xf32>,
    return
  }
  func.func @transform_0(%arg0: i32) -> (i32, i32) {
    %c0_i32 = arith.constant 0 : i32
    %c0_i32_0 = arith.constant 0 : i32
    return %arg0, %c0_i32 : i32, i32
  }
  func.func @transform_1(%arg0: i32) -> (i32, i32) {
    %c0_i32 = arith.constant 0 : i32
    %c0_i32_0 = arith.constant 0 : i32
    return %c0_i32, %arg0 : i32, i32
  }
  func.func @transform_2(%arg0: i32) -> (i32, i32) {
    %c0_i32 = arith.constant 0 : i32
    %c0_i32_0 = arith.constant 0 : i32
    return %c0_i32, %arg0 : i32, i32
  }
}

</mosaic_0001>

<sc_bundles>
// kernel: kernel.10.cloned.1.call-start
scs
__scs_entry_jumppad:
0x0: {  	(pc) =	sbr.rel $0x88, $3  }
0x1: {  	(tag) =	ssettag $0x0;
	lr =	simm.s32 $0x1  }
0x2: {  	[smem:$0x3F9C] =	sst lr;
	_ =	strace $0xD0000000  }
0x3: {  	_ = 	snop  }
0x4: {  	_ = 	snop  }
0x5: {  	_ = 	snop  }
0x6: {  	_ = 	snop  }
0x7: {  	_ = 	snop  }
__scs_overlays_trampoline_lowered:
0x8: {  	[smem:$0x3FAB] =	sst s0  }
0x9: {  	[smem:$0x3FAC] =	sst s1  }
0xa: {  	[smem:$0x3FAD] =	sst s2  }
0xb: {  	[smem:$0x3FAE] =	sst s3  }
0xc: {  	[smem:$0x3FAF] =	sst s4  }
0xd: {  	[smem:$0x3FB0] =	sst s5  }
0xe: {  	[smem:$0x3FB1] =	sst s6  }
0xf: {  	[smem:$0x3FB2] =	sst s7  }
0x10: {  	[smem:$0x3FB3] =	sst s8  }
0x11: {  	[smem:$0x3FB4] =	sst s9;
	s0 =	simm.s32 @!p0 $0x0  }
0x12: {  	s1 =	sld [smem:$0x3F9A];
	s0 =	simm.s32 @p0 $0x1  }
0x13: {  	[smem:$0x3FB5] =	sst s0;
	s0 =	simm.s32 @!p1 $0x0  }
0x14: {  	s2 =	sld [smem:$0x3F99];
	s0 =	simm.s32 @p1 $0x1  }
0x15: {  	[smem:$0x3FB6] =	sst s0;
	s0 =	simm.s32 @!p2 $0x0  }
0x16: {  	s3 =	sld [smem:$0x3FDB];
	s0 =	simm.s32 @p2 $0x1  }
0x17: {  	s4 =	simm.s32 $0x1BF5;
	[smem:$0x3FB8] =	sst s0  }
0x18: {  	s0 =	sld [smem:$0x3F9B];
	_ =	swait.ge [sflag:s4], $0x0  }
0x19: {  	s7 =	sld [smem:$0x3F9C]  }
0x1a: {  	s8 =	sadd.s32 $0xFFFFE003, lr  }
0x1b: {  	s9 =	sadd.s32 $0xFFFFFEF7, lr;
	s5 =	simm.s32 $0xFFFFFFFF;
	p2 =	slt.u32 s8, $0xFFFFF086  }
0x1c: {  	p1 =	slt.u32 s9, $0xF7A;
	s5 =	simm.s32 @!p2 $0x0  }
0x1d: {  	s5 =	simm.s32 @p1 $0x1;
	p0 =	seq.s32 s7, s2  }
0x1e: {  	s7 =	smul.u32 @!p0 $0xF7A, s2;
	p2 =	seq.s32 @!p0 s5, $0x0  }
0x1f: {  	s9 =	smul.u32 $0xF7A, s1;
	s8 =	simm.s32 @!p0 $0x1BF5;
	p2 =	por !p2, p0  }
0x20: {  	[sflag:s8] =	ssyncset.s32 @!p0 $0xFFFFF086;
	s6 =	sadd.s32 @!p0 s3, s7;
	s7 =	simm.s32 @!p0 $0x108  }
0x21: {  	s3 =	sadd.s32 s3, s9;
	s6 =	sadd.s32 @!p0 $0x88, s6;
	s7 =	simm.s32 @p2 $0x1082  }
0x22: {  	[simem:s7], [sflag:s8] =	dma.local @!p0 [hbm:s6], $0xF7A  }
0x23: {  	s9 =	sor.u32 $0xD0000000, s2;
	s6 =	simm.s32 $0x108;
	_ =	swait.ge @!p0 [sflag:s8], $0x0  }
0x24: {  	s3 =	sadd.s32 $0x88, s3;
	s6 =	simm.s32 @!p1 $0x1082;
	[sflag:s4] =	ssyncset.s32 $0xFFFFF086  }
0x25: {  	[simem:s6], [sflag:s4] =	dma.local [hbm:s3], $0xF7A  }
0x26: {  	[smem:$0x3F9C] =	sst s1;
	(tag) =	ssettag s2;
	_ =	strace s9  }
0x27: {  	s1 =	sld [smem:$0x3FAC]  }
0x28: {  	s2 =	sld [smem:$0x3FAD]  }
0x29: {  	s4 =	sld [smem:$0x3FAF]  }
0x2a: {  	p0 =	seq.s32 s5, $0x0;
	s5 =	sld [smem:$0x3FB0]  }
0x2b: {  	s6 =	sld [smem:$0x3FB1]  }
0x2c: {  	s7 =	sld [smem:$0x3FB2]  }
0x2d: {  	s3 =	simm.s32 $0x108;
	s8 =	sld [smem:$0x3FB3]  }
0x2e: {  	s3 =	simm.s32 @!p0 $0x1082;
	s9 =	sld [smem:$0x3FB4]  }
0x2f: {  	lr =	sadd.s32 s0, s3;
	s0 =	sld [smem:$0x3FAB]  }
0x30: {  	s3 =	sld [smem:$0x3FAE]  }
0x31: {  	[smem:$0x3FB7] =	sst s10  }
0x32: {  	s10 =	sld [smem:$0x3FB5];
	_ =	sdelay $0x3  }
0x33: {  	p0 =	seq.s32 s10, $0x1;
	s10 =	sld [smem:$0x3FB7];
	_ =	sdelay $0x3  }
0x34: {  	[smem:$0x3FB7] =	sst s10  }
0x35: {  	s10 =	sld [smem:$0x3FB6];
	_ =	sdelay $0x3  }
0x36: {  	p1 =	seq.s32 s10, $0x1;
	s10 =	sld [smem:$0x3FB7];
	_ =	sdelay $0x3  }
0x37: {  	[smem:$0x3FB7] =	sst s10  }
0x38: {  	s10 =	sld [smem:$0x3FB8]  }
0x39: {  	_ = 	snop;
	(pc) =	sbr.ind lr, $3  }
0x3a: {  	_ = 	snop  }
0x3b: {  	_ = 	snop  }
0x3c: {  	p2 =	seq.s32 s10, $0x1;
	s10 =	sld [smem:$0x3FB7]  }
0x3d: {  	_ =	shalt  }
0x3e: {  	_ =	shalt  }
0x3f: {  	_ =	shalt  }
0x40: {  	_ =	shalt  }
0x41: {  	_ =	shalt  }
0x42: {  	_ =	shalt  }
0x43: {  	_ =	shalt  }
0x44: {  	_ =	shalt  }
0x45: {  	_ =	shalt  }
0x46: {  	_ =	shalt  }
0x47: {  	_ =	shalt  }
0x48: {  	_ =	shalt  }
0x49: {  	_ =	shalt  }
0x4a: {  	_ =	shalt  }
0x4b: {  	_ =	shalt  }
0x4c: {  	_ =	shalt  }
0x4d: {  	_ =	shalt  }
0x4e: {  	_ =	shalt  }
0x4f: {  	_ =	shalt  }
0x50: {  	_ =	shalt  }
0x51: {  	_ =	shalt  }
0x52: {  	_ =	shalt  }
0x53: {  	_ =	shalt  }
0x54: {  	_ =	shalt  }
0x55: {  	_ =	shalt  }
0x56: {  	_ =	shalt  }
0x57: {  	_ =	shalt  }
0x58: {  	_ =	shalt  }
0x59: {  	_ =	shalt  }
0x5a: {  	_ =	shalt  }
0x5b: {  	_ =	shalt  }
0x5c: {  	_ =	shalt  }
0x5d: {  	_ =	shalt  }
0x5e: {  	_ =	shalt  }
0x5f: {  	_ =	shalt  }
0x60: {  	_ =	shalt  }
0x61: {  	_ =	shalt  }
0x62: {  	_ =	shalt  }
0x63: {  	_ =	shalt  }
0x64: {  	_ =	shalt  }
0x65: {  	_ =	shalt  }
0x66: {  	_ =	shalt  }
0x67: {  	_ =	shalt  }
0x68: {  	_ =	shalt  }
0x69: {  	_ =	shalt  }
0x6a: {  	_ =	shalt  }
0x6b: {  	_ =	shalt  }
0x6c: {  	_ =	shalt  }
0x6d: {  	_ =	shalt  }
0x6e: {  	_ =	shalt  }
0x6f: {  	_ =	shalt  }
0x70: {  	_ =	shalt  }
0x71: {  	_ =	shalt  }
0x72: {  	_ =	shalt  }
0x73: {  	_ =	shalt  }
0x74: {  	_ =	shalt  }
0x75: {  	_ =	shalt  }
0x76: {  	_ =	shalt  }
0x77: {  	_ =	shalt  }
0x78: {  	_ =	shalt  }
0x79: {  	_ =	shalt  }
0x7a: {  	_ =	shalt  }
0x7b: {  	_ =	shalt  }
0x7c: {  	_ =	shalt  }
0x7d: {  	_ =	shalt  }
0x7e: {  	_ =	shalt  }
0x7f: {  	_ =	shalt  }
0x80: {  	_ =	shalt  }
0x81: {  	_ =	shalt  }
0x82: {  	_ =	shalt  }
0x83: {  	_ =	shalt  }
0x84: {  	_ =	shalt  }
0x85: {  	_ =	shalt  }
0x86: {  	_ =	shalt  }
0x87: {  	_ =	shalt  }
.Lfunc_end0:
.L_simem_size_0:
called_computation.1_lowered:
.L_overlay_start_0:
0x88: {  	s2 =	sld [smem:$0x3FD9]  }
0x89: {  	s3 =	sld [smem:$0x3FFE];
	_ =	sdelay $0x1  }
0x8a: {  	s1 =	srdreg.scid  }
0x8b: {  	s0 =	sand.u32 $0x1, s1  }
0x8c: {  	s14 =	sshll.u32 s0, $0xA;
	s2 =	sadd.s32 s3, s2  }
0x8d: {  	s2 =	sadd.s32 s2, s14  }
0x8e: {  	[smem:$0x3FC3] =	sst s2  }
0x8f: {  	_ = 	snop  }
0x90: {  	s2 =	sld [smem:$0x3FD0];
	_ =	sdelay $0x2  }
0x91: {  	s4 =	simm.s32 $0xA;
	s5 =	simm.s32 $0x10;
	s15 =	sld [smem:$0x3FC9]  }
0x92: {  	[smem:s5], [sflag:s4] =	dma.local [hbm:s2], $0x1  }
0x93: {  	_ =	swait.eq [sflag:s4], $0x1  }
0x94: {  	[sflag:s4] =	ssyncset.done $0x0  }
0x95: {  	s16 =	sld [smem:$0x10];
	[sflag:s4] =	ssyncadd.s32 $0xFFFFFFFF  }
0x96: {  	s17 =	sld [smem:$0x11];
	(tm) =	ssettm $0x1  }
0x97: {  	s18 =	sld [smem:$0x3FFB];
	_ =	sdelay $0x3  }
0x98: {  	_ =	strace s18  }
0x99: {  	s5 =	sld [smem:$0x3FFC];
	_ =	sdelay $0x3  }
0x9a: {  	_ =	strace s5  }
0x9b: {  	s5 =	sld [smem:$0x3FFD];
	_ =	sdelay $0x3  }
0x9c: {  	_ =	strace s5  }
0x9d: {  	_ =	strace $0x8FFFFFFF  }
0x9e: {  	s19 =	sld [smem:$0x3FDB];
	_ =	sdelay $0x1  }
0x9f: {  	s6 =	simm.s32 $_scs_section_size  }
0xa0: {  	s7 =	simm.s32 $_size__tile_overlayer_lowered;
	s8 =	simm.s32 $_tile_overlayer_lowered  }
0xa1: {  	s22 =	simm.s32 $0x1BFF;
	s21 =	sshll.u32 s8, $0x1;
	s5 =	sadd.s32 s6, s19  }
0xa2: {  	s9 =	simm.s32 $0x0;
	s20 =	sshll.u32 s7, $0x1;
	s7 =	sadd.s32 s21, s5  }
0xa3: {  	[timem:s9], [sflag:s22] =	dma.local [hbm:s7], s20  }
0xa4: {  	_ =	swait.ge [sflag:s22], s20  }
0xa5: {  	s6 =	ssub.s32 $0x0, s20;
	[sflag:s22] =	ssyncset.done $0x0  }
0xa6: {  	[sflag:s22] =	ssyncadd.s32 s6;
	_ =	sdelay $0x1  }
0xa7: {  	s23 =	simm.s32 $0x1B8B  }
0xa8: {  	_ =	swait.ge [sflag:s23], $0x1  }
0xa9: {  	[sflag:s23] =	ssyncset.done $0x0  }
0xaa: {  	s25 =	simm.s32 $0x1B8E;
	s24 =	sld [smem:$0x3FFE];
	[sflag:s23] =	ssyncadd.s32 $0xFFFFFFFF  }
0xab: {  	s26 =	simm.s32 $execute0_lowered;
	[smem:$0x3FD2] =	sst s25  }
0xac: {  	s7 =	sshll.u32 s26, $0x1;
	_ =	strace $0x80000049;
	[dreg:$0x1] =	wrdreg $0xFFFFFFFF  }
0xad: {  	s28 =	simm.s32 $_size_execute0_lowered;
	s5 =	sadd.s32 s5, s7;
	[dreg:$0x0] =	wrdreg $0x0  }
0xae: {  	s7 =	sshll.u32 s28, $0x1;
	[dreg:$0x2] =	wrdreg s5  }
0xaf: {  	[dreg:$0x3] =	wrdreg s7  }
0xb0: {  	[dreg:$0x4] =	wrdreg $0xC0  }
0xb1: {  	_ =	task [dreg:s9], $0x5FFFF  }
0xb2: {  	[dreg:$0x1] =	wrdreg $0xFFFFFFFF  }
0xb3: {  	[dreg:$0x0] =	wrdreg $0x60  }
0xb4: {  	[dreg:$0x2] =	wrdreg s15  }
0xb5: {  	[dreg:$0x3] =	wrdreg s16  }
0xb6: {  	[dreg:$0x4] =	wrdreg s17  }
0xb7: {  	[dreg:$0x5] =	wrdreg s24  }
0xb8: {  	[dreg:$0x6] =	wrdreg $0x9  }
0xb9: {  	_ =	task.clear_ibuf [dreg:s9], $0x7FFFF;
	_ =	strace $0x90000049  }
0xba: {  	s29 =	simm.s32 $0x9;
	_ =	strace $0x8000004B  }
0xbb: {  	_ =	swait.ge [sflag:s29], $0x1  }
0xbc: {  	[sflag:s29] =	ssyncadd.s32 $0xFFFFFFFF  }
0xbd: {  	_ =	strace $0x9000004B  }
0xbe: {  	_ =	sfence  }
0xbf: {  	s30 =	sld [smem:$0x0];
	_ =	sdelay $0x2  }
0xc0: {  	s31 =	sshll.u32 s1, $0xD;
	s1 =	sshrl.u32 s1, $0x2  }
0xc1: {  	s3 =	sand.u32 $0x4000, s31;
	s1 =	sadd.s32 s1, s30  }
0xc2: {  	s0 =	sor.u32 s3, s0;
	s1 =	sshll.u32 s1, $0x11  }
0xc3: {  	s0 =	sor.u32 s1, s0  }
0xc4: {  	s0 =	sadd.s32 $0x8F2B, s0  }
0xc5: {  	[sflag:s0] =	ssyncadd.remote.s32 $0x1  }
0xc6: {  	_ =	sfence.sel $0xFFFF  }
0xc7: {  	[dreg:$0x0] =	wrdreg $0xFFFFFFFF;
	(pc) =	sbr.abs _section_cstart, $3  }
0xc8: {  	[dreg:$0x1] =	wrdreg $0xFFFFFFFF  }
0xc9: {  	_ =	task.clear_ibuf [dreg:s9], $0x2FFFF;
	_ =	strace $0x9FFFFFFF  }
0xca: {  	(tm) =	ssettm $0x7FFFFFFF  }
0xcb: {  	_ =	shalt  }
tec
execute0_lowered:
.L_overlay_start_1:
0x0: {  	(tag) =	ssettag $0x1  }
0x1: {  	s9 =	rddreg [dreg:$0x0]  }
0x2: {  	s17 =	rddreg [dreg:$0x1]  }
0x3: {  	s2 =	rddreg [dreg:$0x2]  }
0x4: {  	s25 =	rddreg [dreg:$0x3];
	s3 =	srdreg.scid  }
0x5: {  	s0 =	rddreg [dreg:$0x4];
	s1 =	stileid.u32;
	s28 =	sand.u32 $0x1, s3  }
0x6: {  	s3 =	simm.s32 $0x0;
	s4 =	sshll.u32 s1, $0x7;
	s5 =	sshll.u32 s28, $0x6  }
0x7: {  	[smem:$0x7FF] =	sst s3;
	s11 =	sor.u32 s5, s4  }
0x8: {  	_ =	strace $0x8000004A;
	s4 =	sadd.s32 s9, s11;
	s13 =	sor.u32 $0x10, s11  }
0x9: {  	[tilespmem:s3], [sflag:$0x1] =	stream.linear.gather [hbm4b:s4+s3], $0x80, $0x38;
	[tilespmem:$0x10400] =	vst v63  }
0xa: {  	s6 =	simm.s32 $0x80;
	s15 =	sor.u32 $0x20, s11;
	s5 =	sadd.s32 s9, s13  }
0xb: {  	[tilespmem:s6], [sflag:$0x1] =	stream.linear.gather [hbm4b:s5+s3], $0x80, $0x38;
	[tilespmem:$0x10400] =	vst v63  }
0xc: {  	s8 =	simm.s32 $0x100;
	s18 =	sor.u32 $0x30, s11;
	s7 =	sadd.s32 s9, s15  }
0xd: {  	[tilespmem:s8], [sflag:$0x1] =	stream.linear.gather [hbm4b:s7+s3], $0x80, $0x38;
	[tilespmem:$0x10400] =	vst v63  }
0xe: {  	s10 =	simm.s32 $0x180;
	s9 =	sadd.s32 s9, s18  }
0xf: {  	[tilespmem:s10], [sflag:$0x1] =	stream.linear.gather [hbm4b:s9+s3], $0x80, $0x38;
	[tilespmem:$0x10400] =	vst v63  }
0x10: {  	s12 =	simm.s32 $0x200;
	s11 =	sadd.s32 s17, s11  }
0x11: {  	[tilespmem:s12], [sflag:$0x1] =	stream.linear.gather [hbm4b:s11+s3], $0x80, $0x38;
	[tilespmem:$0x10400] =	vst v63  }
0x12: {  	s14 =	simm.s32 $0x280;
	s13 =	sadd.s32 s17, s13  }
0x13: {  	[tilespmem:s14], [sflag:$0x1] =	stream.linear.gather [hbm4b:s13+s3], $0x80, $0x38;
	[tilespmem:$0x10400] =	vst v63  }
0x14: {  	s16 =	simm.s32 $0x300;
	s15 =	sadd.s32 s17, s15  }
0x15: {  	[tilespmem:s16], [sflag:$0x1] =	stream.linear.gather [hbm4b:s15+s3], $0x80, $0x38;
	[tilespmem:$0x10400] =	vst v63  }
0x16: {  	s19 =	simm.s32 $0x1;
	s17 =	sadd.s32 s17, s18;
	s18 =	simm.s32 $0x380  }
0x17: {  	[tilespmem:s18], [sflag:$0x1] =	stream.linear.gather [hbm4b:s17+s3], $0x80, $0x38;
	[tilespmem:$0x10400] =	vst v63  }
0x18: {  	_ =	swait.ge [sflag:s19], $0x80  }
0x19: {  	[sflag:s19] =	ssyncset.done $0x0  }
0x1a: {  	[sflag:s19] =	ssyncadd.s32 $0xFFFFFF80  }
0x1b: {  	_ =	swait.ge [sflag:s19], $0x80  }
0x1c: {  	[sflag:s19] =	ssyncset.done $0x0  }
0x1d: {  	[sflag:s19] =	ssyncadd.s32 $0xFFFFFF80  }
0x1e: {  	_ =	swait.ge [sflag:s19], $0x80  }
0x1f: {  	[sflag:s19] =	ssyncset.done $0x0  }
0x20: {  	[sflag:s19] =	ssyncadd.s32 $0xFFFFFF80  }
0x21: {  	_ =	swait.ge [sflag:s19], $0x80  }
0x22: {  	[sflag:s19] =	ssyncset.done $0x0  }
0x23: {  	[sflag:s19] =	ssyncadd.s32 $0xFFFFFF80  }
0x24: {  	_ =	swait.ge [sflag:s19], $0x80  }
0x25: {  	[sflag:s19] =	ssyncset.done $0x0  }
0x26: {  	[sflag:s19] =	ssyncadd.s32 $0xFFFFFF80  }
0x27: {  	_ =	swait.ge [sflag:s19], $0x80  }
0x28: {  	[sflag:s19] =	ssyncset.done $0x0  }
0x29: {  	[sflag:s19] =	ssyncadd.s32 $0xFFFFFF80  }
0x2a: {  	_ =	swait.ge [sflag:s19], $0x80  }
0x2b: {  	[sflag:s19] =	ssyncset.done $0x0  }
0x2c: {  	[sflag:s19] =	ssyncadd.s32 $0xFFFFFF80  }
0x2d: {  	_ =	swait.ge [sflag:s19], $0x80  }
0x2e: {  	[sflag:s19] =	ssyncset.done $0x0  }
0x2f: {  	s20 =	simm.s32 $0x400;
	[sflag:s19] =	ssyncadd.s32 $0xFFFFFF80  }
0x30: {  	[tilespmem:s20], [sflag:$0x2] =	stream.indirect.gather [hbm4b:s2+s6], $0x80, s12, s6, $0xb8;
	[tilespmem:$0x10400] =	vst v63  }
0x31: {  	s21 =	simm.s32 $0x4400  }
0x32: {  	[tilespmem:s21], [sflag:$0x2] =	stream.indirect.gather [hbm4b:s2+s6], $0x80, s14, s6, $0xb8;
	[tilespmem:$0x10400] =	vst v63  }
0x33: {  	s22 =	simm.s32 $0x8400  }
0x34: {  	[tilespmem:s22], [sflag:$0x2] =	stream.indirect.gather [hbm4b:s2+s6], $0x80, s16, s6, $0xb8;
	[tilespmem:$0x10400] =	vst v63  }
0x35: {  	s23 =	simm.s32 $0xC400;
	s24 =	simm.s32 $0x2  }
0x36: {  	[tilespmem:s23], [sflag:$0x2] =	stream.indirect.gather [hbm4b:s2+s6], $0x80, s18, s6, $0xb8;
	[tilespmem:$0x10400] =	vst v63  }
0x37: {  	_ =	swait.ge [sflag:s24], $0x4000  }
0x38: {  	[sflag:s24] =	ssyncset.done $0x0  }
0x39: {  	s25 =	sadd.s32 $0x1800, s25;
	[sflag:s24] =	ssyncadd.s32 $0xFFFFC000  }
0x3a: {  	[hbm4b:s25+s6] =	stream.indirect.scatter [tilespmem:s20], [sflag:$0x3], $0x80, s3, s6, $0xb8;
	[tilespmem:$0x10400] =	vst v63  }
0x3b: {  	_ =	swait.ge [sflag:s24], $0x4000  }
0x3c: {  	[sflag:s24] =	ssyncset.done $0x0  }
0x3d: {  	[sflag:s24] =	ssyncadd.s32 $0xFFFFC000  }
0x3e: {  	[hbm4b:s25+s6] =	stream.indirect.scatter [tilespmem:s21], [sflag:$0x3], $0x80, s6, s6, $0xb8;
	[tilespmem:$0x10400] =	vst v63  }
0x3f: {  	_ =	swait.ge [sflag:s24], $0x4000  }
0x40: {  	[sflag:s24] =	ssyncset.done $0x0  }
0x41: {  	[sflag:s24] =	ssyncadd.s32 $0xFFFFC000  }
0x42: {  	[hbm4b:s25+s6] =	stream.indirect.scatter [tilespmem:s22], [sflag:$0x3], $0x80, s8, s6, $0xb8;
	[tilespmem:$0x10400] =	vst v63  }
0x43: {  	_ =	swait.ge [sflag:s24], $0x4000  }
0x44: {  	[sflag:s24] =	ssyncset.done $0x0  }
0x45: {  	s26 =	simm.s32 $0x3;
	[sflag:s24] =	ssyncadd.s32 $0xFFFFC000  }
0x46: {  	[hbm4b:s25+s6] =	stream.indirect.scatter [tilespmem:s23], [sflag:$0x3], $0x80, s10, s6, $0xb8;
	[tilespmem:$0x10400] =	vst v63  }
0x47: {  	_ =	swait.ge [sflag:s26], $0x4000  }
0x48: {  	s28 =	ssub.s32 $0x2, s28;
	[sflag:s26] =	ssyncset.done $0x0  }
0x49: {  	s29 =	sshrl.u32 s28, $0x1;
	[sflag:s26] =	ssyncadd.s32 $0xFFFFC000  }
0x4a: {  	s28 =	ssub.s32 s28, s29;
	_ =	swait.ge [sflag:s26], $0x4000  }
0x4b: {  	s28 =	smax.u32 s28, $0x1;
	[sflag:s26] =	ssyncset.done $0x0  }
0x4c: {  	p0 =	sne.s32 s28, $0x1;
	[sflag:s26] =	ssyncadd.s32 $0xFFFFC000  }
.Ltmp0:
0x4d: {  	_ =	swait.ge [sflag:s26], $0x4000;
	(pc) =	sbr.rel @!p0 .LBB2_2-.Ltmp0, $4  }
0x4e: {  	[sflag:s26] =	ssyncset.done $0x0  }
0x4f: {  	[sflag:s26] =	ssyncadd.s32 $0xFFFFC000  }
0x50: {  	_ =	swait.ge [sflag:s26], $0x4000  }
0x51: {  	s28 =	sadd.s32 $0xFFFFFFFF, s28;
	[sflag:s26] =	ssyncset.done $0x0  }
.LBB2_1:
0x52: {  	p0 =	sne.s32 s28, $0x1;
	s28 =	sadd.s32 $0xFFFFFFFF, s28;
	[sflag:s26] =	ssyncadd.s32 $0xFFFFC000  }
0x53: {  	[tilespmem:s3], [sflag:$0x1] =	stream.linear.gather [hbm4b:s4+s3], $0x80, $0x38;
	[tilespmem:$0x10400] =	vst v63  }
0x54: {  	_ = 	snop  }
0x55: {  	[tilespmem:s6], [sflag:$0x1] =	stream.linear.gather [hbm4b:s5+s3], $0x80, $0x38;
	[tilespmem:$0x10400] =	vst v63  }
0x56: {  	_ = 	snop  }
0x57: {  	[tilespmem:s8], [sflag:$0x1] =	stream.linear.gather [hbm4b:s7+s3], $0x80, $0x38;
	[tilespmem:$0x10400] =	vst v63  }
0x58: {  	_ = 	snop  }
0x59: {  	[tilespmem:s10], [sflag:$0x1] =	stream.linear.gather [hbm4b:s9+s3], $0x80, $0x38;
	[tilespmem:$0x10400] =	vst v63  }
0x5a: {  	_ = 	snop  }
0x5b: {  	[tilespmem:s12], [sflag:$0x1] =	stream.linear.gather [hbm4b:s11+s3], $0x80, $0x38;
	[tilespmem:$0x10400] =	vst v63  }
0x5c: {  	_ = 	snop  }
0x5d: {  	[tilespmem:s14], [sflag:$0x1] =	stream.linear.gather [hbm4b:s13+s3], $0x80, $0x38;
	[tilespmem:$0x10400] =	vst v63  }
0x5e: {  	_ = 	snop  }
0x5f: {  	[tilespmem:s16], [sflag:$0x1] =	stream.linear.gather [hbm4b:s15+s3], $0x80, $0x38;
	[tilespmem:$0x10400] =	vst v63  }
0x60: {  	_ = 	snop  }
0x61: {  	[tilespmem:s18], [sflag:$0x1] =	stream.linear.gather [hbm4b:s17+s3], $0x80, $0x38;
	[tilespmem:$0x10400] =	vst v63  }
0x62: {  	_ =	swait.ge [sflag:s19], $0x80  }
0x63: {  	[sflag:s19] =	ssyncset.done $0x0  }
0x64: {  	[sflag:s19] =	ssyncadd.s32 $0xFFFFFF80  }
0x65: {  	_ =	swait.ge [sflag:s19], $0x80  }
0x66: {  	[sflag:s19] =	ssyncset.done $0x0  }
0x67: {  	[sflag:s19] =	ssyncadd.s32 $0xFFFFFF80  }
0x68: {  	_ =	swait.ge [sflag:s19], $0x80  }
0x69: {  	[sflag:s19] =	ssyncset.done $0x0  }
0x6a: {  	[sflag:s19] =	ssyncadd.s32 $0xFFFFFF80  }
0x6b: {  	_ =	swait.ge [sflag:s19], $0x80  }
0x6c: {  	[sflag:s19] =	ssyncset.done $0x0  }
0x6d: {  	[sflag:s19] =	ssyncadd.s32 $0xFFFFFF80  }
0x6e: {  	_ =	swait.ge [sflag:s19], $0x80  }
0x6f: {  	[sflag:s19] =	ssyncset.done $0x0  }
0x70: {  	[sflag:s19] =	ssyncadd.s32 $0xFFFFFF80  }
0x71: {  	_ =	swait.ge [sflag:s19], $0x80  }
0x72: {  	[sflag:s19] =	ssyncset.done $0x0  }
0x73: {  	[sflag:s19] =	ssyncadd.s32 $0xFFFFFF80  }
0x74: {  	_ =	swait.ge [sflag:s19], $0x80  }
0x75: {  	[sflag:s19] =	ssyncset.done $0x0  }
0x76: {  	[sflag:s19] =	ssyncadd.s32 $0xFFFFFF80  }
0x77: {  	_ =	swait.ge [sflag:s19], $0x80  }
0x78: {  	[sflag:s19] =	ssyncset.done $0x0  }
0x79: {  	[sflag:s19] =	ssyncadd.s32 $0xFFFFFF80  }
0x7a: {  	[tilespmem:s20], [sflag:$0x2] =	stream.indirect.gather [hbm4b:s2+s6], $0x80, s12, s6, $0xb8;
	[tilespmem:$0x10400] =	vst v63  }
0x7b: {  	_ = 	snop  }
0x7c: {  	[tilespmem:s21], [sflag:$0x2] =	stream.indirect.gather [hbm4b:s2+s6], $0x80, s14, s6, $0xb8;
	[tilespmem:$0x10400] =	vst v63  }
0x7d: {  	_ = 	snop  }
0x7e: {  	[tilespmem:s22], [sflag:$0x2] =	stream.indirect.gather [hbm4b:s2+s6], $0x80, s16, s6, $0xb8;
	[tilespmem:$0x10400] =	vst v63  }
0x7f: {  	_ = 	snop  }
0x80: {  	[tilespmem:s23], [sflag:$0x2] =	stream.indirect.gather [hbm4b:s2+s6], $0x80, s18, s6, $0xb8;
	[tilespmem:$0x10400] =	vst v63  }
0x81: {  	_ =	swait.ge [sflag:s24], $0x4000  }
0x82: {  	[sflag:s24] =	ssyncset.done $0x0  }
0x83: {  	[sflag:s24] =	ssyncadd.s32 $0xFFFFC000  }
0x84: {  	[hbm4b:s25+s6] =	stream.indirect.scatter [tilespmem:s20], [sflag:$0x3], $0x80, s3, s6, $0xb8;
	[tilespmem:$0x10400] =	vst v63  }
0x85: {  	_ =	swait.ge [sflag:s24], $0x4000  }
0x86: {  	[sflag:s24] =	ssyncset.done $0x0  }
0x87: {  	[sflag:s24] =	ssyncadd.s32 $0xFFFFC000  }
0x88: {  	[hbm4b:s25+s6] =	stream.indirect.scatter [tilespmem:s21], [sflag:$0x3], $0x80, s6, s6, $0xb8;
	[tilespmem:$0x10400] =	vst v63  }
0x89: {  	_ =	swait.ge [sflag:s24], $0x4000  }
0x8a: {  	[sflag:s24] =	ssyncset.done $0x0  }
0x8b: {  	[sflag:s24] =	ssyncadd.s32 $0xFFFFC000  }
0x8c: {  	[hbm4b:s25+s6] =	stream.indirect.scatter [tilespmem:s22], [sflag:$0x3], $0x80, s8, s6, $0xb8;
	[tilespmem:$0x10400] =	vst v63  }
0x8d: {  	_ =	swait.ge [sflag:s24], $0x4000  }
0x8e: {  	[sflag:s24] =	ssyncset.done $0x0  }
0x8f: {  	[sflag:s24] =	ssyncadd.s32 $0xFFFFC000  }
0x90: {  	[hbm4b:s25+s6] =	stream.indirect.scatter [tilespmem:s23], [sflag:$0x3], $0x80, s10, s6, $0xb8;
	[tilespmem:$0x10400] =	vst v63  }
0x91: {  	_ =	swait.ge [sflag:s26], $0x4000  }
0x92: {  	[sflag:s26] =	ssyncset.done $0x0  }
0x93: {  	[sflag:s26] =	ssyncadd.s32 $0xFFFFC000  }
0x94: {  	_ =	swait.ge [sflag:s26], $0x4000  }
0x95: {  	[sflag:s26] =	ssyncset.done $0x0  }
0x96: {  	[sflag:s26] =	ssyncadd.s32 $0xFFFFC000  }
.Ltmp1:
0x97: {  	_ =	swait.ge [sflag:s26], $0x4000;
	(pc) =	sbr.rel @p0 .LBB2_1-.Ltmp1, $4  }
0x98: {  	[sflag:s26] =	ssyncset.done $0x0  }
0x99: {  	[sflag:s26] =	ssyncadd.s32 $0xFFFFC000  }
0x9a: {  	_ =	swait.ge [sflag:s26], $0x4000  }
0x9b: {  	[sflag:s26] =	ssyncset.done $0x0  }
.LBB2_2:
0x9c: {  	[sflag:s26] =	ssyncadd.s32 $0xFFFFC000  }
0x9d: {  	_ =	sfence.sel $0x180000  }
0x9e: {  	[bflag:$0x0] =	sbarrier.arrive $0xFFFF  }
0x9f: {  	p0 =	sne.s32 s1, $0x0;
	_ =	strace $0x9000004A  }
0xa0: {  	s0 =	sadd.s32 @!p0 $0x100000, s0;
	[bflag:$0x2] =	sbarrier.arrive $0xFFFF  }
0xa1: {  	[sflag:s0] =	ssyncadd.tile.s32 @!p0 $0x1;
	_ =	shalt  }
.Lfunc_end2:
_tile_overlayer_lowered:
.L_overlay_start_2:
0xa2: {  	(tag) =	ssettag $0x2  }
0xa3: {  	s0 =	rddreg [dreg:$0x0];
	s2 =	stileid.u32  }
0xa4: {  	s1 =	rddreg [dreg:$0x1];
	p0 =	sne.s32 s2, $0x0  }
0xa5: {  	s3 =	rddreg [dreg:$0x2];
	[bflag:$0x3] =	sbarrier.arrive $0xFFFF;
	s2 =	simm.s32 @!p0 $0x1C04  }
0xa6: {  	[timem:s3], [sflag:s2] =	dma.local @!p0 [hbm:s0], s1  }
0xa7: {  	s0 =	simm.s32 @!p0 $0x4  }
0xa8: {  	_ =	swait.ge @!p0 [sflag:s0], s1  }
0xa9: {  	s1 =	ssub.s32 @!p0 $0x0, s1;
	[sflag:s0] =	ssyncset.done @!p0 $0x0  }
0xaa: {  	[sflag:s0] =	ssyncadd.s32 @!p0 s1  }
0xab: {  	[bflag:$0x3] =	sbarrier.arrive $0xFFFF  }
0xac: {  	_ =	shalt  }

// kernel: kernel.7.cloned.1.call-start
scs
__scs_entry_jumppad:
0x0: {  	(pc) =	sbr.rel $0x88, $3  }
0x1: {  	(tag) =	ssettag $0x0;
	lr =	simm.s32 $0x1  }
0x2: {  	[smem:$0x3F9C] =	sst lr;
	_ =	strace $0xD0000000  }
0x3: {  	_ = 	snop  }
0x4: {  	_ = 	snop  }
0x5: {  	_ = 	snop  }
0x6: {  	_ = 	snop  }
0x7: {  	_ = 	snop  }
__scs_overlays_trampoline_lowered:
0x8: {  	[smem:$0x3FAB] =	sst s0  }
0x9: {  	[smem:$0x3FAC] =	sst s1  }
0xa: {  	[smem:$0x3FAD] =	sst s2  }
0xb: {  	[smem:$0x3FAE] =	sst s3  }
0xc: {  	[smem:$0x3FAF] =	sst s4  }
0xd: {  	[smem:$0x3FB0] =	sst s5  }
0xe: {  	[smem:$0x3FB1] =	sst s6  }
0xf: {  	[smem:$0x3FB2] =	sst s7  }
0x10: {  	[smem:$0x3FB3] =	sst s8  }
0x11: {  	[smem:$0x3FB4] =	sst s9;
	s0 =	simm.s32 @!p0 $0x0  }
0x12: {  	s1 =	sld [smem:$0x3F9A];
	s0 =	simm.s32 @p0 $0x1  }
0x13: {  	[smem:$0x3FB5] =	sst s0;
	s0 =	simm.s32 @!p1 $0x0  }
0x14: {  	s2 =	sld [smem:$0x3F99];
	s0 =	simm.s32 @p1 $0x1  }
0x15: {  	[smem:$0x3FB6] =	sst s0;
	s0 =	simm.s32 @!p2 $0x0  }
0x16: {  	s3 =	sld [smem:$0x3FDB];
	s0 =	simm.s32 @p2 $0x1  }
0x17: {  	s4 =	simm.s32 $0x1BF5;
	[smem:$0x3FB8] =	sst s0  }
0x18: {  	s0 =	sld [smem:$0x3F9B];
	_ =	swait.ge [sflag:s4], $0x0  }
0x19: {  	s7 =	sld [smem:$0x3F9C]  }
0x1a: {  	s8 =	sadd.s32 $0xFFFFE003, lr  }
0x1b: {  	s9 =	sadd.s32 $0xFFFFFEF7, lr;
	s5 =	simm.s32 $0xFFFFFFFF;
	p2 =	slt.u32 s8, $0xFFFFF086  }
0x1c: {  	p1 =	slt.u32 s9, $0xF7A;
	s5 =	simm.s32 @!p2 $0x0  }
0x1d: {  	s5 =	simm.s32 @p1 $0x1;
	p0 =	seq.s32 s7, s2  }
0x1e: {  	s7 =	smul.u32 @!p0 $0xF7A, s2;
	p2 =	seq.s32 @!p0 s5, $0x0  }
0x1f: {  	s9 =	smul.u32 $0xF7A, s1;
	s8 =	simm.s32 @!p0 $0x1BF5;
	p2 =	por !p2, p0  }
0x20: {  	[sflag:s8] =	ssyncset.s32 @!p0 $0xFFFFF086;
	s6 =	sadd.s32 @!p0 s3, s7;
	s7 =	simm.s32 @!p0 $0x108  }
0x21: {  	s3 =	sadd.s32 s3, s9;
	s6 =	sadd.s32 @!p0 $0x88, s6;
	s7 =	simm.s32 @p2 $0x1082  }
0x22: {  	[simem:s7], [sflag:s8] =	dma.local @!p0 [hbm:s6], $0xF7A  }
0x23: {  	s9 =	sor.u32 $0xD0000000, s2;
	s6 =	simm.s32 $0x108;
	_ =	swait.ge @!p0 [sflag:s8], $0x0  }
0x24: {  	s3 =	sadd.s32 $0x88, s3;
	s6 =	simm.s32 @!p1 $0x1082;
	[sflag:s4] =	ssyncset.s32 $0xFFFFF086  }
0x25: {  	[simem:s6], [sflag:s4] =	dma.local [hbm:s3], $0xF7A  }
0x26: {  	[smem:$0x3F9C] =	sst s1;
	(tag) =	ssettag s2;
	_ =	strace s9  }
0x27: {  	s1 =	sld [smem:$0x3FAC]  }
0x28: {  	s2 =	sld [smem:$0x3FAD]  }
0x29: {  	s4 =	sld [smem:$0x3FAF]  }
0x2a: {  	p0 =	seq.s32 s5, $0x0;
	s5 =	sld [smem:$0x3FB0]  }
0x2b: {  	s6 =	sld [smem:$0x3FB1]  }
0x2c: {  	s7 =	sld [smem:$0x3FB2]  }
0x2d: {  	s3 =	simm.s32 $0x108;
	s8 =	sld [smem:$0x3FB3]  }
0x2e: {  	s3 =	simm.s32 @!p0 $0x1082;
	s9 =	sld [smem:$0x3FB4]  }
0x2f: {  	lr =	sadd.s32 s0, s3;
	s0 =	sld [smem:$0x3FAB]  }
0x30: {  	s3 =	sld [smem:$0x3FAE]  }
0x31: {  	[smem:$0x3FB7] =	sst s10  }
0x32: {  	s10 =	sld [smem:$0x3FB5];
	_ =	sdelay $0x3  }
0x33: {  	p0 =	seq.s32 s10, $0x1;
	s10 =	sld [smem:$0x3FB7];
	_ =	sdelay $0x3  }
0x34: {  	[smem:$0x3FB7] =	sst s10  }
0x35: {  	s10 =	sld [smem:$0x3FB6];
	_ =	sdelay $0x3  }
0x36: {  	p1 =	seq.s32 s10, $0x1;
	s10 =	sld [smem:$0x3FB7];
	_ =	sdelay $0x3  }
0x37: {  	[smem:$0x3FB7] =	sst s10  }
0x38: {  	s10 =	sld [smem:$0x3FB8]  }
0x39: {  	_ = 	snop;
	(pc) =	sbr.ind lr, $3  }
0x3a: {  	_ = 	snop  }
0x3b: {  	_ = 	snop  }
0x3c: {  	p2 =	seq.s32 s10, $0x1;
	s10 =	sld [smem:$0x3FB7]  }
0x3d: {  	_ =	shalt  }
0x3e: {  	_ =	shalt  }
0x3f: {  	_ =	shalt  }
0x40: {  	_ =	shalt  }
0x41: {  	_ =	shalt  }
0x42: {  	_ =	shalt  }
0x43: {  	_ =	shalt  }
0x44: {  	_ =	shalt  }
0x45: {  	_ =	shalt  }
0x46: {  	_ =	shalt  }
0x47: {  	_ =	shalt  }
0x48: {  	_ =	shalt  }
0x49: {  	_ =	shalt  }
0x4a: {  	_ =	shalt  }
0x4b: {  	_ =	shalt  }
0x4c: {  	_ =	shalt  }
0x4d: {  	_ =	shalt  }
0x4e: {  	_ =	shalt  }
0x4f: {  	_ =	shalt  }
0x50: {  	_ =	shalt  }
0x51: {  	_ =	shalt  }
0x52: {  	_ =	shalt  }
0x53: {  	_ =	shalt  }
0x54: {  	_ =	shalt  }
0x55: {  	_ =	shalt  }
0x56: {  	_ =	shalt  }
0x57: {  	_ =	shalt  }
0x58: {  	_ =	shalt  }
0x59: {  	_ =	shalt  }
0x5a: {  	_ =	shalt  }
0x5b: {  	_ =	shalt  }
0x5c: {  	_ =	shalt  }
0x5d: {  	_ =	shalt  }
0x5e: {  	_ =	shalt  }
0x5f: {  	_ =	shalt  }
0x60: {  	_ =	shalt  }
0x61: {  	_ =	shalt  }
0x62: {  	_ =	shalt  }
0x63: {  	_ =	shalt  }
0x64: {  	_ =	shalt  }
0x65: {  	_ =	shalt  }
0x66: {  	_ =	shalt  }
0x67: {  	_ =	shalt  }
0x68: {  	_ =	shalt  }
0x69: {  	_ =	shalt  }
0x6a: {  	_ =	shalt  }
0x6b: {  	_ =	shalt  }
0x6c: {  	_ =	shalt  }
0x6d: {  	_ =	shalt  }
0x6e: {  	_ =	shalt  }
0x6f: {  	_ =	shalt  }
0x70: {  	_ =	shalt  }
0x71: {  	_ =	shalt  }
0x72: {  	_ =	shalt  }
0x73: {  	_ =	shalt  }
0x74: {  	_ =	shalt  }
0x75: {  	_ =	shalt  }
0x76: {  	_ =	shalt  }
0x77: {  	_ =	shalt  }
0x78: {  	_ =	shalt  }
0x79: {  	_ =	shalt  }
0x7a: {  	_ =	shalt  }
0x7b: {  	_ =	shalt  }
0x7c: {  	_ =	shalt  }
0x7d: {  	_ =	shalt  }
0x7e: {  	_ =	shalt  }
0x7f: {  	_ =	shalt  }
0x80: {  	_ =	shalt  }
0x81: {  	_ =	shalt  }
0x82: {  	_ =	shalt  }
0x83: {  	_ =	shalt  }
0x84: {  	_ =	shalt  }
0x85: {  	_ =	shalt  }
0x86: {  	_ =	shalt  }
0x87: {  	_ =	shalt  }
.Lfunc_end0:
.L_simem_size_0:
called_computation_lowered:
.L_overlay_start_0:
0x88: {  	s2 =	sld [smem:$0x3FD9]  }
0x89: {  	s3 =	sld [smem:$0x3FFE];
	_ =	sdelay $0x1  }
0x8a: {  	s1 =	srdreg.scid  }
0x8b: {  	s0 =	sand.u32 $0x1, s1  }
0x8c: {  	s15 =	sshll.u32 s0, $0xA;
	s2 =	sadd.s32 s3, s2  }
0x8d: {  	s2 =	sadd.s32 s2, s15  }
0x8e: {  	[smem:$0x3FC3] =	sst s2  }
0x8f: {  	_ = 	snop  }
0x90: {  	s2 =	sld [smem:$0x3FD0];
	_ =	sdelay $0x2  }
0x91: {  	s4 =	simm.s32 $0xA;
	s5 =	simm.s32 $0x10;
	s16 =	sld [smem:$0x3FC9]  }
0x92: {  	[smem:s5], [sflag:s4] =	dma.local [hbm:s2], $0x1  }
0x93: {  	_ =	swait.eq [sflag:s4], $0x1  }
0x94: {  	[sflag:s4] =	ssyncset.done $0x0  }
0x95: {  	[sflag:s4] =	ssyncadd.s32 $0xFFFFFFFF  }
0x96: {  	s17 =	sld [smem:$0x10];
	(tm) =	ssettm $0x1  }
0x97: {  	s18 =	sld [smem:$0x3FFB];
	_ =	sdelay $0x3  }
0x98: {  	_ =	strace s18  }
0x99: {  	s4 =	sld [smem:$0x3FFC];
	_ =	sdelay $0x3  }
0x9a: {  	_ =	strace s4  }
0x9b: {  	s4 =	sld [smem:$0x3FFD];
	_ =	sdelay $0x3  }
0x9c: {  	_ =	strace s4  }
0x9d: {  	_ =	strace $0x8FFFFFFF  }
0x9e: {  	s19 =	sld [smem:$0x3FDB];
	_ =	sdelay $0x1  }
0x9f: {  	s20 =	simm.s32 $_scs_section_size  }
0xa0: {  	s6 =	simm.s32 $_size__tile_overlayer_lowered;
	s7 =	simm.s32 $_tile_overlayer_lowered  }
0xa1: {  	s23 =	simm.s32 $0x1BFF;
	s22 =	sshll.u32 s7, $0x1;
	s4 =	sadd.s32 s20, s19  }
0xa2: {  	s8 =	simm.s32 $0x0;
	s21 =	sshll.u32 s6, $0x1;
	s6 =	sadd.s32 s22, s4  }
0xa3: {  	[timem:s8], [sflag:s23] =	dma.local [hbm:s6], s21  }
0xa4: {  	_ =	swait.ge [sflag:s23], s21  }
0xa5: {  	s5 =	ssub.s32 $0x0, s21;
	[sflag:s23] =	ssyncset.done $0x0  }
0xa6: {  	[sflag:s23] =	ssyncadd.s32 s5;
	_ =	sdelay $0x1  }
0xa7: {  	s24 =	simm.s32 $0x1B8B  }
0xa8: {  	_ =	swait.ge [sflag:s24], $0x1  }
0xa9: {  	[sflag:s24] =	ssyncset.done $0x0  }
0xaa: {  	s25 =	simm.s32 $0x1B8E;
	[sflag:s24] =	ssyncadd.s32 $0xFFFFFFFF  }
0xab: {  	s26 =	simm.s32 $execute0_lowered;
	[smem:$0x3FD2] =	sst s25  }
0xac: {  	s5 =	sshll.u32 s26, $0x1;
	_ =	strace $0x80000046;
	[dreg:$0x1] =	wrdreg $0xFFFFFFFF  }
0xad: {  	s28 =	simm.s32 $_size_execute0_lowered;
	s4 =	sadd.s32 s4, s5;
	[dreg:$0x0] =	wrdreg $0x0  }
0xae: {  	s5 =	sshll.u32 s28, $0x1;
	[dreg:$0x2] =	wrdreg s4  }
0xaf: {  	[dreg:$0x3] =	wrdreg s5  }
0xb0: {  	[dreg:$0x4] =	wrdreg $0xC0  }
0xb1: {  	_ =	task [dreg:s8], $0x5FFFF  }
0xb2: {  	[dreg:$0x1] =	wrdreg $0xFFFFFFFF  }
0xb3: {  	[dreg:$0x0] =	wrdreg $0x60  }
0xb4: {  	[dreg:$0x2] =	wrdreg s16  }
0xb5: {  	[dreg:$0x3] =	wrdreg s17  }
0xb6: {  	[dreg:$0x4] =	wrdreg $0x9  }
0xb7: {  	_ =	task.clear_ibuf [dreg:s8], $0x5FFFF;
	_ =	strace $0x90000046  }
0xb8: {  	s29 =	simm.s32 $0x9;
	_ =	strace $0x80000048  }
0xb9: {  	_ =	swait.ge [sflag:s29], $0x1  }
0xba: {  	[sflag:s29] =	ssyncadd.s32 $0xFFFFFFFF  }
0xbb: {  	_ =	strace $0x90000048  }
0xbc: {  	_ =	sfence  }
0xbd: {  	s30 =	sld [smem:$0x0];
	_ =	sdelay $0x2  }
0xbe: {  	s31 =	sshll.u32 s1, $0xD;
	s1 =	sshrl.u32 s1, $0x2  }
0xbf: {  	s3 =	sand.u32 $0x4000, s31;
	s1 =	sadd.s32 s1, s30  }
0xc0: {  	s0 =	sor.u32 s3, s0;
	s1 =	sshll.u32 s1, $0x11  }
0xc1: {  	s0 =	sor.u32 s1, s0  }
0xc2: {  	s0 =	sadd.s32 $0x8F2B, s0  }
0xc3: {  	[sflag:s0] =	ssyncadd.remote.s32 $0x1  }
0xc4: {  	_ =	sfence.sel $0xFFFF  }
0xc5: {  	[dreg:$0x0] =	wrdreg $0xFFFFFFFF;
	(pc) =	sbr.abs _section_cstart, $3  }
0xc6: {  	[dreg:$0x1] =	wrdreg $0xFFFFFFFF  }
0xc7: {  	_ =	task.clear_ibuf [dreg:s8], $0x2FFFF;
	_ =	strace $0x9FFFFFFF  }
0xc8: {  	(tm) =	ssettm $0x7FFFFFFF  }
0xc9: {  	_ =	shalt  }
tec
execute0_lowered:
.L_overlay_start_1:
0x0: {  	(tag) =	ssettag $0x1  }
0x1: {  	s11 =	rddreg [dreg:$0x0]  }
0x2: {  	s0 =	rddreg [dreg:$0x1];
	s2 =	simm.s32 $0x0  }
0x3: {  	[smem:$0x7FF] =	sst s2;
	s12 =	sadd.s32 $0x100, s11  }
0x4: {  	s15 =	sadd.s32 $0x10, s11;
	_ =	strace $0x80000047;
	[dreg:$0x3] =	wrdreg s12  }
0x5: {  	s16 =	sadd.s32 $0x20, s11;
	[dreg:$0x7] =	wrdreg s15  }
0x6: {  	s17 =	sadd.s32 $0x30, s11;
	[dreg:$0x8] =	wrdreg s16  }
0x7: {  	s18 =	sadd.s32 $0x40, s11;
	[dreg:$0x9] =	wrdreg s17  }
0x8: {  	s19 =	sadd.s32 $0x50, s11;
	[dreg:$0xa] =	wrdreg s18  }
0x9: {  	s20 =	sadd.s32 $0x60, s11;
	[dreg:$0xb] =	wrdreg s19  }
0xa: {  	s21 =	sadd.s32 $0x70, s11;
	[dreg:$0xc] =	wrdreg s20  }
0xb: {  	s1 =	srdreg.scid;
	s22 =	sadd.s32 $0x80, s11;
	[dreg:$0xd] =	wrdreg s21  }
0xc: {  	s9 =	stileid.u32;
	s23 =	sadd.s32 $0x90, s11;
	[dreg:$0xe] =	wrdreg s22  }
0xd: {  	s28 =	simm.s32 $0x19580;
	s24 =	sadd.s32 $0xA0, s11;
	[dreg:$0xf] =	wrdreg s23  }
0xe: {  	s29 =	simm.s32 $0x19680;
	s25 =	sadd.s32 $0xB0, s11;
	[dreg:$0x10] =	wrdreg s24  }
0xf: {  	s30 =	simm.s32 $0x1;
	s26 =	sadd.s32 $0xC0, s11;
	[dreg:$0x11] =	wrdreg s25  }
0x10: {  	s31 =	simm.s32 $0x2;
	[dreg:$0x12] =	wrdreg s26;
	s12 =	sadd.s32 $0x110, s11  }
0x11: {  	s1 =	sand.u32 $0x1, s1;
	s15 =	sadd.s32 $0x140, s11;
	[dreg:$0x16] =	wrdreg s12  }
0x12: {  	s5 =	sadd.s32 $0x200, s11;
	s16 =	sadd.s32 $0x150, s11;
	[dreg:$0x19] =	wrdreg s15  }
0x13: {  	s6 =	sadd.s32 $0x300, s11;
	s17 =	sadd.s32 $0x160, s11;
	[dreg:$0x1a] =	wrdreg s16  }
0x14: {  	s7 =	sadd.s32 $0x400, s11;
	s18 =	sadd.s32 $0x170, s11;
	[dreg:$0x1b] =	wrdreg s17  }
0x15: {  	s8 =	sadd.s32 $0x500, s11;
	s19 =	sadd.s32 $0x180, s11;
	[dreg:$0x1c] =	wrdreg s18  }
0x16: {  	s13 =	sshll.u32 s9, $0x7;
	s20 =	sadd.s32 $0x190, s11;
	[dreg:$0x1d] =	wrdreg s19  }
0x17: {  	s9 =	sadd.s32 $0x600, s11;
	s21 =	sadd.s32 $0x1A0, s11;
	[dreg:$0x1e] =	wrdreg s20  }
0x18: {  	s10 =	sadd.s32 $0x700, s11;
	s22 =	sadd.s32 $0x1B0, s11;
	[dreg:$0x1f] =	wrdreg s21  }
0x19: {  	s3 =	ssub.s32 $0x2, s1;
	s23 =	sadd.s32 $0x1C0, s11;
	[smem:$0x7F9] =	sst s22  }
0x1a: {  	s1 =	sshll.u32 s1, $0x6;
	s24 =	sadd.s32 $0x1D0, s11;
	[smem:$0x7FA] =	sst s23  }
0x1b: {  	s25 =	sadd.s32 $0x1E0, s11;
	s26 =	sadd.s32 $0x1F0, s11;
	[smem:$0x7FB] =	sst s24  }
0x1c: {  	s4 =	sshrl.u32 s3, $0x1;
	s1 =	sor.u32 s1, s13;
	[smem:$0x7FC] =	sst s25  }
0x1d: {  	s13 =	sadd.s32 $0x120, s11;
	[smem:$0x7FD] =	sst s26;
	s15 =	simm.s32 $0x18880  }
0x1e: {  	s16 =	simm.s32 $0x18980;
	s17 =	simm.s32 $0x18A80;
	s18 =	simm.s32 $0x18B80  }
0x1f: {  	s19 =	simm.s32 $0x18C80;
	s20 =	simm.s32 $0x18D80;
	s21 =	simm.s32 $0x18F80  }
0x20: {  	s3 =	ssub.s32 s3, s4;
	s4 =	sadd.s32 s11, s1;
	[dreg:$0x17] =	wrdreg s13  }
0x21: {  	s22 =	simm.s32 $0x19080;
	s0 =	sadd.s32 s0, s1;
	[dreg:$0x4] =	wrdreg s4  }
0x22: {  	s23 =	simm.s32 $0x19180;
	s1 =	sadd.s32 $0xD0, s11;
	[dreg:$0x5] =	wrdreg s0  }
0x23: {  	s24 =	simm.s32 $0x19280;
	s14 =	smax.u32 s3, $0x1;
	[dreg:$0x13] =	wrdreg s1  }
0x24: {  	s25 =	simm.s32 $0x19380;
	s3 =	sadd.s32 $0xE0, s11;
	[dreg:$0x6] =	wrdreg s14  }
0x25: {  	s26 =	simm.s32 $0x19480;
	s4 =	sadd.s32 $0xF0, s11;
	[dreg:$0x14] =	wrdreg s3  }
0x26: {  	s1 =	simm.s32 $0x18E80;
	[dreg:$0x15] =	wrdreg s4;
	s14 =	sadd.s32 $0x130, s11  }
0x27: {  	v0 =	vlaneseq.u32;
	s0 =	simm.s32 $0x0;
	[dreg:$0x18] =	wrdreg s14;
	s14 =	simm.s32 $0x18700  }
.LBB2_1:
0x28: {  	s3 =	rddreg [dreg:$0x0]  }
0x29: {  	s12 =	rddreg [dreg:$0x7]  }
0x2a: {  	[tilespmem:s14], [sflag:$0x1] =	stream.linear.gather [hbm4b:s3+s2], $0x80, $0x38;
	[tilespmem:$0x19B00] =	vst v63  }
0x2b: {  	s4 =	simm.s32 $0x18800;
	s13 =	rddreg [dreg:$0x8]  }
0x2c: {  	[tilespmem:s4], [sflag:$0x1] =	stream.linear.gather [hbm4b:s12+s2], $0x80, $0x38;
	[tilespmem:$0x19B00] =	vst v63  }
0x2d: {  	s11 =	rddreg [dreg:$0x9];
	s14 =	simm.s32 $0x18900  }
0x2e: {  	[tilespmem:s14], [sflag:$0x1] =	stream.linear.gather [hbm4b:s13+s2], $0x80, $0x38;
	[tilespmem:$0x19B00] =	vst v63  }
0x2f: {  	s12 =	simm.s32 $0x18A00;
	s4 =	rddreg [dreg:$0x16]  }
0x30: {  	[tilespmem:s12], [sflag:$0x1] =	stream.linear.gather [hbm4b:s11+s2], $0x80, $0x38;
	[tilespmem:$0x19B00] =	vst v63  }
0x31: {  	s13 =	rddreg [dreg:$0xa];
	s14 =	simm.s32 $0x18B00  }
0x32: {  	[tilespmem:s14], [sflag:$0x1] =	stream.linear.gather [hbm4b:s13+s2], $0x80, $0x38;
	[tilespmem:$0x19B00] =	vst v63  }
0x33: {  	s11 =	rddreg [dreg:$0xb];
	s12 =	simm.s32 $0x18C00  }
0x34: {  	[tilespmem:s12], [sflag:$0x1] =	stream.linear.gather [hbm4b:s11+s2], $0x80, $0x38;
	[tilespmem:$0x19B00] =	vst v63  }
0x35: {  	s13 =	rddreg [dreg:$0xc];
	s14 =	simm.s32 $0x18D00  }
0x36: {  	[tilespmem:s14], [sflag:$0x1] =	stream.linear.gather [hbm4b:s13+s2], $0x80, $0x38;
	[tilespmem:$0x19B00] =	vst v63  }
0x37: {  	s11 =	rddreg [dreg:$0xd];
	s12 =	simm.s32 $0x18E00  }
0x38: {  	[tilespmem:s12], [sflag:$0x1] =	stream.linear.gather [hbm4b:s11+s2], $0x80, $0x38;
	[tilespmem:$0x19B00] =	vst v63  }
0x39: {  	s13 =	rddreg [dreg:$0xe];
	s14 =	simm.s32 $0x18F00  }
0x3a: {  	[tilespmem:s14], [sflag:$0x1] =	stream.linear.gather [hbm4b:s13+s2], $0x80, $0x38;
	[tilespmem:$0x19B00] =	vst v63  }
0x3b: {  	s11 =	rddreg [dreg:$0xf];
	s12 =	simm.s32 $0x19000  }
0x3c: {  	[tilespmem:s12], [sflag:$0x1] =	stream.linear.gather [hbm4b:s11+s2], $0x80, $0x38;
	[tilespmem:$0x19B00] =	vst v63  }
0x3d: {  	s13 =	rddreg [dreg:$0x10];
	s14 =	simm.s32 $0x19100  }
0x3e: {  	[tilespmem:s14], [sflag:$0x1] =	stream.linear.gather [hbm4b:s13+s2], $0x80, $0x38;
	[tilespmem:$0x19B00] =	vst v63  }
0x3f: {  	s11 =	rddreg [dreg:$0x11];
	s12 =	simm.s32 $0x19200  }
0x40: {  	[tilespmem:s12], [sflag:$0x1] =	stream.linear.gather [hbm4b:s11+s2], $0x80, $0x38;
	[tilespmem:$0x19B00] =	vst v63  }
0x41: {  	s13 =	rddreg [dreg:$0x12];
	s14 =	simm.s32 $0x19300  }
0x42: {  	[tilespmem:s14], [sflag:$0x1] =	stream.linear.gather [hbm4b:s13+s2], $0x80, $0x38;
	[tilespmem:$0x19B00] =	vst v63  }
0x43: {  	s11 =	rddreg [dreg:$0x13];
	s12 =	simm.s32 $0x19400  }
0x44: {  	[tilespmem:s12], [sflag:$0x1] =	stream.linear.gather [hbm4b:s11+s2], $0x80, $0x38;
	[tilespmem:$0x19B00] =	vst v63  }
0x45: {  	s13 =	rddreg [dreg:$0x14];
	s14 =	simm.s32 $0x19500  }
0x46: {  	[tilespmem:s14], [sflag:$0x1] =	stream.linear.gather [hbm4b:s13+s2], $0x80, $0x38;
	[tilespmem:$0x19B00] =	vst v63  }
0x47: {  	s11 =	rddreg [dreg:$0x15];
	s12 =	simm.s32 $0x19600  }
0x48: {  	[tilespmem:s12], [sflag:$0x1] =	stream.linear.gather [hbm4b:s11+s2], $0x80, $0x38;
	[tilespmem:$0x19B00] =	vst v63  }
0x49: {  	s13 =	rddreg [dreg:$0x3];
	s14 =	simm.s32 $0x18780  }
0x4a: {  	[tilespmem:s14], [sflag:$0x2] =	stream.linear.gather [hbm4b:s13+s2], $0x80, $0x38;
	[tilespmem:$0x19B00] =	vst v63  }
0x4b: {  	s11 =	rddreg [dreg:$0x17]  }
0x4c: {  	[tilespmem:s15], [sflag:$0x2] =	stream.linear.gather [hbm4b:s4+s2], $0x80, $0x38;
	[tilespmem:$0x19B00] =	vst v63  }
0x4d: {  	s12 =	rddreg [dreg:$0x18]  }
0x4e: {  	[tilespmem:s16], [sflag:$0x2] =	stream.linear.gather [hbm4b:s11+s2], $0x80, $0x38;
	[tilespmem:$0x19B00] =	vst v63  }
0x4f: {  	s13 =	rddreg [dreg:$0x19]  }
0x50: {  	[tilespmem:s17], [sflag:$0x2] =	stream.linear.gather [hbm4b:s12+s2], $0x80, $0x38;
	[tilespmem:$0x19B00] =	vst v63  }
0x51: {  	s14 =	rddreg [dreg:$0x1a]  }
0x52: {  	[tilespmem:s18], [sflag:$0x2] =	stream.linear.gather [hbm4b:s13+s2], $0x80, $0x38;
	[tilespmem:$0x19B00] =	vst v63  }
0x53: {  	s4 =	rddreg [dreg:$0x1b]  }
0x54: {  	[tilespmem:s19], [sflag:$0x2] =	stream.linear.gather [hbm4b:s14+s2], $0x80, $0x38;
	[tilespmem:$0x19B00] =	vst v63  }
0x55: {  	s11 =	rddreg [dreg:$0x1c]  }
0x56: {  	[tilespmem:s20], [sflag:$0x2] =	stream.linear.gather [hbm4b:s4+s2], $0x80, $0x38;
	[tilespmem:$0x19B00] =	vst v63  }
0x57: {  	s12 =	rddreg [dreg:$0x1d]  }
0x58: {  	[tilespmem:s1], [sflag:$0x2] =	stream.linear.gather [hbm4b:s11+s2], $0x80, $0x38;
	[tilespmem:$0x19B00] =	vst v63  }
0x59: {  	s13 =	rddreg [dreg:$0x1e]  }
0x5a: {  	[tilespmem:s21], [sflag:$0x2] =	stream.linear.gather [hbm4b:s12+s2], $0x80, $0x38;
	[tilespmem:$0x19B00] =	vst v63  }
0x5b: {  	s14 =	rddreg [dreg:$0x1f]  }
0x5c: {  	[tilespmem:s22], [sflag:$0x2] =	stream.linear.gather [hbm4b:s13+s2], $0x80, $0x38;
	[tilespmem:$0x19B00] =	vst v63  }
0x5d: {  	s4 =	sld [smem:$0x7F9]  }
0x5e: {  	[tilespmem:s23], [sflag:$0x2] =	stream.linear.gather [hbm4b:s14+s2], $0x80, $0x38;
	[tilespmem:$0x19B00] =	vst v63  }
0x5f: {  	s11 =	sld [smem:$0x7FA]  }
0x60: {  	[tilespmem:s24], [sflag:$0x2] =	stream.linear.gather [hbm4b:s4+s2], $0x80, $0x38;
	[tilespmem:$0x19B00] =	vst v63  }
0x61: {  	s12 =	sld [smem:$0x7FB]  }
0x62: {  	[tilespmem:s25], [sflag:$0x2] =	stream.linear.gather [hbm4b:s11+s2], $0x80, $0x38;
	[tilespmem:$0x19B00] =	vst v63  }
0x63: {  	s13 =	sld [smem:$0x7FC]  }
0x64: {  	[tilespmem:s26], [sflag:$0x2] =	stream.linear.gather [hbm4b:s12+s2], $0x80, $0x38;
	[tilespmem:$0x19B00] =	vst v63  }
0x65: {  	s14 =	sld [smem:$0x7FD]  }
0x66: {  	[tilespmem:s28], [sflag:$0x2] =	stream.linear.gather [hbm4b:s13+s2], $0x80, $0x38;
	[tilespmem:$0x19B00] =	vst v63  }
0x67: {  	_ = 	snop  }
0x68: {  	[tilespmem:s29], [sflag:$0x2] =	stream.linear.gather [hbm4b:s14+s2], $0x80, $0x38;
	[tilespmem:$0x19B00] =	vst v63  }
0x69: {  	_ =	swait.ge [sflag:s30], $0x800  }
0x6a: {  	s3 =	simm.s32 $0xFFFFFFFC;
	[sflag:s30] =	ssyncset.done $0x0  }
0x6b: {  	s4 =	simm.s32 $0x30;
	s11 =	simm.s32 $0x0;
	[sflag:s30] =	ssyncadd.s32 $0xFFFFF800  }
.LBB2_2:
0x6c: {  	s12 =	sadd.s32 $0xFFFFFFD0, s4;
	s13 =	sand.u32 $0xF00, s11  }
0x6d: {  	s14 =	sand.u32 $0x40, s12;
	s13 =	sadd.s32 $0x18700, s13  }
0x6e: {  	s14 =	sor.u32 s14, s13  }
0x6f: {  	v1 =	vld [tilespmem:s14+$0x0];
	_ =	sdelay $0x6  }
0x70: {  	v2 =	vor.u32 s12, v0  }
0x71: {  	[tilespmem:v1+s2+$0x0] =	vst.idx.msk $0xffff, v2  }
0x72: {  	v3 =	vld.idx.msk [tilespmem:v1+s2+$0x0], $0xffff;
	_ =	sdelay $0x4  }
0x73: {  	vm0 =	vlt.s32 v3, v2;
	_ =	sdelay $0x5  }
0x74: {  	[tilespmem:v1+s2+$0x0] =	vst.idx.msk vm0, v2  }
0x75: {  	v3 =	vld.idx.msk [tilespmem:v1+s2+$0x0], $0xffff;
	_ =	sdelay $0x4  }
0x76: {  	vm9 =	vlt.s32 v3, v2;
	_ =	sdelay $0x3  }
0x77: {  	s12 =	sadd.s32 $0xFFFFFFE0, s4  }
0x78: {  	s14 =	sand.u32 $0x50, s12  }
0x79: {  	s14 =	sor.u32 s14, s13;
	[tilespmem:v1+s2+$0x0] =	vst.idx.msk vm9, v2  }
0x7a: {  	v1 =	vld [tilespmem:s14+$0x0];
	_ =	sdelay $0x6  }
0x7b: {  	v2 =	vor.u32 s12, v0  }
0x7c: {  	[tilespmem:v1+s2+$0x0] =	vst.idx.msk $0xffff, v2  }
0x7d: {  	v3 =	vld.idx.msk [tilespmem:v1+s2+$0x0], $0xffff;
	_ =	sdelay $0x4  }
0x7e: {  	vm10 =	vlt.s32 v3, v2;
	_ =	sdelay $0x5  }
0x7f: {  	[tilespmem:v1+s2+$0x0] =	vst.idx.msk vm10, v2  }
0x80: {  	v3 =	vld.idx.msk [tilespmem:v1+s2+$0x0], $0xffff;
	_ =	sdelay $0x4  }
0x81: {  	vm11 =	vlt.s32 v3, v2;
	_ =	sdelay $0x3  }
0x82: {  	s12 =	sadd.s32 $0xFFFFFFF0, s4  }
0x83: {  	s14 =	sand.u32 $0x60, s12  }
0x84: {  	s14 =	sor.u32 s14, s13;
	[tilespmem:v1+s2+$0x0] =	vst.idx.msk vm11, v2  }
0x85: {  	v1 =	vld [tilespmem:s14+$0x0];
	_ =	sdelay $0x6  }
0x86: {  	v2 =	vor.u32 s12, v0  }
0x87: {  	[tilespmem:v1+s2+$0x0] =	vst.idx.msk $0xffff, v2  }
0x88: {  	v3 =	vld.idx.msk [tilespmem:v1+s2+$0x0], $0xffff;
	_ =	sdelay $0x4  }
0x89: {  	vm12 =	vlt.s32 v3, v2;
	_ =	sdelay $0x5  }
0x8a: {  	[tilespmem:v1+s2+$0x0] =	vst.idx.msk vm12, v2  }
0x8b: {  	v3 =	vld.idx.msk [tilespmem:v1+s2+$0x0], $0xffff;
	_ =	sdelay $0x4  }
0x8c: {  	vm13 =	vlt.s32 v3, v2;
	_ =	sdelay $0x4  }
0x8d: {  	s14 =	sand.u32 $0x70, s4  }
0x8e: {  	s12 =	sor.u32 s14, s13;
	[tilespmem:v1+s2+$0x0] =	vst.idx.msk vm13, v2  }
0x8f: {  	v1 =	vld [tilespmem:s12+$0x0];
	_ =	sdelay $0x6  }
0x90: {  	v2 =	vor.u32 s4, v0  }
0x91: {  	[tilespmem:v1+s2+$0x0] =	vst.idx.msk $0xffff, v2  }
0x92: {  	v3 =	vld.idx.msk [tilespmem:v1+s2+$0x0], $0xffff;
	_ =	sdelay $0x4  }
0x93: {  	vm14 =	vlt.s32 v3, v2;
	_ =	sdelay $0x5  }
0x94: {  	[tilespmem:v1+s2+$0x0] =	vst.idx.msk vm14, v2  }
0x95: {  	v3 =	vld.idx.msk [tilespmem:v1+s2+$0x0], $0xffff;
	_ =	sdelay $0x4  }
0x96: {  	s3 =	sadd.s32 $0x4, s3;
	vm15 =	vlt.s32 v3, v2  }
0x97: {  	p0 =	slt.u32 s3, $0x7C  }
.Ltmp0:
0x98: {  	_ = 	snop;
	(pc) =	sbr.rel @p0 .LBB2_2-.Ltmp0, $2  }
0x99: {  	_ =	sdelay $0x2  }
0x9a: {  	s11 =	sadd.s32 $0x80, s11;
	s4 =	sadd.s32 $0x40, s4;
	[tilespmem:v1+s2+$0x0] =	vst.idx.msk vm15, v2  }
0x9b: {  	s3 =	simm.s32 $0x0;
	s14 =	simm.s32 $0x18700  }
0x9c: {  	[tilespmem:s14], [sflag:$0x1] =	stream.linear.gather [hbm4b:s5+s3], $0x80, $0x38;
	[tilespmem:$0x19B00] =	vst v63  }
0x9d: {  	s4 =	sadd.s32 $0x10, s5;
	s11 =	simm.s32 $0x18800  }
0x9e: {  	[tilespmem:s11], [sflag:$0x1] =	stream.linear.gather [hbm4b:s4+s3], $0x80, $0x38;
	[tilespmem:$0x19B00] =	vst v63  }
0x9f: {  	s12 =	sadd.s32 $0x20, s5;
	s13 =	simm.s32 $0x18900  }
0xa0: {  	[tilespmem:s13], [sflag:$0x1] =	stream.linear.gather [hbm4b:s12+s3], $0x80, $0x38;
	[tilespmem:$0x19B00] =	vst v63  }
0xa1: {  	s12 =	sadd.s32 $0x30, s5;
	s13 =	simm.s32 $0x18A00  }
0xa2: {  	[tilespmem:s13], [sflag:$0x1] =	stream.linear.gather [hbm4b:s12+s3], $0x80, $0x38;
	[tilespmem:$0x19B00] =	vst v63  }
0xa3: {  	s12 =	sadd.s32 $0x40, s5;
	s13 =	simm.s32 $0x18B00  }
0xa4: {  	[tilespmem:s13], [sflag:$0x1] =	stream.linear.gather [hbm4b:s12+s3], $0x80, $0x38;
	[tilespmem:$0x19B00] =	vst v63  }
0xa5: {  	s12 =	sadd.s32 $0x50, s5;
	s13 =	simm.s32 $0x18C00  }
0xa6: {  	[tilespmem:s13], [sflag:$0x1] =	stream.linear.gather [hbm4b:s12+s3], $0x80, $0x38;
	[tilespmem:$0x19B00] =	vst v63  }
0xa7: {  	s12 =	sadd.s32 $0x60, s5;
	s13 =	simm.s32 $0x18D00  }
0xa8: {  	[tilespmem:s13], [sflag:$0x1] =	stream.linear.gather [hbm4b:s12+s3], $0x80, $0x38;
	[tilespmem:$0x19B00] =	vst v63  }
0xa9: {  	s12 =	sadd.s32 $0x70, s5;
	s13 =	simm.s32 $0x18E00  }
0xaa: {  	[tilespmem:s13], [sflag:$0x1] =	stream.linear.gather [hbm4b:s12+s3], $0x80, $0x38;
	[tilespmem:$0x19B00] =	vst v63  }
0xab: {  	s12 =	sadd.s32 $0x80, s5;
	s13 =	simm.s32 $0x18F00  }
0xac: {  	[tilespmem:s13], [sflag:$0x1] =	stream.linear.gather [hbm4b:s12+s3], $0x80, $0x38;
	[tilespmem:$0x19B00] =	vst v63  }
0xad: {  	s12 =	sadd.s32 $0x90, s5;
	s13 =	simm.s32 $0x19000  }
0xae: {  	[tilespmem:s13], [sflag:$0x1] =	stream.linear.gather [hbm4b:s12+s3], $0x80, $0x38;
	[tilespmem:$0x19B00] =	vst v63  }
0xaf: {  	s12 =	sadd.s32 $0xA0, s5;
	s13 =	simm.s32 $0x19100  }
0xb0: {  	[tilespmem:s13], [sflag:$0x1] =	stream.linear.gather [hbm4b:s12+s3], $0x80, $0x38;
	[tilespmem:$0x19B00] =	vst v63  }
0xb1: {  	s12 =	sadd.s32 $0xB0, s5;
	s13 =	simm.s32 $0x19200  }
0xb2: {  	[tilespmem:s13], [sflag:$0x1] =	stream.linear.gather [hbm4b:s12+s3], $0x80, $0x38;
	[tilespmem:$0x19B00] =	vst v63  }
0xb3: {  	s12 =	sadd.s32 $0xC0, s5;
	s13 =	simm.s32 $0x19300  }
0xb4: {  	[tilespmem:s13], [sflag:$0x1] =	stream.linear.gather [hbm4b:s12+s3], $0x80, $0x38;
	[tilespmem:$0x19B00] =	vst v63  }
0xb5: {  	s12 =	sadd.s32 $0xD0, s5;
	s13 =	simm.s32 $0x19400  }
0xb6: {  	[tilespmem:s13], [sflag:$0x1] =	stream.linear.gather [hbm4b:s12+s3], $0x80, $0x38;
	[tilespmem:$0x19B00] =	vst v63  }
0xb7: {  	s12 =	sadd.s32 $0xE0, s5;
	s13 =	simm.s32 $0x19500  }
0xb8: {  	[tilespmem:s13], [sflag:$0x1] =	stream.linear.gather [hbm4b:s12+s3], $0x80, $0x38;
	[tilespmem:$0x19B00] =	vst v63  }
0xb9: {  	s12 =	sadd.s32 $0xF0, s5;
	s13 =	simm.s32 $0x19600  }
0xba: {  	[tilespmem:s13], [sflag:$0x1] =	stream.linear.gather [hbm4b:s12+s3], $0x80, $0x38;
	[tilespmem:$0x19B00] =	vst v63  }
0xbb: {  	_ =	swait.ge [sflag:s31], $0x800  }
0xbc: {  	p0 =	por $0x0, $0x0;
	[sflag:s31] =	ssyncset.done $0x0  }
0xbd: {  	s4 =	simm.s32 $0xFFFFFFFC;
	s11 =	simm.s32 $0x830;
	[sflag:s31] =	ssyncadd.s32 $0xFFFFF800  }
.LBB2_4:
0xbe: {  	s12 =	simm.s32 $0x1  }
0xbf: {  	s12 =	simm.s32 @!p0 $0x0  }
0xc0: {  	s12 =	sshll.u32 s12, $0x6  }
0xc1: {  	s12 =	sadd.s32 s12, s3  }
0xc2: {  	s13 =	sor.u32 $0x80, s12  }
0xc3: {  	v1 =	vld [tilespmem:s13+$0x18700];
	_ =	sdelay $0x5  }
0xc4: {  	s13 =	sadd.s32 $0xFFFFFFD0, s11  }
0xc5: {  	v2 =	vor.u32 s13, v0  }
0xc6: {  	[tilespmem:v1+s2+$0x0] =	vst.idx.msk $0xffff, v2  }
0xc7: {  	v3 =	vld.idx.msk [tilespmem:v1+s2+$0x0], $0xffff;
	_ =	sdelay $0x4  }
0xc8: {  	vm0 =	vlt.s32 v3, v2;
	_ =	sdelay $0x5  }
0xc9: {  	[tilespmem:v1+s2+$0x0] =	vst.idx.msk vm0, v2  }
0xca: {  	v3 =	vld.idx.msk [tilespmem:v1+s2+$0x0], $0xffff;
	_ =	sdelay $0x4  }
0xcb: {  	vm9 =	vlt.s32 v3, v2;
	_ =	sdelay $0x5  }
0xcc: {  	s13 =	sor.u32 $0x90, s12;
	[tilespmem:v1+s2+$0x0] =	vst.idx.msk vm9, v2  }
0xcd: {  	v1 =	vld [tilespmem:s13+$0x18700];
	_ =	sdelay $0x5  }
0xce: {  	s13 =	sadd.s32 $0xFFFFFFE0, s11  }
0xcf: {  	v2 =	vor.u32 s13, v0  }
0xd0: {  	[tilespmem:v1+s2+$0x0] =	vst.idx.msk $0xffff, v2  }
0xd1: {  	v3 =	vld.idx.msk [tilespmem:v1+s2+$0x0], $0xffff;
	_ =	sdelay $0x4  }
0xd2: {  	vm10 =	vlt.s32 v3, v2;
	_ =	sdelay $0x5  }
0xd3: {  	[tilespmem:v1+s2+$0x0] =	vst.idx.msk vm10, v2  }
0xd4: {  	v3 =	vld.idx.msk [tilespmem:v1+s2+$0x0], $0xffff;
	_ =	sdelay $0x4  }
0xd5: {  	vm11 =	vlt.s32 v3, v2;
	_ =	sdelay $0x5  }
0xd6: {  	s13 =	sor.u32 $0xA0, s12;
	[tilespmem:v1+s2+$0x0] =	vst.idx.msk vm11, v2  }
0xd7: {  	v1 =	vld [tilespmem:s13+$0x18700];
	_ =	sdelay $0x5  }
0xd8: {  	s13 =	sadd.s32 $0xFFFFFFF0, s11  }
0xd9: {  	v2 =	vor.u32 s13, v0  }
0xda: {  	[tilespmem:v1+s2+$0x0] =	vst.idx.msk $0xffff, v2  }
0xdb: {  	v3 =	vld.idx.msk [tilespmem:v1+s2+$0x0], $0xffff;
	_ =	sdelay $0x4  }
0xdc: {  	vm12 =	vlt.s32 v3, v2;
	_ =	sdelay $0x5  }
0xdd: {  	[tilespmem:v1+s2+$0x0] =	vst.idx.msk vm12, v2  }
0xde: {  	v3 =	vld.idx.msk [tilespmem:v1+s2+$0x0], $0xffff;
	_ =	sdelay $0x4  }
0xdf: {  	vm13 =	vlt.s32 v3, v2;
	_ =	sdelay $0x5  }
0xe0: {  	s12 =	sor.u32 $0xB0, s12;
	[tilespmem:v1+s2+$0x0] =	vst.idx.msk vm13, v2  }
0xe1: {  	v1 =	vld [tilespmem:s12+$0x18700];
	_ =	sdelay $0x6  }
0xe2: {  	v2 =	vor.u32 s11, v0  }
0xe3: {  	[tilespmem:v1+s2+$0x0] =	vst.idx.msk $0xffff, v2  }
0xe4: {  	v3 =	vld.idx.msk [tilespmem:v1+s2+$0x0], $0xffff;
	_ =	sdelay $0x4  }
0xe5: {  	vm14 =	vlt.s32 v3, v2;
	_ =	sdelay $0x5  }
0xe6: {  	[tilespmem:v1+s2+$0x0] =	vst.idx.msk vm14, v2  }
0xe7: {  	v3 =	vld.idx.msk [tilespmem:v1+s2+$0x0], $0xffff;
	_ =	sdelay $0x4  }
0xe8: {  	s4 =	sadd.s32 $0x4, s4;
	vm15 =	vlt.s32 v3, v2  }
0xe9: {  	p1 =	slt.u32 s4, $0x7C  }
.Ltmp1:
0xea: {  	_ = 	snop;
	(pc) =	sbr.rel @p1 .LBB2_4-.Ltmp1, $2  }
0xeb: {  	_ =	sdelay $0x2  }
0xec: {  	p0 =	por !p0, !p0;
	s3 =	sadd.s32 $0x80, s3;
	s11 =	sadd.s32 $0x40, s11;
	[tilespmem:v1+s2+$0x0] =	vst.idx.msk vm15, v2  }
0xed: {  	s3 =	simm.s32 $0x0;
	s4 =	simm.s32 $0x18780  }
0xee: {  	[tilespmem:s4], [sflag:$0x2] =	stream.linear.gather [hbm4b:s6+s3], $0x80, $0x38;
	[tilespmem:$0x19B00] =	vst v63  }
0xef: {  	s11 =	sadd.s32 $0x10, s6  }
0xf0: {  	[tilespmem:s15], [sflag:$0x2] =	stream.linear.gather [hbm4b:s11+s3], $0x80, $0x38;
	[tilespmem:$0x19B00] =	vst v63  }
0xf1: {  	s12 =	sadd.s32 $0x20, s6  }
0xf2: {  	[tilespmem:s16], [sflag:$0x2] =	stream.linear.gather [hbm4b:s12+s3], $0x80, $0x38;
	[tilespmem:$0x19B00] =	vst v63  }
0xf3: {  	s13 =	sadd.s32 $0x30, s6  }
0xf4: {  	[tilespmem:s17], [sflag:$0x2] =	stream.linear.gather [hbm4b:s13+s3], $0x80, $0x38;
	[tilespmem:$0x19B00] =	vst v63  }
0xf5: {  	s11 =	sadd.s32 $0x40, s6  }
0xf6: {  	[tilespmem:s18], [sflag:$0x2] =	stream.linear.gather [hbm4b:s11+s3], $0x80, $0x38;
	[tilespmem:$0x19B00] =	vst v63  }
0xf7: {  	s12 =	sadd.s32 $0x50, s6  }
0xf8: {  	[tilespmem:s19], [sflag:$0x2] =	stream.linear.gather [hbm4b:s12+s3], $0x80, $0x38;
	[tilespmem:$0x19B00] =	vst v63  }
0xf9: {  	s13 =	sadd.s32 $0x60, s6  }
0xfa: {  	[tilespmem:s20], [sflag:$0x2] =	stream.linear.gather [hbm4b:s13+s3], $0x80, $0x38;
	[tilespmem:$0x19B00] =	vst v63  }
0xfb: {  	s11 =	sadd.s32 $0x70, s6  }
0xfc: {  	[tilespmem:s1], [sflag:$0x2] =	stream.linear.gather [hbm4b:s11+s3], $0x80, $0x38;
	[tilespmem:$0x19B00] =	vst v63  }
0xfd: {  	s12 =	sadd.s32 $0x80, s6  }
0xfe: {  	[tilespmem:s21], [sflag:$0x2] =	stream.linear.gather [hbm4b:s12+s3], $0x80, $0x38;
	[tilespmem:$0x19B00] =	vst v63  }
0xff: {  	s13 =	sadd.s32 $0x90, s6  }
0x100: {  	[tilespmem:s22], [sflag:$0x2] =	stream.linear.gather [hbm4b:s13+s3], $0x80, $0x38;
	[tilespmem:$0x19B00] =	vst v63  }
0x101: {  	s11 =	sadd.s32 $0xA0, s6  }
0x102: {  	[tilespmem:s23], [sflag:$0x2] =	stream.linear.gather [hbm4b:s11+s3], $0x80, $0x38;
	[tilespmem:$0x19B00] =	vst v63  }
0x103: {  	s12 =	sadd.s32 $0xB0, s6  }
0x104: {  	[tilespmem:s24], [sflag:$0x2] =	stream.linear.gather [hbm4b:s12+s3], $0x80, $0x38;
	[tilespmem:$0x19B00] =	vst v63  }
0x105: {  	s13 =	sadd.s32 $0xC0, s6  }
0x106: {  	[tilespmem:s25], [sflag:$0x2] =	stream.linear.gather [hbm4b:s13+s3], $0x80, $0x38;
	[tilespmem:$0x19B00] =	vst v63  }
0x107: {  	s11 =	sadd.s32 $0xD0, s6  }
0x108: {  	[tilespmem:s26], [sflag:$0x2] =	stream.linear.gather [hbm4b:s11+s3], $0x80, $0x38;
	[tilespmem:$0x19B00] =	vst v63  }
0x109: {  	s12 =	sadd.s32 $0xE0, s6  }
0x10a: {  	[tilespmem:s28], [sflag:$0x2] =	stream.linear.gather [hbm4b:s12+s3], $0x80, $0x38;
	[tilespmem:$0x19B00] =	vst v63  }
0x10b: {  	s13 =	sadd.s32 $0xF0, s6  }
0x10c: {  	[tilespmem:s29], [sflag:$0x2] =	stream.linear.gather [hbm4b:s13+s3], $0x80, $0x38;
	[tilespmem:$0x19B00] =	vst v63  }
0x10d: {  	_ =	swait.ge [sflag:s30], $0x800  }
0x10e: {  	[sflag:s30] =	ssyncset.done $0x0  }
0x10f: {  	s4 =	simm.s32 $0xFFFFFFFC;
	s11 =	simm.s32 $0x1030;
	[sflag:s30] =	ssyncadd.s32 $0xFFFFF800  }
.LBB2_6:
0x110: {  	s12 =	sadd.s32 $0xFFFFEFD0, s11  }
0x111: {  	s13 =	sand.u32 $0xF00, s3;
	s12 =	sand.u32 $0x40, s12  }
0x112: {  	s12 =	sor.u32 s12, s13  }
0x113: {  	v1 =	vld [tilespmem:s12+$0x18700];
	_ =	sdelay $0x5  }
0x114: {  	s13 =	sadd.s32 $0xFFFFFFD0, s11  }
0x115: {  	v2 =	vor.u32 s13, v0  }
0x116: {  	[tilespmem:v1+s2+$0x0] =	vst.idx.msk $0xffff, v2  }
0x117: {  	v3 =	vld.idx.msk [tilespmem:v1+s2+$0x0], $0xffff;
	_ =	sdelay $0x4  }
0x118: {  	vm0 =	vlt.s32 v3, v2;
	_ =	sdelay $0x5  }
0x119: {  	[tilespmem:v1+s2+$0x0] =	vst.idx.msk vm0, v2  }
0x11a: {  	v3 =	vld.idx.msk [tilespmem:v1+s2+$0x0], $0xffff;
	_ =	sdelay $0x4  }
0x11b: {  	vm9 =	vlt.s32 v3, v2;
	_ =	sdelay $0x5  }
0x11c: {  	s12 =	sadd.s32 $0x18700, s12;
	[tilespmem:v1+s2+$0x0] =	vst.idx.msk vm9, v2  }
0x11d: {  	v1 =	vld [tilespmem:s12+$0x10];
	_ =	sdelay $0x5  }
0x11e: {  	s13 =	sadd.s32 $0xFFFFFFE0, s11  }
0x11f: {  	v2 =	vor.u32 s13, v0  }
0x120: {  	[tilespmem:v1+s2+$0x0] =	vst.idx.msk $0xffff, v2  }
0x121: {  	v3 =	vld.idx.msk [tilespmem:v1+s2+$0x0], $0xffff;
	_ =	sdelay $0x4  }
0x122: {  	vm10 =	vlt.s32 v3, v2;
	_ =	sdelay $0x5  }
0x123: {  	[tilespmem:v1+s2+$0x0] =	vst.idx.msk vm10, v2  }
0x124: {  	v3 =	vld.idx.msk [tilespmem:v1+s2+$0x0], $0xffff;
	_ =	sdelay $0x4  }
0x125: {  	vm11 =	vlt.s32 v3, v2;
	_ =	sdelay $0x5  }
0x126: {  	[tilespmem:v1+s2+$0x0] =	vst.idx.msk vm11, v2  }
0x127: {  	v1 =	vld [tilespmem:s12+$0x20];
	_ =	sdelay $0x5  }
0x128: {  	s13 =	sadd.s32 $0xFFFFFFF0, s11  }
0x129: {  	v2 =	vor.u32 s13, v0  }
0x12a: {  	[tilespmem:v1+s2+$0x0] =	vst.idx.msk $0xffff, v2  }
0x12b: {  	v3 =	vld.idx.msk [tilespmem:v1+s2+$0x0], $0xffff;
	_ =	sdelay $0x4  }
0x12c: {  	vm12 =	vlt.s32 v3, v2;
	_ =	sdelay $0x5  }
0x12d: {  	[tilespmem:v1+s2+$0x0] =	vst.idx.msk vm12, v2  }
0x12e: {  	v3 =	vld.idx.msk [tilespmem:v1+s2+$0x0], $0xffff;
	_ =	sdelay $0x4  }
0x12f: {  	vm13 =	vlt.s32 v3, v2;
	_ =	sdelay $0x5  }
0x130: {  	[tilespmem:v1+s2+$0x0] =	vst.idx.msk vm13, v2  }
0x131: {  	v1 =	vld [tilespmem:s12+$0x30];
	_ =	sdelay $0x6  }
0x132: {  	v2 =	vor.u32 s11, v0  }
0x133: {  	[tilespmem:v1+s2+$0x0] =	vst.idx.msk $0xffff, v2  }
0x134: {  	v3 =	vld.idx.msk [tilespmem:v1+s2+$0x0], $0xffff;
	_ =	sdelay $0x4  }
0x135: {  	vm14 =	vlt.s32 v3, v2;
	_ =	sdelay $0x5  }
0x136: {  	[tilespmem:v1+s2+$0x0] =	vst.idx.msk vm14, v2  }
0x137: {  	v3 =	vld.idx.msk [tilespmem:v1+s2+$0x0], $0xffff;
	_ =	sdelay $0x4  }
0x138: {  	s4 =	sadd.s32 $0x4, s4;
	vm15 =	vlt.s32 v3, v2  }
0x139: {  	p0 =	slt.u32 s4, $0x7C  }
.Ltmp2:
0x13a: {  	_ = 	snop;
	(pc) =	sbr.rel @p0 .LBB2_6-.Ltmp2, $2  }
0x13b: {  	_ =	sdelay $0x2  }
0x13c: {  	s3 =	sadd.s32 $0x80, s3;
	s11 =	sadd.s32 $0x40, s11;
	[tilespmem:v1+s2+$0x0] =	vst.idx.msk vm15, v2  }
0x13d: {  	s3 =	simm.s32 $0x0  }
0x13e: {  	[tilespmem:s14], [sflag:$0x1] =	stream.linear.gather [hbm4b:s7+s3], $0x80, $0x38;
	[tilespmem:$0x19B00] =	vst v63  }
0x13f: {  	s4 =	sadd.s32 $0x10, s7;
	s11 =	simm.s32 $0x18800  }
0x140: {  	[tilespmem:s11], [sflag:$0x1] =	stream.linear.gather [hbm4b:s4+s3], $0x80, $0x38;
	[tilespmem:$0x19B00] =	vst v63  }
0x141: {  	s12 =	sadd.s32 $0x20, s7;
	s13 =	simm.s32 $0x18900  }
0x142: {  	[tilespmem:s13], [sflag:$0x1] =	stream.linear.gather [hbm4b:s12+s3], $0x80, $0x38;
	[tilespmem:$0x19B00] =	vst v63  }
0x143: {  	s12 =	sadd.s32 $0x30, s7;
	s13 =	simm.s32 $0x18A00  }
0x144: {  	[tilespmem:s13], [sflag:$0x1] =	stream.linear.gather [hbm4b:s12+s3], $0x80, $0x38;
	[tilespmem:$0x19B00] =	vst v63  }
0x145: {  	s12 =	sadd.s32 $0x40, s7;
	s13 =	simm.s32 $0x18B00  }
0x146: {  	[tilespmem:s13], [sflag:$0x1] =	stream.linear.gather [hbm4b:s12+s3], $0x80, $0x38;
	[tilespmem:$0x19B00] =	vst v63  }
0x147: {  	s12 =	sadd.s32 $0x50, s7;
	s13 =	simm.s32 $0x18C00  }
0x148: {  	[tilespmem:s13], [sflag:$0x1] =	stream.linear.gather [hbm4b:s12+s3], $0x80, $0x38;
	[tilespmem:$0x19B00] =	vst v63  }
0x149: {  	s12 =	sadd.s32 $0x60, s7;
	s13 =	simm.s32 $0x18D00  }
0x14a: {  	[tilespmem:s13], [sflag:$0x1] =	stream.linear.gather [hbm4b:s12+s3], $0x80, $0x38;
	[tilespmem:$0x19B00] =	vst v63  }
0x14b: {  	s12 =	sadd.s32 $0x70, s7;
	s13 =	simm.s32 $0x18E00  }
0x14c: {  	[tilespmem:s13], [sflag:$0x1] =	stream.linear.gather [hbm4b:s12+s3], $0x80, $0x38;
	[tilespmem:$0x19B00] =	vst v63  }
0x14d: {  	s12 =	sadd.s32 $0x80, s7;
	s13 =	simm.s32 $0x18F00  }
0x14e: {  	[tilespmem:s13], [sflag:$0x1] =	stream.linear.gather [hbm4b:s12+s3], $0x80, $0x38;
	[tilespmem:$0x19B00] =	vst v63  }
0x14f: {  	s12 =	sadd.s32 $0x90, s7;
	s13 =	simm.s32 $0x19000  }
0x150: {  	[tilespmem:s13], [sflag:$0x1] =	stream.linear.gather [hbm4b:s12+s3], $0x80, $0x38;
	[tilespmem:$0x19B00] =	vst v63  }
0x151: {  	s12 =	sadd.s32 $0xA0, s7;
	s13 =	simm.s32 $0x19100  }
0x152: {  	[tilespmem:s13], [sflag:$0x1] =	stream.linear.gather [hbm4b:s12+s3], $0x80, $0x38;
	[tilespmem:$0x19B00] =	vst v63  }
0x153: {  	s12 =	sadd.s32 $0xB0, s7;
	s13 =	simm.s32 $0x19200  }
0x154: {  	[tilespmem:s13], [sflag:$0x1] =	stream.linear.gather [hbm4b:s12+s3], $0x80, $0x38;
	[tilespmem:$0x19B00] =	vst v63  }
0x155: {  	s12 =	sadd.s32 $0xC0, s7;
	s13 =	simm.s32 $0x19300  }
0x156: {  	[tilespmem:s13], [sflag:$0x1] =	stream.linear.gather [hbm4b:s12+s3], $0x80, $0x38;
	[tilespmem:$0x19B00] =	vst v63  }
0x157: {  	s12 =	sadd.s32 $0xD0, s7;
	s13 =	simm.s32 $0x19400  }
0x158: {  	[tilespmem:s13], [sflag:$0x1] =	stream.linear.gather [hbm4b:s12+s3], $0x80, $0x38;
	[tilespmem:$0x19B00] =	vst v63  }
0x159: {  	s12 =	sadd.s32 $0xE0, s7;
	s13 =	simm.s32 $0x19500  }
0x15a: {  	[tilespmem:s13], [sflag:$0x1] =	stream.linear.gather [hbm4b:s12+s3], $0x80, $0x38;
	[tilespmem:$0x19B00] =	vst v63  }
0x15b: {  	s12 =	sadd.s32 $0xF0, s7;
	s13 =	simm.s32 $0x19600  }
0x15c: {  	[tilespmem:s13], [sflag:$0x1] =	stream.linear.gather [hbm4b:s12+s3], $0x80, $0x38;
	[tilespmem:$0x19B00] =	vst v63  }
0x15d: {  	_ =	swait.ge [sflag:s31], $0x800  }
0x15e: {  	p0 =	por $0x0, $0x0;
	[sflag:s31] =	ssyncset.done $0x0  }
0x15f: {  	s4 =	simm.s32 $0xFFFFFFFC;
	s11 =	simm.s32 $0x1830;
	[sflag:s31] =	ssyncadd.s32 $0xFFFFF800  }
.LBB2_8:
0x160: {  	s12 =	simm.s32 $0x1  }
0x161: {  	s12 =	simm.s32 @!p0 $0x0  }
0x162: {  	s12 =	sshll.u32 s12, $0x6  }
0x163: {  	s12 =	sadd.s32 s12, s3  }
0x164: {  	s13 =	sor.u32 $0x80, s12  }
0x165: {  	v1 =	vld [tilespmem:s13+$0x18700];
	_ =	sdelay $0x5  }
0x166: {  	s13 =	sadd.s32 $0xFFFFFFD0, s11  }
0x167: {  	v2 =	vor.u32 s13, v0  }
0x168: {  	[tilespmem:v1+s2+$0x0] =	vst.idx.msk $0xffff, v2  }
0x169: {  	v3 =	vld.idx.msk [tilespmem:v1+s2+$0x0], $0xffff;
	_ =	sdelay $0x4  }
0x16a: {  	vm0 =	vlt.s32 v3, v2;
	_ =	sdelay $0x5  }
0x16b: {  	[tilespmem:v1+s2+$0x0] =	vst.idx.msk vm0, v2  }
0x16c: {  	v3 =	vld.idx.msk [tilespmem:v1+s2+$0x0], $0xffff;
	_ =	sdelay $0x4  }
0x16d: {  	vm9 =	vlt.s32 v3, v2;
	_ =	sdelay $0x5  }
0x16e: {  	s13 =	sor.u32 $0x90, s12;
	[tilespmem:v1+s2+$0x0] =	vst.idx.msk vm9, v2  }
0x16f: {  	v1 =	vld [tilespmem:s13+$0x18700];
	_ =	sdelay $0x5  }
0x170: {  	s13 =	sadd.s32 $0xFFFFFFE0, s11  }
0x171: {  	v2 =	vor.u32 s13, v0  }
0x172: {  	[tilespmem:v1+s2+$0x0] =	vst.idx.msk $0xffff, v2  }
0x173: {  	v3 =	vld.idx.msk [tilespmem:v1+s2+$0x0], $0xffff;
	_ =	sdelay $0x4  }
0x174: {  	vm10 =	vlt.s32 v3, v2;
	_ =	sdelay $0x5  }
0x175: {  	[tilespmem:v1+s2+$0x0] =	vst.idx.msk vm10, v2  }
0x176: {  	v3 =	vld.idx.msk [tilespmem:v1+s2+$0x0], $0xffff;
	_ =	sdelay $0x4  }
0x177: {  	vm11 =	vlt.s32 v3, v2;
	_ =	sdelay $0x5  }
0x178: {  	s13 =	sor.u32 $0xA0, s12;
	[tilespmem:v1+s2+$0x0] =	vst.idx.msk vm11, v2  }
0x179: {  	v1 =	vld [tilespmem:s13+$0x18700];
	_ =	sdelay $0x5  }
0x17a: {  	s13 =	sadd.s32 $0xFFFFFFF0, s11  }
0x17b: {  	v2 =	vor.u32 s13, v0  }
0x17c: {  	[tilespmem:v1+s2+$0x0] =	vst.idx.msk $0xffff, v2  }
0x17d: {  	v3 =	vld.idx.msk [tilespmem:v1+s2+$0x0], $0xffff;
	_ =	sdelay $0x4  }
0x17e: {  	vm12 =	vlt.s32 v3, v2;
	_ =	sdelay $0x5  }
0x17f: {  	[tilespmem:v1+s2+$0x0] =	vst.idx.msk vm12, v2  }
0x180: {  	v3 =	vld.idx.msk [tilespmem:v1+s2+$0x0], $0xffff;
	_ =	sdelay $0x4  }
0x181: {  	vm13 =	vlt.s32 v3, v2;
	_ =	sdelay $0x5  }
0x182: {  	s12 =	sor.u32 $0xB0, s12;
	[tilespmem:v1+s2+$0x0] =	vst.idx.msk vm13, v2  }
0x183: {  	v1 =	vld [tilespmem:s12+$0x18700];
	_ =	sdelay $0x6  }
0x184: {  	v2 =	vor.u32 s11, v0  }
0x185: {  	[tilespmem:v1+s2+$0x0] =	vst.idx.msk $0xffff, v2  }
0x186: {  	v3 =	vld.idx.msk [tilespmem:v1+s2+$0x0], $0xffff;
	_ =	sdelay $0x4  }
0x187: {  	vm14 =	vlt.s32 v3, v2;
	_ =	sdelay $0x5  }
0x188: {  	[tilespmem:v1+s2+$0x0] =	vst.idx.msk vm14, v2  }
0x189: {  	v3 =	vld.idx.msk [tilespmem:v1+s2+$0x0], $0xffff;
	_ =	sdelay $0x4  }
0x18a: {  	s4 =	sadd.s32 $0x4, s4;
	vm15 =	vlt.s32 v3, v2  }
0x18b: {  	p1 =	slt.u32 s4, $0x7C  }
.Ltmp3:
0x18c: {  	_ = 	snop;
	(pc) =	sbr.rel @p1 .LBB2_8-.Ltmp3, $2  }
0x18d: {  	_ =	sdelay $0x2  }
0x18e: {  	p0 =	por !p0, !p0;
	s3 =	sadd.s32 $0x80, s3;
	s11 =	sadd.s32 $0x40, s11;
	[tilespmem:v1+s2+$0x0] =	vst.idx.msk vm15, v2  }
0x18f: {  	s3 =	simm.s32 $0x0;
	s4 =	simm.s32 $0x18780  }
0x190: {  	[tilespmem:s4], [sflag:$0x2] =	stream.linear.gather [hbm4b:s8+s3], $0x80, $0x38;
	[tilespmem:$0x19B00] =	vst v63  }
0x191: {  	s11 =	sadd.s32 $0x10, s8  }
0x192: {  	[tilespmem:s15], [sflag:$0x2] =	stream.linear.gather [hbm4b:s11+s3], $0x80, $0x38;
	[tilespmem:$0x19B00] =	vst v63  }
0x193: {  	s12 =	sadd.s32 $0x20, s8  }
0x194: {  	[tilespmem:s16], [sflag:$0x2] =	stream.linear.gather [hbm4b:s12+s3], $0x80, $0x38;
	[tilespmem:$0x19B00] =	vst v63  }
0x195: {  	s13 =	sadd.s32 $0x30, s8  }
0x196: {  	[tilespmem:s17], [sflag:$0x2] =	stream.linear.gather [hbm4b:s13+s3], $0x80, $0x38;
	[tilespmem:$0x19B00] =	vst v63  }
0x197: {  	s11 =	sadd.s32 $0x40, s8  }
0x198: {  	[tilespmem:s18], [sflag:$0x2] =	stream.linear.gather [hbm4b:s11+s3], $0x80, $0x38;
	[tilespmem:$0x19B00] =	vst v63  }
0x199: {  	s12 =	sadd.s32 $0x50, s8  }
0x19a: {  	[tilespmem:s19], [sflag:$0x2] =	stream.linear.gather [hbm4b:s12+s3], $0x80, $0x38;
	[tilespmem:$0x19B00] =	vst v63  }
0x19b: {  	s13 =	sadd.s32 $0x60, s8  }
0x19c: {  	[tilespmem:s20], [sflag:$0x2] =	stream.linear.gather [hbm4b:s13+s3], $0x80, $0x38;
	[tilespmem:$0x19B00] =	vst v63  }
0x19d: {  	s11 =	sadd.s32 $0x70, s8  }
0x19e: {  	[tilespmem:s1], [sflag:$0x2] =	stream.linear.gather [hbm4b:s11+s3], $0x80, $0x38;
	[tilespmem:$0x19B00] =	vst v63  }
0x19f: {  	s12 =	sadd.s32 $0x80, s8  }
0x1a0: {  	[tilespmem:s21], [sflag:$0x2] =	stream.linear.gather [hbm4b:s12+s3], $0x80, $0x38;
	[tilespmem:$0x19B00] =	vst v63  }
0x1a1: {  	s13 =	sadd.s32 $0x90, s8  }
0x1a2: {  	[tilespmem:s22], [sflag:$0x2] =	stream.linear.gather [hbm4b:s13+s3], $0x80, $0x38;
	[tilespmem:$0x19B00] =	vst v63  }
0x1a3: {  	s11 =	sadd.s32 $0xA0, s8  }
0x1a4: {  	[tilespmem:s23], [sflag:$0x2] =	stream.linear.gather [hbm4b:s11+s3], $0x80, $0x38;
	[tilespmem:$0x19B00] =	vst v63  }
0x1a5: {  	s12 =	sadd.s32 $0xB0, s8  }
0x1a6: {  	[tilespmem:s24], [sflag:$0x2] =	stream.linear.gather [hbm4b:s12+s3], $0x80, $0x38;
	[tilespmem:$0x19B00] =	vst v63  }
0x1a7: {  	s13 =	sadd.s32 $0xC0, s8  }
0x1a8: {  	[tilespmem:s25], [sflag:$0x2] =	stream.linear.gather [hbm4b:s13+s3], $0x80, $0x38;
	[tilespmem:$0x19B00] =	vst v63  }
0x1a9: {  	s11 =	sadd.s32 $0xD0, s8  }
0x1aa: {  	[tilespmem:s26], [sflag:$0x2] =	stream.linear.gather [hbm4b:s11+s3], $0x80, $0x38;
	[tilespmem:$0x19B00] =	vst v63  }
0x1ab: {  	s12 =	sadd.s32 $0xE0, s8  }
0x1ac: {  	[tilespmem:s28], [sflag:$0x2] =	stream.linear.gather [hbm4b:s12+s3], $0x80, $0x38;
	[tilespmem:$0x19B00] =	vst v63  }
0x1ad: {  	s13 =	sadd.s32 $0xF0, s8  }
0x1ae: {  	[tilespmem:s29], [sflag:$0x2] =	stream.linear.gather [hbm4b:s13+s3], $0x80, $0x38;
	[tilespmem:$0x19B00] =	vst v63  }
0x1af: {  	_ =	swait.ge [sflag:s30], $0x800  }
0x1b0: {  	[sflag:s30] =	ssyncset.done $0x0  }
0x1b1: {  	s4 =	simm.s32 $0xFFFFFFFC;
	s11 =	simm.s32 $0x2030;
	[sflag:s30] =	ssyncadd.s32 $0xFFFFF800  }
.LBB2_10:
0x1b2: {  	s12 =	sadd.s32 $0xFFFFDFD0, s11  }
0x1b3: {  	s13 =	sand.u32 $0xF00, s3;
	s12 =	sand.u32 $0x40, s12  }
0x1b4: {  	s12 =	sor.u32 s12, s13  }
0x1b5: {  	v1 =	vld [tilespmem:s12+$0x18700];
	_ =	sdelay $0x5  }
0x1b6: {  	s13 =	sadd.s32 $0xFFFFFFD0, s11  }
0x1b7: {  	v2 =	vor.u32 s13, v0  }
0x1b8: {  	[tilespmem:v1+s2+$0x0] =	vst.idx.msk $0xffff, v2  }
0x1b9: {  	v3 =	vld.idx.msk [tilespmem:v1+s2+$0x0], $0xffff;
	_ =	sdelay $0x4  }
0x1ba: {  	vm0 =	vlt.s32 v3, v2;
	_ =	sdelay $0x5  }
0x1bb: {  	[tilespmem:v1+s2+$0x0] =	vst.idx.msk vm0, v2  }
0x1bc: {  	v3 =	vld.idx.msk [tilespmem:v1+s2+$0x0], $0xffff;
	_ =	sdelay $0x4  }
0x1bd: {  	vm9 =	vlt.s32 v3, v2;
	_ =	sdelay $0x5  }
0x1be: {  	s12 =	sadd.s32 $0x18700, s12;
	[tilespmem:v1+s2+$0x0] =	vst.idx.msk vm9, v2  }
0x1bf: {  	v1 =	vld [tilespmem:s12+$0x10];
	_ =	sdelay $0x5  }
0x1c0: {  	s13 =	sadd.s32 $0xFFFFFFE0, s11  }
0x1c1: {  	v2 =	vor.u32 s13, v0  }
0x1c2: {  	[tilespmem:v1+s2+$0x0] =	vst.idx.msk $0xffff, v2  }
0x1c3: {  	v3 =	vld.idx.msk [tilespmem:v1+s2+$0x0], $0xffff;
	_ =	sdelay $0x4  }
0x1c4: {  	vm10 =	vlt.s32 v3, v2;
	_ =	sdelay $0x5  }
0x1c5: {  	[tilespmem:v1+s2+$0x0] =	vst.idx.msk vm10, v2  }
0x1c6: {  	v3 =	vld.idx.msk [tilespmem:v1+s2+$0x0], $0xffff;
	_ =	sdelay $0x4  }
0x1c7: {  	vm11 =	vlt.s32 v3, v2;
	_ =	sdelay $0x5  }
0x1c8: {  	[tilespmem:v1+s2+$0x0] =	vst.idx.msk vm11, v2  }
0x1c9: {  	v1 =	vld [tilespmem:s12+$0x20];
	_ =	sdelay $0x5  }
0x1ca: {  	s13 =	sadd.s32 $0xFFFFFFF0, s11  }
0x1cb: {  	v2 =	vor.u32 s13, v0  }
0x1cc: {  	[tilespmem:v1+s2+$0x0] =	vst.idx.msk $0xffff, v2  }
0x1cd: {  	v3 =	vld.idx.msk [tilespmem:v1+s2+$0x0], $0xffff;
	_ =	sdelay $0x4  }
0x1ce: {  	vm12 =	vlt.s32 v3, v2;
	_ =	sdelay $0x5  }
0x1cf: {  	[tilespmem:v1+s2+$0x0] =	vst.idx.msk vm12, v2  }
0x1d0: {  	v3 =	vld.idx.msk [tilespmem:v1+s2+$0x0], $0xffff;
	_ =	sdelay $0x4  }
0x1d1: {  	vm13 =	vlt.s32 v3, v2;
	_ =	sdelay $0x5  }
0x1d2: {  	[tilespmem:v1+s2+$0x0] =	vst.idx.msk vm13, v2  }
0x1d3: {  	v1 =	vld [tilespmem:s12+$0x30];
	_ =	sdelay $0x6  }
0x1d4: {  	v2 =	vor.u32 s11, v0  }
0x1d5: {  	[tilespmem:v1+s2+$0x0] =	vst.idx.msk $0xffff, v2  }
0x1d6: {  	v3 =	vld.idx.msk [tilespmem:v1+s2+$0x0], $0xffff;
	_ =	sdelay $0x4  }
0x1d7: {  	vm14 =	vlt.s32 v3, v2;
	_ =	sdelay $0x5  }
0x1d8: {  	[tilespmem:v1+s2+$0x0] =	vst.idx.msk vm14, v2  }
0x1d9: {  	v3 =	vld.idx.msk [tilespmem:v1+s2+$0x0], $0xffff;
	_ =	sdelay $0x4  }
0x1da: {  	s4 =	sadd.s32 $0x4, s4;
	vm15 =	vlt.s32 v3, v2  }
0x1db: {  	p0 =	slt.u32 s4, $0x7C  }
.Ltmp4:
0x1dc: {  	_ = 	snop;
	(pc) =	sbr.rel @p0 .LBB2_10-.Ltmp4, $2  }
0x1dd: {  	_ =	sdelay $0x2  }
0x1de: {  	s3 =	sadd.s32 $0x80, s3;
	s11 =	sadd.s32 $0x40, s11;
	[tilespmem:v1+s2+$0x0] =	vst.idx.msk vm15, v2  }
0x1df: {  	s3 =	simm.s32 $0x0  }
0x1e0: {  	[tilespmem:s14], [sflag:$0x1] =	stream.linear.gather [hbm4b:s9+s3], $0x80, $0x38;
	[tilespmem:$0x19B00] =	vst v63  }
0x1e1: {  	s4 =	sadd.s32 $0x10, s9;
	s11 =	simm.s32 $0x18800  }
0x1e2: {  	[tilespmem:s11], [sflag:$0x1] =	stream.linear.gather [hbm4b:s4+s3], $0x80, $0x38;
	[tilespmem:$0x19B00] =	vst v63  }
0x1e3: {  	s12 =	sadd.s32 $0x20, s9;
	s13 =	simm.s32 $0x18900  }
0x1e4: {  	[tilespmem:s13], [sflag:$0x1] =	stream.linear.gather [hbm4b:s12+s3], $0x80, $0x38;
	[tilespmem:$0x19B00] =	vst v63  }
0x1e5: {  	s12 =	sadd.s32 $0x30, s9;
	s13 =	simm.s32 $0x18A00  }
0x1e6: {  	[tilespmem:s13], [sflag:$0x1] =	stream.linear.gather [hbm4b:s12+s3], $0x80, $0x38;
	[tilespmem:$0x19B00] =	vst v63  }
0x1e7: {  	s12 =	sadd.s32 $0x40, s9;
	s13 =	simm.s32 $0x18B00  }
0x1e8: {  	[tilespmem:s13], [sflag:$0x1] =	stream.linear.gather [hbm4b:s12+s3], $0x80, $0x38;
	[tilespmem:$0x19B00] =	vst v63  }
0x1e9: {  	s12 =	sadd.s32 $0x50, s9;
	s13 =	simm.s32 $0x18C00  }
0x1ea: {  	[tilespmem:s13], [sflag:$0x1] =	stream.linear.gather [hbm4b:s12+s3], $0x80, $0x38;
	[tilespmem:$0x19B00] =	vst v63  }
0x1eb: {  	s12 =	sadd.s32 $0x60, s9;
	s13 =	simm.s32 $0x18D00  }
0x1ec: {  	[tilespmem:s13], [sflag:$0x1] =	stream.linear.gather [hbm4b:s12+s3], $0x80, $0x38;
	[tilespmem:$0x19B00] =	vst v63  }
0x1ed: {  	s12 =	sadd.s32 $0x70, s9;
	s13 =	simm.s32 $0x18E00  }
0x1ee: {  	[tilespmem:s13], [sflag:$0x1] =	stream.linear.gather [hbm4b:s12+s3], $0x80, $0x38;
	[tilespmem:$0x19B00] =	vst v63  }
0x1ef: {  	s12 =	sadd.s32 $0x80, s9;
	s13 =	simm.s32 $0x18F00  }
0x1f0: {  	[tilespmem:s13], [sflag:$0x1] =	stream.linear.gather [hbm4b:s12+s3], $0x80, $0x38;
	[tilespmem:$0x19B00] =	vst v63  }
0x1f1: {  	s12 =	sadd.s32 $0x90, s9;
	s13 =	simm.s32 $0x19000  }
0x1f2: {  	[tilespmem:s13], [sflag:$0x1] =	stream.linear.gather [hbm4b:s12+s3], $0x80, $0x38;
	[tilespmem:$0x19B00] =	vst v63  }
0x1f3: {  	s12 =	sadd.s32 $0xA0, s9;
	s13 =	simm.s32 $0x19100  }
0x1f4: {  	[tilespmem:s13], [sflag:$0x1] =	stream.linear.gather [hbm4b:s12+s3], $0x80, $0x38;
	[tilespmem:$0x19B00] =	vst v63  }
0x1f5: {  	s12 =	sadd.s32 $0xB0, s9;
	s13 =	simm.s32 $0x19200  }
0x1f6: {  	[tilespmem:s13], [sflag:$0x1] =	stream.linear.gather [hbm4b:s12+s3], $0x80, $0x38;
	[tilespmem:$0x19B00] =	vst v63  }
0x1f7: {  	s12 =	sadd.s32 $0xC0, s9;
	s13 =	simm.s32 $0x19300  }
0x1f8: {  	[tilespmem:s13], [sflag:$0x1] =	stream.linear.gather [hbm4b:s12+s3], $0x80, $0x38;
	[tilespmem:$0x19B00] =	vst v63  }
0x1f9: {  	s12 =	sadd.s32 $0xD0, s9;
	s13 =	simm.s32 $0x19400  }
0x1fa: {  	[tilespmem:s13], [sflag:$0x1] =	stream.linear.gather [hbm4b:s12+s3], $0x80, $0x38;
	[tilespmem:$0x19B00] =	vst v63  }
0x1fb: {  	s12 =	sadd.s32 $0xE0, s9;
	s13 =	simm.s32 $0x19500  }
0x1fc: {  	[tilespmem:s13], [sflag:$0x1] =	stream.linear.gather [hbm4b:s12+s3], $0x80, $0x38;
	[tilespmem:$0x19B00] =	vst v63  }
0x1fd: {  	s12 =	sadd.s32 $0xF0, s9;
	s13 =	simm.s32 $0x19600  }
0x1fe: {  	[tilespmem:s13], [sflag:$0x1] =	stream.linear.gather [hbm4b:s12+s3], $0x80, $0x38;
	[tilespmem:$0x19B00] =	vst v63  }
0x1ff: {  	_ =	swait.ge [sflag:s31], $0x800  }
0x200: {  	p0 =	por $0x0, $0x0;
	[sflag:s31] =	ssyncset.done $0x0  }
0x201: {  	s4 =	simm.s32 $0xFFFFFFFC;
	s11 =	simm.s32 $0x2830;
	[sflag:s31] =	ssyncadd.s32 $0xFFFFF800  }
.LBB2_12:
0x202: {  	s12 =	simm.s32 $0x1  }
0x203: {  	s12 =	simm.s32 @!p0 $0x0  }
0x204: {  	s12 =	sshll.u32 s12, $0x6  }
0x205: {  	s12 =	sadd.s32 s12, s3  }
0x206: {  	s13 =	sor.u32 $0x80, s12  }
0x207: {  	v1 =	vld [tilespmem:s13+$0x18700];
	_ =	sdelay $0x5  }
0x208: {  	s13 =	sadd.s32 $0xFFFFFFD0, s11  }
0x209: {  	v2 =	vor.u32 s13, v0  }
0x20a: {  	[tilespmem:v1+s2+$0x0] =	vst.idx.msk $0xffff, v2  }
0x20b: {  	v3 =	vld.idx.msk [tilespmem:v1+s2+$0x0], $0xffff;
	_ =	sdelay $0x4  }
0x20c: {  	vm0 =	vlt.s32 v3, v2;
	_ =	sdelay $0x5  }
0x20d: {  	[tilespmem:v1+s2+$0x0] =	vst.idx.msk vm0, v2  }
0x20e: {  	v3 =	vld.idx.msk [tilespmem:v1+s2+$0x0], $0xffff;
	_ =	sdelay $0x4  }
0x20f: {  	vm9 =	vlt.s32 v3, v2;
	_ =	sdelay $0x5  }
0x210: {  	s13 =	sor.u32 $0x90, s12;
	[tilespmem:v1+s2+$0x0] =	vst.idx.msk vm9, v2  }
0x211: {  	v1 =	vld [tilespmem:s13+$0x18700];
	_ =	sdelay $0x5  }
0x212: {  	s13 =	sadd.s32 $0xFFFFFFE0, s11  }
0x213: {  	v2 =	vor.u32 s13, v0  }
0x214: {  	[tilespmem:v1+s2+$0x0] =	vst.idx.msk $0xffff, v2  }
0x215: {  	v3 =	vld.idx.msk [tilespmem:v1+s2+$0x0], $0xffff;
	_ =	sdelay $0x4  }
0x216: {  	vm10 =	vlt.s32 v3, v2;
	_ =	sdelay $0x5  }
0x217: {  	[tilespmem:v1+s2+$0x0] =	vst.idx.msk vm10, v2  }
0x218: {  	v3 =	vld.idx.msk [tilespmem:v1+s2+$0x0], $0xffff;
	_ =	sdelay $0x4  }
0x219: {  	vm11 =	vlt.s32 v3, v2;
	_ =	sdelay $0x5  }
0x21a: {  	s13 =	sor.u32 $0xA0, s12;
	[tilespmem:v1+s2+$0x0] =	vst.idx.msk vm11, v2  }
0x21b: {  	v1 =	vld [tilespmem:s13+$0x18700];
	_ =	sdelay $0x5  }
0x21c: {  	s13 =	sadd.s32 $0xFFFFFFF0, s11  }
0x21d: {  	v2 =	vor.u32 s13, v0  }
0x21e: {  	[tilespmem:v1+s2+$0x0] =	vst.idx.msk $0xffff, v2  }
0x21f: {  	v3 =	vld.idx.msk [tilespmem:v1+s2+$0x0], $0xffff;
	_ =	sdelay $0x4  }
0x220: {  	vm12 =	vlt.s32 v3, v2;
	_ =	sdelay $0x5  }
0x221: {  	[tilespmem:v1+s2+$0x0] =	vst.idx.msk vm12, v2  }
0x222: {  	v3 =	vld.idx.msk [tilespmem:v1+s2+$0x0], $0xffff;
	_ =	sdelay $0x4  }
0x223: {  	vm13 =	vlt.s32 v3, v2;
	_ =	sdelay $0x5  }
0x224: {  	s12 =	sor.u32 $0xB0, s12;
	[tilespmem:v1+s2+$0x0] =	vst.idx.msk vm13, v2  }
0x225: {  	v1 =	vld [tilespmem:s12+$0x18700];
	_ =	sdelay $0x6  }
0x226: {  	v2 =	vor.u32 s11, v0  }
0x227: {  	[tilespmem:v1+s2+$0x0] =	vst.idx.msk $0xffff, v2  }
0x228: {  	v3 =	vld.idx.msk [tilespmem:v1+s2+$0x0], $0xffff;
	_ =	sdelay $0x4  }
0x229: {  	vm14 =	vlt.s32 v3, v2;
	_ =	sdelay $0x5  }
0x22a: {  	[tilespmem:v1+s2+$0x0] =	vst.idx.msk vm14, v2  }
0x22b: {  	v3 =	vld.idx.msk [tilespmem:v1+s2+$0x0], $0xffff;
	_ =	sdelay $0x4  }
0x22c: {  	s4 =	sadd.s32 $0x4, s4;
	vm15 =	vlt.s32 v3, v2  }
0x22d: {  	p1 =	slt.u32 s4, $0x7C  }
.Ltmp5:
0x22e: {  	_ = 	snop;
	(pc) =	sbr.rel @p1 .LBB2_12-.Ltmp5, $2  }
0x22f: {  	_ =	sdelay $0x2  }
0x230: {  	p0 =	por !p0, !p0;
	s3 =	sadd.s32 $0x80, s3;
	s11 =	sadd.s32 $0x40, s11;
	[tilespmem:v1+s2+$0x0] =	vst.idx.msk vm15, v2  }
0x231: {  	s3 =	simm.s32 $0x0;
	s4 =	simm.s32 $0x18780  }
0x232: {  	[tilespmem:s4], [sflag:$0x2] =	stream.linear.gather [hbm4b:s10+s3], $0x80, $0x38;
	[tilespmem:$0x19B00] =	vst v63  }
0x233: {  	s11 =	sadd.s32 $0x10, s10  }
0x234: {  	[tilespmem:s15], [sflag:$0x2] =	stream.linear.gather [hbm4b:s11+s3], $0x80, $0x38;
	[tilespmem:$0x19B00] =	vst v63  }
0x235: {  	s12 =	sadd.s32 $0x20, s10  }
0x236: {  	[tilespmem:s16], [sflag:$0x2] =	stream.linear.gather [hbm4b:s12+s3], $0x80, $0x38;
	[tilespmem:$0x19B00] =	vst v63  }
0x237: {  	s13 =	sadd.s32 $0x30, s10  }
0x238: {  	[tilespmem:s17], [sflag:$0x2] =	stream.linear.gather [hbm4b:s13+s3], $0x80, $0x38;
	[tilespmem:$0x19B00] =	vst v63  }
0x239: {  	s11 =	sadd.s32 $0x40, s10  }
0x23a: {  	[tilespmem:s18], [sflag:$0x2] =	stream.linear.gather [hbm4b:s11+s3], $0x80, $0x38;
	[tilespmem:$0x19B00] =	vst v63  }
0x23b: {  	s12 =	sadd.s32 $0x50, s10  }
0x23c: {  	[tilespmem:s19], [sflag:$0x2] =	stream.linear.gather [hbm4b:s12+s3], $0x80, $0x38;
	[tilespmem:$0x19B00] =	vst v63  }
0x23d: {  	s13 =	sadd.s32 $0x60, s10  }
0x23e: {  	[tilespmem:s20], [sflag:$0x2] =	stream.linear.gather [hbm4b:s13+s3], $0x80, $0x38;
	[tilespmem:$0x19B00] =	vst v63  }
0x23f: {  	s11 =	sadd.s32 $0x70, s10  }
0x240: {  	[tilespmem:s1], [sflag:$0x2] =	stream.linear.gather [hbm4b:s11+s3], $0x80, $0x38;
	[tilespmem:$0x19B00] =	vst v63  }
0x241: {  	s12 =	sadd.s32 $0x80, s10  }
0x242: {  	[tilespmem:s21], [sflag:$0x2] =	stream.linear.gather [hbm4b:s12+s3], $0x80, $0x38;
	[tilespmem:$0x19B00] =	vst v63  }
0x243: {  	s13 =	sadd.s32 $0x90, s10  }
0x244: {  	[tilespmem:s22], [sflag:$0x2] =	stream.linear.gather [hbm4b:s13+s3], $0x80, $0x38;
	[tilespmem:$0x19B00] =	vst v63  }
0x245: {  	s11 =	sadd.s32 $0xA0, s10  }
0x246: {  	[tilespmem:s23], [sflag:$0x2] =	stream.linear.gather [hbm4b:s11+s3], $0x80, $0x38;
	[tilespmem:$0x19B00] =	vst v63  }
0x247: {  	s12 =	sadd.s32 $0xB0, s10  }
0x248: {  	[tilespmem:s24], [sflag:$0x2] =	stream.linear.gather [hbm4b:s12+s3], $0x80, $0x38;
	[tilespmem:$0x19B00] =	vst v63  }
0x249: {  	s13 =	sadd.s32 $0xC0, s10  }
0x24a: {  	[tilespmem:s25], [sflag:$0x2] =	stream.linear.gather [hbm4b:s13+s3], $0x80, $0x38;
	[tilespmem:$0x19B00] =	vst v63  }
0x24b: {  	s11 =	sadd.s32 $0xD0, s10  }
0x24c: {  	[tilespmem:s26], [sflag:$0x2] =	stream.linear.gather [hbm4b:s11+s3], $0x80, $0x38;
	[tilespmem:$0x19B00] =	vst v63  }
0x24d: {  	s12 =	sadd.s32 $0xE0, s10  }
0x24e: {  	[tilespmem:s28], [sflag:$0x2] =	stream.linear.gather [hbm4b:s12+s3], $0x80, $0x38;
	[tilespmem:$0x19B00] =	vst v63  }
0x24f: {  	s13 =	sadd.s32 $0xF0, s10  }
0x250: {  	[tilespmem:s29], [sflag:$0x2] =	stream.linear.gather [hbm4b:s13+s3], $0x80, $0x38;
	[tilespmem:$0x19B00] =	vst v63  }
0x251: {  	_ =	swait.ge [sflag:s30], $0x800  }
0x252: {  	[sflag:s30] =	ssyncset.done $0x0  }
0x253: {  	s4 =	simm.s32 $0xFFFFFFFC;
	s11 =	simm.s32 $0x3030;
	[sflag:s30] =	ssyncadd.s32 $0xFFFFF800  }
.LBB2_14:
0x254: {  	s12 =	sadd.s32 $0xFFFFCFD0, s11  }
0x255: {  	s13 =	sand.u32 $0xF00, s3;
	s12 =	sand.u32 $0x40, s12  }
0x256: {  	s12 =	sor.u32 s12, s13  }
0x257: {  	v1 =	vld [tilespmem:s12+$0x18700];
	_ =	sdelay $0x5  }
0x258: {  	s13 =	sadd.s32 $0xFFFFFFD0, s11  }
0x259: {  	v2 =	vor.u32 s13, v0  }
0x25a: {  	[tilespmem:v1+s2+$0x0] =	vst.idx.msk $0xffff, v2  }
0x25b: {  	v3 =	vld.idx.msk [tilespmem:v1+s2+$0x0], $0xffff;
	_ =	sdelay $0x4  }
0x25c: {  	vm0 =	vlt.s32 v3, v2;
	_ =	sdelay $0x5  }
0x25d: {  	[tilespmem:v1+s2+$0x0] =	vst.idx.msk vm0, v2  }
0x25e: {  	v3 =	vld.idx.msk [tilespmem:v1+s2+$0x0], $0xffff;
	_ =	sdelay $0x4  }
0x25f: {  	vm9 =	vlt.s32 v3, v2;
	_ =	sdelay $0x5  }
0x260: {  	s12 =	sadd.s32 $0x18700, s12;
	[tilespmem:v1+s2+$0x0] =	vst.idx.msk vm9, v2  }
0x261: {  	v1 =	vld [tilespmem:s12+$0x10];
	_ =	sdelay $0x5  }
0x262: {  	s13 =	sadd.s32 $0xFFFFFFE0, s11  }
0x263: {  	v2 =	vor.u32 s13, v0  }
0x264: {  	[tilespmem:v1+s2+$0x0] =	vst.idx.msk $0xffff, v2  }
0x265: {  	v3 =	vld.idx.msk [tilespmem:v1+s2+$0x0], $0xffff;
	_ =	sdelay $0x4  }
0x266: {  	vm10 =	vlt.s32 v3, v2;
	_ =	sdelay $0x5  }
0x267: {  	[tilespmem:v1+s2+$0x0] =	vst.idx.msk vm10, v2  }
0x268: {  	v3 =	vld.idx.msk [tilespmem:v1+s2+$0x0], $0xffff;
	_ =	sdelay $0x4  }
0x269: {  	vm11 =	vlt.s32 v3, v2;
	_ =	sdelay $0x5  }
0x26a: {  	[tilespmem:v1+s2+$0x0] =	vst.idx.msk vm11, v2  }
0x26b: {  	v1 =	vld [tilespmem:s12+$0x20];
	_ =	sdelay $0x5  }
0x26c: {  	s13 =	sadd.s32 $0xFFFFFFF0, s11  }
0x26d: {  	v2 =	vor.u32 s13, v0  }
0x26e: {  	[tilespmem:v1+s2+$0x0] =	vst.idx.msk $0xffff, v2  }
0x26f: {  	v3 =	vld.idx.msk [tilespmem:v1+s2+$0x0], $0xffff;
	_ =	sdelay $0x4  }
0x270: {  	vm12 =	vlt.s32 v3, v2;
	_ =	sdelay $0x5  }
0x271: {  	[tilespmem:v1+s2+$0x0] =	vst.idx.msk vm12, v2  }
0x272: {  	v3 =	vld.idx.msk [tilespmem:v1+s2+$0x0], $0xffff;
	_ =	sdelay $0x4  }
0x273: {  	vm13 =	vlt.s32 v3, v2;
	_ =	sdelay $0x5  }
0x274: {  	[tilespmem:v1+s2+$0x0] =	vst.idx.msk vm13, v2  }
0x275: {  	v1 =	vld [tilespmem:s12+$0x30];
	_ =	sdelay $0x6  }
0x276: {  	v2 =	vor.u32 s11, v0  }
0x277: {  	[tilespmem:v1+s2+$0x0] =	vst.idx.msk $0xffff, v2  }
0x278: {  	v3 =	vld.idx.msk [tilespmem:v1+s2+$0x0], $0xffff;
	_ =	sdelay $0x4  }
0x279: {  	vm14 =	vlt.s32 v3, v2;
	_ =	sdelay $0x5  }
0x27a: {  	[tilespmem:v1+s2+$0x0] =	vst.idx.msk vm14, v2  }
0x27b: {  	v3 =	vld.idx.msk [tilespmem:v1+s2+$0x0], $0xffff;
	_ =	sdelay $0x4  }
0x27c: {  	s4 =	sadd.s32 $0x4, s4;
	vm15 =	vlt.s32 v3, v2  }
0x27d: {  	p0 =	slt.u32 s4, $0x7C  }
.Ltmp6:
0x27e: {  	_ = 	snop;
	(pc) =	sbr.rel @p0 .LBB2_14-.Ltmp6, $2  }
0x27f: {  	_ =	sdelay $0x2  }
0x280: {  	s3 =	sadd.s32 $0x80, s3;
	s11 =	sadd.s32 $0x40, s11;
	[tilespmem:v1+s2+$0x0] =	vst.idx.msk vm15, v2  }
0x281: {  	_ =	swait.ge [sflag:s31], $0x800  }
0x282: {  	s3 =	simm.s32 $0xFFFFFFFC;
	s4 =	simm.s32 $0x0;
	[sflag:s31] =	ssyncset.done $0x0  }
0x283: {  	p0 =	por $0x0, $0x0;
	s11 =	simm.s32 $0x3830;
	[sflag:s31] =	ssyncadd.s32 $0xFFFFF800  }
.LBB2_16:
0x284: {  	s12 =	simm.s32 $0x1  }
0x285: {  	s12 =	simm.s32 @!p0 $0x0  }
0x286: {  	s12 =	sshll.u32 s12, $0x6  }
0x287: {  	s12 =	sadd.s32 s12, s4  }
0x288: {  	s13 =	sor.u32 $0x80, s12  }
0x289: {  	v1 =	vld [tilespmem:s13+$0x18700];
	_ =	sdelay $0x5  }
0x28a: {  	s13 =	sadd.s32 $0xFFFFFFD0, s11  }
0x28b: {  	v2 =	vor.u32 s13, v0  }
0x28c: {  	[tilespmem:v1+s2+$0x0] =	vst.idx.msk $0xffff, v2  }
0x28d: {  	v3 =	vld.idx.msk [tilespmem:v1+s2+$0x0], $0xffff;
	_ =	sdelay $0x4  }
0x28e: {  	vm0 =	vlt.s32 v3, v2;
	_ =	sdelay $0x5  }
0x28f: {  	[tilespmem:v1+s2+$0x0] =	vst.idx.msk vm0, v2  }
0x290: {  	v3 =	vld.idx.msk [tilespmem:v1+s2+$0x0], $0xffff;
	_ =	sdelay $0x4  }
0x291: {  	vm9 =	vlt.s32 v3, v2;
	_ =	sdelay $0x5  }
0x292: {  	s13 =	sor.u32 $0x90, s12;
	[tilespmem:v1+s2+$0x0] =	vst.idx.msk vm9, v2  }
0x293: {  	v1 =	vld [tilespmem:s13+$0x18700];
	_ =	sdelay $0x5  }
0x294: {  	s13 =	sadd.s32 $0xFFFFFFE0, s11  }
0x295: {  	v2 =	vor.u32 s13, v0  }
0x296: {  	[tilespmem:v1+s2+$0x0] =	vst.idx.msk $0xffff, v2  }
0x297: {  	v3 =	vld.idx.msk [tilespmem:v1+s2+$0x0], $0xffff;
	_ =	sdelay $0x4  }
0x298: {  	vm10 =	vlt.s32 v3, v2;
	_ =	sdelay $0x5  }
0x299: {  	[tilespmem:v1+s2+$0x0] =	vst.idx.msk vm10, v2  }
0x29a: {  	v3 =	vld.idx.msk [tilespmem:v1+s2+$0x0], $0xffff;
	_ =	sdelay $0x4  }
0x29b: {  	vm11 =	vlt.s32 v3, v2;
	_ =	sdelay $0x5  }
0x29c: {  	s13 =	sor.u32 $0xA0, s12;
	[tilespmem:v1+s2+$0x0] =	vst.idx.msk vm11, v2  }
0x29d: {  	v1 =	vld [tilespmem:s13+$0x18700];
	_ =	sdelay $0x5  }
0x29e: {  	s13 =	sadd.s32 $0xFFFFFFF0, s11  }
0x29f: {  	v2 =	vor.u32 s13, v0  }
0x2a0: {  	[tilespmem:v1+s2+$0x0] =	vst.idx.msk $0xffff, v2  }
0x2a1: {  	v3 =	vld.idx.msk [tilespmem:v1+s2+$0x0], $0xffff;
	_ =	sdelay $0x4  }
0x2a2: {  	vm12 =	vlt.s32 v3, v2;
	_ =	sdelay $0x5  }
0x2a3: {  	[tilespmem:v1+s2+$0x0] =	vst.idx.msk vm12, v2  }
0x2a4: {  	v3 =	vld.idx.msk [tilespmem:v1+s2+$0x0], $0xffff;
	_ =	sdelay $0x4  }
0x2a5: {  	vm13 =	vlt.s32 v3, v2;
	_ =	sdelay $0x5  }
0x2a6: {  	s12 =	sor.u32 $0xB0, s12;
	[tilespmem:v1+s2+$0x0] =	vst.idx.msk vm13, v2  }
0x2a7: {  	v1 =	vld [tilespmem:s12+$0x18700];
	_ =	sdelay $0x6  }
0x2a8: {  	v2 =	vor.u32 s11, v0  }
0x2a9: {  	[tilespmem:v1+s2+$0x0] =	vst.idx.msk $0xffff, v2  }
0x2aa: {  	v3 =	vld.idx.msk [tilespmem:v1+s2+$0x0], $0xffff;
	_ =	sdelay $0x4  }
0x2ab: {  	vm14 =	vlt.s32 v3, v2;
	_ =	sdelay $0x5  }
0x2ac: {  	[tilespmem:v1+s2+$0x0] =	vst.idx.msk vm14, v2  }
0x2ad: {  	v3 =	vld.idx.msk [tilespmem:v1+s2+$0x0], $0xffff;
	_ =	sdelay $0x4  }
0x2ae: {  	s3 =	sadd.s32 $0x4, s3;
	vm15 =	vlt.s32 v3, v2  }
0x2af: {  	p1 =	slt.u32 s3, $0x7C  }
.Ltmp7:
0x2b0: {  	_ = 	snop;
	(pc) =	sbr.rel @p1 .LBB2_16-.Ltmp7, $2  }
0x2b1: {  	_ =	sdelay $0x2  }
0x2b2: {  	p0 =	por !p0, !p0;
	s4 =	sadd.s32 $0x80, s4;
	s11 =	sadd.s32 $0x40, s11;
	[tilespmem:v1+s2+$0x0] =	vst.idx.msk vm15, v2  }
0x2b3: {  	s3 =	rddreg [dreg:$0x4];
	s4 =	simm.s32 $0x19700;
	s13 =	simm.s32 $0x3  }
0x2b4: {  	[tilespmem:s4], [sflag:$0x3] =	stream.linear.gather [hbm4b:s3+s2], $0x200, $0x38;
	[tilespmem:$0x19B00] =	vst v63  }
0x2b5: {  	_ =	swait.ge [sflag:s13], $0x200  }
0x2b6: {  	[sflag:s13] =	ssyncset.done $0x0  }
0x2b7: {  	[sflag:s13] =	ssyncadd.s32 $0xFFFFFE00  }
0x2b8: {  	v1 =	vld [tilespmem:$0x19700];
	_ =	sdelay $0x5  }
0x2b9: {  	v2 =	vld [tilespmem:$0x19710];
	_ =	sdelay $0x1  }
0x2ba: {  	v1 =	vld.idx.msk [tilespmem:v1+s2+$0x0], $0xffff;
	_ =	sdelay $0x3  }
0x2bb: {  	v3 =	vld [tilespmem:$0x19720]  }
0x2bc: {  	[tilespmem:$0x19900] =	vst v1  }
0x2bd: {  	v1 =	vld.idx.msk [tilespmem:v2+s2+$0x0], $0xffff;
	_ =	sdelay $0x3  }
0x2be: {  	v2 =	vld [tilespmem:$0x19730]  }
0x2bf: {  	[tilespmem:$0x19910] =	vst v1  }
0x2c0: {  	v1 =	vld.idx.msk [tilespmem:v3+s2+$0x0], $0xffff;
	_ =	sdelay $0x3  }
0x2c1: {  	v3 =	vld [tilespmem:$0x19740]  }
0x2c2: {  	[tilespmem:$0x19920] =	vst v1  }
0x2c3: {  	v1 =	vld.idx.msk [tilespmem:v2+s2+$0x0], $0xffff;
	_ =	sdelay $0x3  }
0x2c4: {  	v2 =	vld [tilespmem:$0x19750]  }
0x2c5: {  	[tilespmem:$0x19930] =	vst v1  }
0x2c6: {  	v1 =	vld.idx.msk [tilespmem:v3+s2+$0x0], $0xffff;
	_ =	sdelay $0x3  }
0x2c7: {  	v3 =	vld [tilespmem:$0x19760]  }
0x2c8: {  	[tilespmem:$0x19940] =	vst v1  }
0x2c9: {  	v1 =	vld.idx.msk [tilespmem:v2+s2+$0x0], $0xffff;
	_ =	sdelay $0x3  }
0x2ca: {  	v2 =	vld [tilespmem:$0x19770]  }
0x2cb: {  	[tilespmem:$0x19950] =	vst v1  }
0x2cc: {  	v1 =	vld.idx.msk [tilespmem:v3+s2+$0x0], $0xffff;
	_ =	sdelay $0x3  }
0x2cd: {  	v3 =	vld [tilespmem:$0x19780]  }
0x2ce: {  	[tilespmem:$0x19960] =	vst v1  }
0x2cf: {  	v1 =	vld.idx.msk [tilespmem:v2+s2+$0x0], $0xffff;
	_ =	sdelay $0x3  }
0x2d0: {  	v2 =	vld [tilespmem:$0x19790]  }
0x2d1: {  	[tilespmem:$0x19970] =	vst v1  }
0x2d2: {  	v1 =	vld.idx.msk [tilespmem:v3+s2+$0x0], $0xffff;
	_ =	sdelay $0x3  }
0x2d3: {  	v3 =	vld [tilespmem:$0x197A0]  }
0x2d4: {  	[tilespmem:$0x19980] =	vst v1  }
0x2d5: {  	v1 =	vld.idx.msk [tilespmem:v2+s2+$0x0], $0xffff;
	_ =	sdelay $0x3  }
0x2d6: {  	v2 =	vld [tilespmem:$0x197B0]  }
0x2d7: {  	[tilespmem:$0x19990] =	vst v1  }
0x2d8: {  	v1 =	vld.idx.msk [tilespmem:v3+s2+$0x0], $0xffff;
	_ =	sdelay $0x3  }
0x2d9: {  	v3 =	vld [tilespmem:$0x197C0]  }
0x2da: {  	[tilespmem:$0x199A0] =	vst v1  }
0x2db: {  	v1 =	vld.idx.msk [tilespmem:v2+s2+$0x0], $0xffff;
	_ =	sdelay $0x3  }
0x2dc: {  	v2 =	vld [tilespmem:$0x197D0]  }
0x2dd: {  	[tilespmem:$0x199B0] =	vst v1  }
0x2de: {  	v1 =	vld.idx.msk [tilespmem:v3+s2+$0x0], $0xffff;
	_ =	sdelay $0x3  }
0x2df: {  	v3 =	vld [tilespmem:$0x197E0]  }
0x2e0: {  	[tilespmem:$0x199C0] =	vst v1  }
0x2e1: {  	v1 =	vld.idx.msk [tilespmem:v2+s2+$0x0], $0xffff;
	_ =	sdelay $0x3  }
0x2e2: {  	v2 =	vld [tilespmem:$0x197F0]  }
0x2e3: {  	[tilespmem:$0x199D0] =	vst v1  }
0x2e4: {  	v1 =	vld.idx.msk [tilespmem:v3+s2+$0x0], $0xffff;
	_ =	sdelay $0x3  }
0x2e5: {  	v3 =	vld [tilespmem:$0x19800]  }
0x2e6: {  	[tilespmem:$0x199E0] =	vst v1  }
0x2e7: {  	v1 =	vld.idx.msk [tilespmem:v2+s2+$0x0], $0xffff;
	_ =	sdelay $0x3  }
0x2e8: {  	v2 =	vld [tilespmem:$0x19810]  }
0x2e9: {  	[tilespmem:$0x199F0] =	vst v1  }
0x2ea: {  	v1 =	vld.idx.msk [tilespmem:v3+s2+$0x0], $0xffff;
	_ =	sdelay $0x3  }
0x2eb: {  	v3 =	vld [tilespmem:$0x19820]  }
0x2ec: {  	[tilespmem:$0x19A00] =	vst v1  }
0x2ed: {  	v1 =	vld.idx.msk [tilespmem:v2+s2+$0x0], $0xffff;
	_ =	sdelay $0x3  }
0x2ee: {  	v2 =	vld [tilespmem:$0x19830]  }
0x2ef: {  	[tilespmem:$0x19A10] =	vst v1  }
0x2f0: {  	v1 =	vld.idx.msk [tilespmem:v3+s2+$0x0], $0xffff;
	_ =	sdelay $0x3  }
0x2f1: {  	v3 =	vld [tilespmem:$0x19840]  }
0x2f2: {  	[tilespmem:$0x19A20] =	vst v1  }
0x2f3: {  	v1 =	vld.idx.msk [tilespmem:v2+s2+$0x0], $0xffff;
	_ =	sdelay $0x3  }
0x2f4: {  	v2 =	vld [tilespmem:$0x19850]  }
0x2f5: {  	[tilespmem:$0x19A30] =	vst v1  }
0x2f6: {  	v1 =	vld.idx.msk [tilespmem:v3+s2+$0x0], $0xffff;
	_ =	sdelay $0x3  }
0x2f7: {  	v3 =	vld [tilespmem:$0x19860]  }
0x2f8: {  	[tilespmem:$0x19A40] =	vst v1  }
0x2f9: {  	v1 =	vld.idx.msk [tilespmem:v2+s2+$0x0], $0xffff;
	_ =	sdelay $0x3  }
0x2fa: {  	v2 =	vld [tilespmem:$0x19870]  }
0x2fb: {  	[tilespmem:$0x19A50] =	vst v1  }
0x2fc: {  	v1 =	vld.idx.msk [tilespmem:v3+s2+$0x0], $0xffff;
	_ =	sdelay $0x3  }
0x2fd: {  	v3 =	vld [tilespmem:$0x19880]  }
0x2fe: {  	[tilespmem:$0x19A60] =	vst v1  }
0x2ff: {  	v1 =	vld.idx.msk [tilespmem:v2+s2+$0x0], $0xffff;
	_ =	sdelay $0x3  }
0x300: {  	v2 =	vld [tilespmem:$0x19890]  }
0x301: {  	[tilespmem:$0x19A70] =	vst v1  }
0x302: {  	v1 =	vld.idx.msk [tilespmem:v3+s2+$0x0], $0xffff;
	_ =	sdelay $0x3  }
0x303: {  	v3 =	vld [tilespmem:$0x198A0]  }
0x304: {  	[tilespmem:$0x19A80] =	vst v1  }
0x305: {  	v1 =	vld.idx.msk [tilespmem:v2+s2+$0x0], $0xffff;
	_ =	sdelay $0x3  }
0x306: {  	v2 =	vld [tilespmem:$0x198B0]  }
0x307: {  	[tilespmem:$0x19A90] =	vst v1  }
0x308: {  	v1 =	vld.idx.msk [tilespmem:v3+s2+$0x0], $0xffff;
	_ =	sdelay $0x3  }
0x309: {  	v3 =	vld [tilespmem:$0x198C0]  }
0x30a: {  	[tilespmem:$0x19AA0] =	vst v1  }
0x30b: {  	v1 =	vld.idx.msk [tilespmem:v2+s2+$0x0], $0xffff;
	_ =	sdelay $0x3  }
0x30c: {  	v2 =	vld [tilespmem:$0x198D0]  }
0x30d: {  	[tilespmem:$0x19AB0] =	vst v1  }
0x30e: {  	v1 =	vld.idx.msk [tilespmem:v3+s2+$0x0], $0xffff;
	_ =	sdelay $0x3  }
0x30f: {  	v3 =	vld [tilespmem:$0x198E0]  }
0x310: {  	[tilespmem:$0x19AC0] =	vst v1  }
0x311: {  	v1 =	vld.idx.msk [tilespmem:v2+s2+$0x0], $0xffff;
	_ =	sdelay $0x3  }
0x312: {  	v2 =	vld [tilespmem:$0x198F0]  }
0x313: {  	[tilespmem:$0x19AD0] =	vst v1  }
0x314: {  	v1 =	vld.idx.msk [tilespmem:v3+s2+$0x0], $0xffff;
	_ =	sdelay $0x4  }
0x315: {  	[tilespmem:$0x19AE0] =	vst v1  }
0x316: {  	v1 =	vld.idx.msk [tilespmem:v2+s2+$0x0], $0xffff;
	_ =	sdelay $0x4  }
0x317: {  	s11 =	simm.s32 $0x19900;
	s12 =	simm.s32 $0x4;
	s4 =	rddreg [dreg:$0x5];
	[tilespmem:$0x19AF0] =	vst v1  }
0x318: {  	[hbm4b:s4+s2] =	stream.linear.scatter [tilespmem:s11], [sflag:$0x4], $0x200, $0x38;
	[tilespmem:$0x19B00] =	vst v63  }
0x319: {  	_ =	swait.ge [sflag:s12], $0x200  }
0x31a: {  	s0 =	sadd.s32 $0x1, s0;
	s13 =	rddreg [dreg:$0x6]  }
0x31b: {  	p0 =	sne.s32 s0, s13  }
.Ltmp8:
0x31c: {  	_ = 	snop;
	(pc) =	sbr.rel @p0 .LBB2_1-.Ltmp8, $3  }
0x31d: {  	_ =	sdelay $0x1  }
0x31e: {  	[sflag:s12] =	ssyncset.done $0x0  }
0x31f: {  	[sflag:s12] =	ssyncadd.s32 $0xFFFFFE00  }
0x320: {  	_ =	sfence.sel $0x180000  }
0x321: {  	[bflag:$0x0] =	sbarrier.arrive $0xFFFF  }
0x322: {  	_ =	strace $0x90000047  }
0x323: {  	s0 =	stileid.u32;
	[bflag:$0x2] =	sbarrier.arrive $0xFFFF  }
0x324: {  	p0 =	sne.s32 s0, $0x0;
	s0 =	rddreg [dreg:$0x2]  }
0x325: {  	s0 =	sadd.s32 @!p0 $0x100000, s0  }
0x326: {  	[sflag:s0] =	ssyncadd.tile.s32 @!p0 $0x1;
	_ =	shalt  }
.Lfunc_end2:
_tile_overlayer_lowered:
.L_overlay_start_2:
0x327: {  	(tag) =	ssettag $0x2  }
0x328: {  	s0 =	rddreg [dreg:$0x0];
	s2 =	stileid.u32  }
0x329: {  	s1 =	rddreg [dreg:$0x1];
	p0 =	sne.s32 s2, $0x0  }
0x32a: {  	s3 =	rddreg [dreg:$0x2];
	[bflag:$0x3] =	sbarrier.arrive $0xFFFF;
	s2 =	simm.s32 @!p0 $0x1C05  }
0x32b: {  	[timem:s3], [sflag:s2] =	dma.local @!p0 [hbm:s0], s1  }
0x32c: {  	s0 =	simm.s32 @!p0 $0x5  }
0x32d: {  	_ =	swait.ge @!p0 [sflag:s0], s1  }
0x32e: {  	s1 =	ssub.s32 @!p0 $0x0, s1;
	[sflag:s0] =	ssyncset.done @!p0 $0x0  }
0x32f: {  	[sflag:s0] =	ssyncadd.s32 @!p0 s1  }
0x330: {  	[bflag:$0x3] =	sbarrier.arrive $0xFFFF  }
0x331: {  	_ =	shalt  }

</sc_bundles>
